<compile_context>
chip_gen: v7x
topology: tpu7x:2x2x1
jax: 0.10.2.dev20260603
libtpu: 0.0.44.dev20260713+nightly
codegen_flags: <defaults>
</compile_context>

<pallas_src>
import jax
import jax.numpy as jnp
from jax.experimental import pallas as pl
from jax.experimental.pallas import tpu as pltpu
from jax.experimental.pallas import tpu_sc as plsc


_VOCAB_BLOCK = 5120
_LANE = 128
_PER_TEC = 32
_NBUF = 8


def _sc_gather_tiles(table_t, idx2d):
    dim, _ = table_t.shape
    batch = idx2d.shape[1]
    mesh = plsc.VectorSubcoreMesh(core_axis_name="core", subcore_axis_name="subcore")

    @pl.kernel(
        out_type=jax.ShapeDtypeStruct((batch, _LANE), table_t.dtype),
        mesh=mesh,
        compiler_params=pltpu.CompilerParams(needs_layout_passes=False),
        scratch_types=[
            pltpu.VMEM((1, _LANE), jnp.int32),
            [pltpu.VMEM((dim, _LANE), jnp.float32) for _ in range(_NBUF)],
            pltpu.VMEM((_PER_TEC, _LANE), jnp.float32),
            pltpu.SemaphoreType.DMA,
            [pltpu.SemaphoreType.DMA for _ in range(_NBUF)],
            pltpu.SemaphoreType.DMA,
        ],
    )
    def gather_kernel(
        tbl_hbm, i_hbm, o_hbm, idxv, bufs, outb, semi, sems, semo
    ):
        core = jax.lax.axis_index("core")
        sub = jax.lax.axis_index("subcore")
        w = sub * 2 + core
        i0 = w * _PER_TEC
        chunk = w // 4
        off = (w % 4) * _PER_TEC

        pltpu.async_copy(
            i_hbm.at[:, pl.ds(chunk * _LANE, _LANE)], idxv, semi
        ).wait()

        vecs = [idxv[0, pl.ds(off + 16 * g, 16)] for g in range(_PER_TEC // 16)]
        idxs = [v[k] for v in vecs for k in range(16)]

        def start(j, buf, sem):
            t = idxs[j] >> 7
            pltpu.async_copy(
                tbl_hbm.at[:, pl.ds(pl.multiple_of(t * _LANE, _LANE), _LANE)],
                buf,
                sem,
            )

        def finish(j, buf, sem):
            pltpu.make_async_copy(
                tbl_hbm.at[:, pl.ds(0, _LANE)], buf, sem
            ).wait()
            r = idxs[j] & (_LANE - 1)
            cols = jnp.full((16,), r, jnp.int32)
            for c in range(0, dim, 16):
                rows = jax.lax.iota(jnp.int32, 16) + c
                outb[j, pl.ds(c, 16)] = plsc.load_gather(buf, [rows, cols])

        for j in range(_NBUF):
            start(j, bufs[j], sems[j])
        for j in range(_PER_TEC):
            finish(j, bufs[j % _NBUF], sems[j % _NBUF])
            if j + _NBUF < _PER_TEC:
                start(j + _NBUF, bufs[j % _NBUF], sems[j % _NBUF])

        pltpu.async_copy(outb, o_hbm.at[pl.ds(i0, _PER_TEC), :], semo).wait()

    return gather_kernel(table_t, idx2d)


def _tc_projection_t(h_wide, wt, brow):
    batch, wide = h_wide.shape
    dim = wt.shape[0]
    vocab = wt.shape[1]
    grid = pl.cdiv(vocab, _VOCAB_BLOCK)

    def body(h_ref, w_ref, b_ref, o_ref, hx, wx):
        hx[:, 0:dim] = h_ref[:, 0:dim]
        hx[:, dim : dim + 1] = jnp.ones((batch, 1), jnp.float32)
        wx[0:dim, :] = w_ref[...]
        wx[dim : dim + 1, :] = b_ref[...]
        o_ref[...] = jax.lax.dot_general(
            wx[...],
            hx[...],
            (((0,), (1,)), ((), ())),
            preferred_element_type=jnp.float32,
        )

    return pl.pallas_call(
        body,
        grid=(grid,),
        in_specs=[
            pl.BlockSpec((batch, wide), lambda i: (0, 0)),
            pl.BlockSpec((dim, _VOCAB_BLOCK), lambda i: (0, i)),
            pl.BlockSpec((1, _VOCAB_BLOCK), lambda i: (0, i)),
        ],
        out_specs=pl.BlockSpec((_VOCAB_BLOCK, batch), lambda i: (i, 0)),
        out_shape=jax.ShapeDtypeStruct((vocab, batch), jnp.float32),
        compiler_params=pltpu.CompilerParams(
            dimension_semantics=("parallel",),
            vmem_limit_bytes=128 * 1024 * 1024,
        ),
        scratch_shapes=[
            pltpu.VMEM((batch, dim + 1), jnp.float32),
            pltpu.VMEM((dim + 1, _VOCAB_BLOCK), jnp.float32),
        ],
    )(h_wide, wt, brow)


def kernel(x, emb_table, W_out, b_out):
    h_wide = _sc_gather_tiles(emb_table.T, x.reshape(1, -1))
    out_t = _tc_projection_t(h_wide, W_out.T, b_out.reshape(1, -1))
    return out_t.T

# --- scband reference (transcript-rebuilt; emitter-appended) ---
"""Pipeline reference for scband-skip-gram-48120813584671 (READ-ONLY COPY).

The authoritative reference and input builder live on the scoring server;
editing this copy changes nothing except your own understanding.
"""

import jax, jax.numpy as jnp
import numpy as np

VOCAB = 100000
EMBED_DIM = 64
BATCH = 1024

def setup_inputs(seed: int = 0) -> dict:
    key = jax.random.key(seed)
    k1, k2, k3, k4 = jax.random.split(key, 4)
    x = jax.random.randint(k1, (BATCH,), 0, VOCAB, dtype=jnp.int64 if jax.config.jax_enable_x64 else jnp.int32).astype(jnp.int32)
    emb_table = jax.random.normal(k2, (VOCAB, EMBED_DIM), dtype=jnp.float32)
    W_out = jax.random.normal(k3, (VOCAB, EMBED_DIM), dtype=jnp.float32) * (1.0 / np.sqrt(EMBED_DIM))
    b_out = jax.random.normal(k4, (VOCAB,), dtype=jnp.float32) * 0.01
    return {"x": x, "emb_table": emb_table, "W_out": W_out, "b_out": b_out}

def reference(x, emb_table, W_out, b_out):
    # embedding lookup (gather)
    h = jnp.take(emb_table, x, axis=0)  # [B, D]
    # output projection: nn.Linear(embedding_dim, vocab_size)
    logits = h @ W_out.T + b_out  # [B, V]
    return logits

if __name__ == "__main__":
    import jax
    _d = setup_inputs()
    print(jax.jit(kernel)(*tuple(_d.values())))

</pallas_src>

<mosaic_0001>
#map = affine_map<(d0, d1) -> (0, 0)>
module attributes {stable_mosaic.version = 14 : i64} {
  func.func @gather_kernel(%arg0: i32, %arg1: i32, %arg2: memref<64x100000xf32, #tpu.memory_space<hbm>>, %arg3: memref<1x1024xi32, #tpu.memory_space<hbm>>, %arg4: memref<1024x128xf32, #tpu.memory_space<hbm>>, %arg5: memref<1x128xi32, #tpu.memory_space<vmem>>, %arg6: memref<64x128xf32, #tpu.memory_space<vmem>>, %arg7: memref<64x128xf32, #tpu.memory_space<vmem>>, %arg8: memref<64x128xf32, #tpu.memory_space<vmem>>, %arg9: memref<64x128xf32, #tpu.memory_space<vmem>>, %arg10: memref<64x128xf32, #tpu.memory_space<vmem>>, %arg11: memref<64x128xf32, #tpu.memory_space<vmem>>, %arg12: memref<64x128xf32, #tpu.memory_space<vmem>>, %arg13: memref<64x128xf32, #tpu.memory_space<vmem>>, %arg14: memref<32x128xf32, #tpu.memory_space<vmem>>, %arg15: memref<!tpu.dma_semaphore, #tpu.memory_space<semaphore_mem>>, %arg16: memref<!tpu.dma_semaphore, #tpu.memory_space<semaphore_mem>>, %arg17: memref<!tpu.dma_semaphore, #tpu.memory_space<semaphore_mem>>, %arg18: memref<!tpu.dma_semaphore, #tpu.memory_space<semaphore_mem>>, %arg19: memref<!tpu.dma_semaphore, #tpu.memory_space<semaphore_mem>>, %arg20: memref<!tpu.dma_semaphore, #tpu.memory_space<semaphore_mem>>, %arg21: memref<!tpu.dma_semaphore, #tpu.memory_space<semaphore_mem>>, %arg22: memref<!tpu.dma_semaphore, #tpu.memory_space<semaphore_mem>>, %arg23: memref<!tpu.dma_semaphore, #tpu.memory_space<semaphore_mem>>, %arg24: memref<!tpu.dma_semaphore, #tpu.memory_space<semaphore_mem>>) attributes {dimension_semantics = [#tpu.dimension_semantics<core_parallel>, #tpu.dimension_semantics<subcore_parallel>], iteration_bounds = array<i64: 2, 16>, scalar_prefetch = 0 : i64, scratch_operands = 20 : i64, tpu.core_type = #tpu.core_type<sc_vector_subcore>, window_params = [{transform_indices = #map}, {transform_indices = #map}, {transform_indices = #map}]} {
    %mul3A = arith.constant 2 : i32
    %mul3A_0 = arith.muli %arg1, %mul3A : i32
    %add3A = arith.addi %mul3A_0, %arg0 : i32
    %mul3A_1 = arith.constant 32 : i32
    %mul3A_2 = arith.muli %add3A, %mul3A_1 : i32
    %jit3A = arith.constant 4 : i32
    %div3A = arith.divsi %add3A, %jit3A : i32
    %sign3A = arith.constant 0 : i32
    %sign3A_3 = arith.cmpi sgt, %add3A, %sign3A : i32
    %sign3A_4 = arith.extui %sign3A_3 : i1 to i32
    %sign3A_5 = arith.constant 0 : i32
    %sign3A_6 = arith.cmpi slt, %add3A, %sign3A_5 : i32
    %sign3A_7 = arith.extui %sign3A_6 : i1 to i32
    %sign3A_8 = arith.subi %sign3A_4, %sign3A_7 : i32
    %sign3A_9 = arith.constant 0 : i32
    %sign3A_10 = arith.cmpi sgt, %jit3A, %sign3A_9 : i32
    %sign3A_11 = arith.extui %sign3A_10 : i1 to i32
    %sign3A_12 = arith.constant 0 : i32
    %sign3A_13 = arith.cmpi slt, %jit3A, %sign3A_12 : i32
    %sign3A_14 = arith.extui %sign3A_13 : i1 to i32
    %sign3A_15 = arith.subi %sign3A_11, %sign3A_14 : i32
    %ne3A = arith.cmpi ne, %sign3A_8, %sign3A_15 : i32
    %rem3A = arith.remsi %add3A, %jit3A : i32
    %ne3A_16 = arith.constant 0 : i32
    %ne3A_17 = arith.cmpi ne, %rem3A, %ne3A_16 : i32
    %and3A = arith.andi %ne3A, %ne3A_17 : i1
    %sub3A = arith.constant 1 : i32
    %sub3A_18 = arith.subi %div3A, %sub3A : i32
    %select_n3A = arith.select %and3A, %sub3A_18, %div3A : i32
    %jit3A_19 = arith.constant 4 : i32
    %eq3A = arith.constant 0 : i32
    %eq3A_20 = arith.cmpi eq, %jit3A_19, %eq3A : i32
    %jit3A_21 = arith.constant 1 : i32
    %select_n3A_22 = arith.select %eq3A_20, %jit3A_21, %jit3A_19 : i32
    %rem3A_23 = arith.remsi %add3A, %select_n3A_22 : i32
    %ne3A_24 = arith.constant 0 : i32
    %ne3A_25 = arith.cmpi ne, %rem3A_23, %ne3A_24 : i32
    %lt3A = arith.constant 0 : i32
    %lt3A_26 = arith.cmpi slt, %rem3A_23, %lt3A : i32
    %lt3A_27 = arith.constant 0 : i32
    %lt3A_28 = arith.cmpi slt, %select_n3A_22, %lt3A_27 : i32
    %ne3A_29 = arith.xori %lt3A_26, %lt3A_28 : i1
    %and3A_30 = arith.andi %ne3A_29, %ne3A_25 : i1
    %add3A_31 = arith.addi %rem3A_23, %select_n3A_22 : i32
    %select_n3A_32 = arith.select %and3A_30, %add3A_31, %rem3A_23 : i32
    %mul3A_33 = arith.constant 32 : i32
    %mul3A_34 = arith.muli %select_n3A_32, %mul3A_33 : i32
    %mul3A_35 = arith.constant 128 : i32
    %mul3A_36 = arith.muli %select_n3A, %mul3A_35 : i32
    %dma_start3A = arith.constant 0 : i32
    %dma_start3A_37 = tpu.memref_slice %arg3[%dma_start3A, %mul3A_36] : memref<1x1024xi32, #tpu.memory_space<hbm>> -> memref<1x128xi32, #tpu.memory_space<hbm>>
    %dma_start3A_38 = arith.constant 0 : i32
    %dma_start3A_39 = tpu.memref_slice %arg3[%dma_start3A_38, %mul3A_36] : memref<1x1024xi32, #tpu.memory_space<hbm>> -> memref<1x128xi32, #tpu.memory_space<hbm>>
    tpu.enqueue_dma source(%dma_start3A_39 : memref<1x128xi32, #tpu.memory_space<hbm>>) target(%arg5 : memref<1x128xi32, #tpu.memory_space<vmem>>) target_semaphore(%arg15 : memref<!tpu.dma_semaphore, #tpu.memory_space<semaphore_mem>>)
    %dma_wait3A = arith.constant 0 : i32
    %dma_wait3A_40 = tpu.memref_slice %arg3[%dma_wait3A, %mul3A_36] : memref<1x1024xi32, #tpu.memory_space<hbm>> -> memref<1x128xi32, #tpu.memory_space<hbm>>
    %dma_wait3A_41 = arith.constant 0 : i32
    %dma_wait3A_42 = tpu.memref_slice %arg3[%dma_wait3A_41, %mul3A_36] : memref<1x1024xi32, #tpu.memory_space<hbm>> -> memref<1x128xi32, #tpu.memory_space<hbm>>
    tpu.wait_dma2 semaphore(%arg15 : memref<!tpu.dma_semaphore, #tpu.memory_space<semaphore_mem>>) src(%dma_wait3A_42 : memref<1x128xi32, #tpu.memory_space<hbm>>) dst(%arg5 : memref<1x128xi32, #tpu.memory_space<vmem>>)
    %add3A_43 = arith.constant 0 : i32
    %add3A_44 = arith.addi %mul3A_34, %add3A_43 : i32
    %get3A = arith.constant 0 : i32
    %get3A_45 = arith.index_cast %get3A : i32 to index
    %get3A_46 = arith.index_cast %add3A_44 : i32 to index
    %get3A_47 = tpu.vector_load %arg5[%get3A_45, %get3A_46] {strides = array<i32>} : memref<1x128xi32, #tpu.memory_space<vmem>>, vector<16xi32>,
    %add3A_48 = arith.constant 16 : i32
    %add3A_49 = arith.addi %mul3A_34, %add3A_48 : i32
    %get3A_50 = arith.constant 0 : i32
    %get3A_51 = arith.index_cast %get3A_50 : i32 to index
    %get3A_52 = arith.index_cast %add3A_49 : i32 to index
    %get3A_53 = tpu.vector_load %arg5[%get3A_51, %get3A_52] {strides = array<i32>} : memref<1x128xi32, #tpu.memory_space<vmem>>, vector<16xi32>,
    %slice3A = vector.extract_strided_slice %get3A_47 {offsets = [0], sizes = [1], strides = [1]} : vector<16xi32> to vector<1xi32>
    %squeeze3A = vector.extract %slice3A[0] : i32 from vector<1xi32>
    %slice3A_54 = vector.extract_strided_slice %get3A_47 {offsets = [1], sizes = [1], strides = [1]} : vector<16xi32> to vector<1xi32>
    %squeeze3A_55 = vector.extract %slice3A_54[0] : i32 from vector<1xi32>
    %slice3A_56 = vector.extract_strided_slice %get3A_47 {offsets = [2], sizes = [1], strides = [1]} : vector<16xi32> to vector<1xi32>
    %squeeze3A_57 = vector.extract %slice3A_56[0] : i32 from vector<1xi32>
    %slice3A_58 = vector.extract_strided_slice %get3A_47 {offsets = [3], sizes = [1], strides = [1]} : vector<16xi32> to vector<1xi32>
    %squeeze3A_59 = vector.extract %slice3A_58[0] : i32 from vector<1xi32>
    %slice3A_60 = vector.extract_strided_slice %get3A_47 {offsets = [4], sizes = [1], strides = [1]} : vector<16xi32> to vector<1xi32>
    %squeeze3A_61 = vector.extract %slice3A_60[0] : i32 from vector<1xi32>
    %slice3A_62 = vector.extract_strided_slice %get3A_47 {offsets = [5], sizes = [1], strides = [1]} : vector<16xi32> to vector<1xi32>
    %squeeze3A_63 = vector.extract %slice3A_62[0] : i32 from vector<1xi32>
    %slice3A_64 = vector.extract_strided_slice %get3A_47 {offsets = [6], sizes = [1], strides = [1]} : vector<16xi32> to vector<1xi32>
    %squeeze3A_65 = vector.extract %slice3A_64[0] : i32 from vector<1xi32>
    %slice3A_66 = vector.extract_strided_slice %get3A_47 {offsets = [7], sizes = [1], strides = [1]} : vector<16xi32> to vector<1xi32>
    %squeeze3A_67 = vector.extract %slice3A_66[0] : i32 from vector<1xi32>
    %slice3A_68 = vector.extract_strided_slice %get3A_47 {offsets = [8], sizes = [1], strides = [1]} : vector<16xi32> to vector<1xi32>
    %squeeze3A_69 = vector.extract %slice3A_68[0] : i32 from vector<1xi32>
    %slice3A_70 = vector.extract_strided_slice %get3A_47 {offsets = [9], sizes = [1], strides = [1]} : vector<16xi32> to vector<1xi32>
    %squeeze3A_71 = vector.extract %slice3A_70[0] : i32 from vector<1xi32>
    %slice3A_72 = vector.extract_strided_slice %get3A_47 {offsets = [10], sizes = [1], strides = [1]} : vector<16xi32> to vector<1xi32>
    %squeeze3A_73 = vector.extract %slice3A_72[0] : i32 from vector<1xi32>
    %slice3A_74 = vector.extract_strided_slice %get3A_47 {offsets = [11], sizes = [1], strides = [1]} : vector<16xi32> to vector<1xi32>
    %squeeze3A_75 = vector.extract %slice3A_74[0] : i32 from vector<1xi32>
    %slice3A_76 = vector.extract_strided_slice %get3A_47 {offsets = [12], sizes = [1], strides = [1]} : vector<16xi32> to vector<1xi32>
    %squeeze3A_77 = vector.extract %slice3A_76[0] : i32 from vector<1xi32>
    %slice3A_78 = vector.extract_strided_slice %get3A_47 {offsets = [13], sizes = [1], strides = [1]} : vector<16xi32> to vector<1xi32>
    %squeeze3A_79 = vector.extract %slice3A_78[0] : i32 from vector<1xi32>
    %slice3A_80 = vector.extract_strided_slice %get3A_47 {offsets = [14], sizes = [1], strides = [1]} : vector<16xi32> to vector<1xi32>
    %squeeze3A_81 = vector.extract %slice3A_80[0] : i32 from vector<1xi32>
    %slice3A_82 = vector.extract_strided_slice %get3A_47 {offsets = [15], sizes = [1], strides = [1]} : vector<16xi32> to vector<1xi32>
    %squeeze3A_83 = vector.extract %slice3A_82[0] : i32 from vector<1xi32>
    %slice3A_84 = vector.extract_strided_slice %get3A_53 {offsets = [0], sizes = [1], strides = [1]} : vector<16xi32> to vector<1xi32>
    %squeeze3A_85 = vector.extract %slice3A_84[0] : i32 from vector<1xi32>
    %slice3A_86 = vector.extract_strided_slice %get3A_53 {offsets = [1], sizes = [1], strides = [1]} : vector<16xi32> to vector<1xi32>
    %squeeze3A_87 = vector.extract %slice3A_86[0] : i32 from vector<1xi32>
    %slice3A_88 = vector.extract_strided_slice %get3A_53 {offsets = [2], sizes = [1], strides = [1]} : vector<16xi32> to vector<1xi32>
    %squeeze3A_89 = vector.extract %slice3A_88[0] : i32 from vector<1xi32>
    %slice3A_90 = vector.extract_strided_slice %get3A_53 {offsets = [3], sizes = [1], strides = [1]} : vector<16xi32> to vector<1xi32>
    %squeeze3A_91 = vector.extract %slice3A_90[0] : i32 from vector<1xi32>
    %slice3A_92 = vector.extract_strided_slice %get3A_53 {offsets = [4], sizes = [1], strides = [1]} : vector<16xi32> to vector<1xi32>
    %squeeze3A_93 = vector.extract %slice3A_92[0] : i32 from vector<1xi32>
    %slice3A_94 = vector.extract_strided_slice %get3A_53 {offsets = [5], sizes = [1], strides = [1]} : vector<16xi32> to vector<1xi32>
    %squeeze3A_95 = vector.extract %slice3A_94[0] : i32 from vector<1xi32>
    %slice3A_96 = vector.extract_strided_slice %get3A_53 {offsets = [6], sizes = [1], strides = [1]} : vector<16xi32> to vector<1xi32>
    %squeeze3A_97 = vector.extract %slice3A_96[0] : i32 from vector<1xi32>
    %slice3A_98 = vector.extract_strided_slice %get3A_53 {offsets = [7], sizes = [1], strides = [1]} : vector<16xi32> to vector<1xi32>
    %squeeze3A_99 = vector.extract %slice3A_98[0] : i32 from vector<1xi32>
    %slice3A_100 = vector.extract_strided_slice %get3A_53 {offsets = [8], sizes = [1], strides = [1]} : vector<16xi32> to vector<1xi32>
    %squeeze3A_101 = vector.extract %slice3A_100[0] : i32 from vector<1xi32>
    %slice3A_102 = vector.extract_strided_slice %get3A_53 {offsets = [9], sizes = [1], strides = [1]} : vector<16xi32> to vector<1xi32>
    %squeeze3A_103 = vector.extract %slice3A_102[0] : i32 from vector<1xi32>
    %slice3A_104 = vector.extract_strided_slice %get3A_53 {offsets = [10], sizes = [1], strides = [1]} : vector<16xi32> to vector<1xi32>
    %squeeze3A_105 = vector.extract %slice3A_104[0] : i32 from vector<1xi32>
    %slice3A_106 = vector.extract_strided_slice %get3A_53 {offsets = [11], sizes = [1], strides = [1]} : vector<16xi32> to vector<1xi32>
    %squeeze3A_107 = vector.extract %slice3A_106[0] : i32 from vector<1xi32>
    %slice3A_108 = vector.extract_strided_slice %get3A_53 {offsets = [12], sizes = [1], strides = [1]} : vector<16xi32> to vector<1xi32>
    %squeeze3A_109 = vector.extract %slice3A_108[0] : i32 from vector<1xi32>
    %slice3A_110 = vector.extract_strided_slice %get3A_53 {offsets = [13], sizes = [1], strides = [1]} : vector<16xi32> to vector<1xi32>
    %squeeze3A_111 = vector.extract %slice3A_110[0] : i32 from vector<1xi32>
    %slice3A_112 = vector.extract_strided_slice %get3A_53 {offsets = [14], sizes = [1], strides = [1]} : vector<16xi32> to vector<1xi32>
    %squeeze3A_113 = vector.extract %slice3A_112[0] : i32 from vector<1xi32>
    %slice3A_114 = vector.extract_strided_slice %get3A_53 {offsets = [15], sizes = [1], strides = [1]} : vector<16xi32> to vector<1xi32>
    %squeeze3A_115 = vector.extract %slice3A_114[0] : i32 from vector<1xi32>
    %shift_right_arithmetic3A = arith.constant 7 : i32
    %shift_right_arithmetic3A_116 = arith.shrsi %squeeze3A, %shift_right_arithmetic3A : i32
    %mul3A_117 = arith.constant 128 : i32
    %mul3A_118 = arith.muli %shift_right_arithmetic3A_116, %mul3A_117 : i32
    %multiple_of3A = tpu.assume_multiple %mul3A_118, 128 : i32
    %dma_start3A_119 = arith.constant 0 : i32
    %dma_start3A_120 = tpu.memref_slice %arg2[%dma_start3A_119, %multiple_of3A] : memref<64x100000xf32, #tpu.memory_space<hbm>> -> memref<64x128xf32, #tpu.memory_space<hbm>>
    %dma_start3A_121 = arith.constant 0 : i32
    %dma_start3A_122 = tpu.memref_slice %arg2[%dma_start3A_121, %multiple_of3A] : memref<64x100000xf32, #tpu.memory_space<hbm>> -> memref<64x128xf32, #tpu.memory_space<hbm>>
    tpu.enqueue_dma source(%dma_start3A_122 : memref<64x128xf32, #tpu.memory_space<hbm>>) target(%arg6 : memref<64x128xf32, #tpu.memory_space<vmem>>) target_semaphore(%arg16 : memref<!tpu.dma_semaphore, #tpu.memory_space<semaphore_mem>>)
    %shift_right_arithmetic3A_123 = arith.constant 7 : i32
    %shift_right_arithmetic3A_124 = arith.shrsi %squeeze3A_55, %shift_right_arithmetic3A_123 : i32
    %mul3A_125 = arith.constant 128 : i32
    %mul3A_126 = arith.muli %shift_right_arithmetic3A_124, %mul3A_125 : i32
    %multiple_of3A_127 = tpu.assume_multiple %mul3A_126, 128 : i32
    %dma_start3A_128 = arith.constant 0 : i32
    %dma_start3A_129 = tpu.memref_slice %arg2[%dma_start3A_128, %multiple_of3A_127] : memref<64x100000xf32, #tpu.memory_space<hbm>> -> memref<64x128xf32, #tpu.memory_space<hbm>>
    %dma_start3A_130 = arith.constant 0 : i32
    %dma_start3A_131 = tpu.memref_slice %arg2[%dma_start3A_130, %multiple_of3A_127] : memref<64x100000xf32, #tpu.memory_space<hbm>> -> memref<64x128xf32, #tpu.memory_space<hbm>>
    tpu.enqueue_dma source(%dma_start3A_131 : memref<64x128xf32, #tpu.memory_space<hbm>>) target(%arg7 : memref<64x128xf32, #tpu.memory_space<vmem>>) target_semaphore(%arg17 : memref<!tpu.dma_semaphore, #tpu.memory_space<semaphore_mem>>)
    %shift_right_arithmetic3A_132 = arith.constant 7 : i32
    %shift_right_arithmetic3A_133 = arith.shrsi %squeeze3A_57, %shift_right_arithmetic3A_132 : i32
    %mul3A_134 = arith.constant 128 : i32
    %mul3A_135 = arith.muli %shift_right_arithmetic3A_133, %mul3A_134 : i32
    %multiple_of3A_136 = tpu.assume_multiple %mul3A_135, 128 : i32
    %dma_start3A_137 = arith.constant 0 : i32
    %dma_start3A_138 = tpu.memref_slice %arg2[%dma_start3A_137, %multiple_of3A_136] : memref<64x100000xf32, #tpu.memory_space<hbm>> -> memref<64x128xf32, #tpu.memory_space<hbm>>
    %dma_start3A_139 = arith.constant 0 : i32
    %dma_start3A_140 = tpu.memref_slice %arg2[%dma_start3A_139, %multiple_of3A_136] : memref<64x100000xf32, #tpu.memory_space<hbm>> -> memref<64x128xf32, #tpu.memory_space<hbm>>
    tpu.enqueue_dma source(%dma_start3A_140 : memref<64x128xf32, #tpu.memory_space<hbm>>) target(%arg8 : memref<64x128xf32, #tpu.memory_space<vmem>>) target_semaphore(%arg18 : memref<!tpu.dma_semaphore, #tpu.memory_space<semaphore_mem>>)
    %shift_right_arithmetic3A_141 = arith.constant 7 : i32
    %shift_right_arithmetic3A_142 = arith.shrsi %squeeze3A_59, %shift_right_arithmetic3A_141 : i32
    %mul3A_143 = arith.constant 128 : i32
    %mul3A_144 = arith.muli %shift_right_arithmetic3A_142, %mul3A_143 : i32
    %multiple_of3A_145 = tpu.assume_multiple %mul3A_144, 128 : i32
    %dma_start3A_146 = arith.constant 0 : i32
    %dma_start3A_147 = tpu.memref_slice %arg2[%dma_start3A_146, %multiple_of3A_145] : memref<64x100000xf32, #tpu.memory_space<hbm>> -> memref<64x128xf32, #tpu.memory_space<hbm>>
    %dma_start3A_148 = arith.constant 0 : i32
    %dma_start3A_149 = tpu.memref_slice %arg2[%dma_start3A_148, %multiple_of3A_145] : memref<64x100000xf32, #tpu.memory_space<hbm>> -> memref<64x128xf32, #tpu.memory_space<hbm>>
    tpu.enqueue_dma source(%dma_start3A_149 : memref<64x128xf32, #tpu.memory_space<hbm>>) target(%arg9 : memref<64x128xf32, #tpu.memory_space<vmem>>) target_semaphore(%arg19 : memref<!tpu.dma_semaphore, #tpu.memory_space<semaphore_mem>>)
    %shift_right_arithmetic3A_150 = arith.constant 7 : i32
    %shift_right_arithmetic3A_151 = arith.shrsi %squeeze3A_61, %shift_right_arithmetic3A_150 : i32
    %mul3A_152 = arith.constant 128 : i32
    %mul3A_153 = arith.muli %shift_right_arithmetic3A_151, %mul3A_152 : i32
    %multiple_of3A_154 = tpu.assume_multiple %mul3A_153, 128 : i32
    %dma_start3A_155 = arith.constant 0 : i32
    %dma_start3A_156 = tpu.memref_slice %arg2[%dma_start3A_155, %multiple_of3A_154] : memref<64x100000xf32, #tpu.memory_space<hbm>> -> memref<64x128xf32, #tpu.memory_space<hbm>>
    %dma_start3A_157 = arith.constant 0 : i32
    %dma_start3A_158 = tpu.memref_slice %arg2[%dma_start3A_157, %multiple_of3A_154] : memref<64x100000xf32, #tpu.memory_space<hbm>> -> memref<64x128xf32, #tpu.memory_space<hbm>>
    tpu.enqueue_dma source(%dma_start3A_158 : memref<64x128xf32, #tpu.memory_space<hbm>>) target(%arg10 : memref<64x128xf32, #tpu.memory_space<vmem>>) target_semaphore(%arg20 : memref<!tpu.dma_semaphore, #tpu.memory_space<semaphore_mem>>)
    %shift_right_arithmetic3A_159 = arith.constant 7 : i32
    %shift_right_arithmetic3A_160 = arith.shrsi %squeeze3A_63, %shift_right_arithmetic3A_159 : i32
    %mul3A_161 = arith.constant 128 : i32
    %mul3A_162 = arith.muli %shift_right_arithmetic3A_160, %mul3A_161 : i32
    %multiple_of3A_163 = tpu.assume_multiple %mul3A_162, 128 : i32
    %dma_start3A_164 = arith.constant 0 : i32
    %dma_start3A_165 = tpu.memref_slice %arg2[%dma_start3A_164, %multiple_of3A_163] : memref<64x100000xf32, #tpu.memory_space<hbm>> -> memref<64x128xf32, #tpu.memory_space<hbm>>
    %dma_start3A_166 = arith.constant 0 : i32
    %dma_start3A_167 = tpu.memref_slice %arg2[%dma_start3A_166, %multiple_of3A_163] : memref<64x100000xf32, #tpu.memory_space<hbm>> -> memref<64x128xf32, #tpu.memory_space<hbm>>
    tpu.enqueue_dma source(%dma_start3A_167 : memref<64x128xf32, #tpu.memory_space<hbm>>) target(%arg11 : memref<64x128xf32, #tpu.memory_space<vmem>>) target_semaphore(%arg21 : memref<!tpu.dma_semaphore, #tpu.memory_space<semaphore_mem>>)
    %shift_right_arithmetic3A_168 = arith.constant 7 : i32
    %shift_right_arithmetic3A_169 = arith.shrsi %squeeze3A_65, %shift_right_arithmetic3A_168 : i32
    %mul3A_170 = arith.constant 128 : i32
    %mul3A_171 = arith.muli %shift_right_arithmetic3A_169, %mul3A_170 : i32
    %multiple_of3A_172 = tpu.assume_multiple %mul3A_171, 128 : i32
    %dma_start3A_173 = arith.constant 0 : i32
    %dma_start3A_174 = tpu.memref_slice %arg2[%dma_start3A_173, %multiple_of3A_172] : memref<64x100000xf32, #tpu.memory_space<hbm>> -> memref<64x128xf32, #tpu.memory_space<hbm>>
    %dma_start3A_175 = arith.constant 0 : i32
    %dma_start3A_176 = tpu.memref_slice %arg2[%dma_start3A_175, %multiple_of3A_172] : memref<64x100000xf32, #tpu.memory_space<hbm>> -> memref<64x128xf32, #tpu.memory_space<hbm>>
    tpu.enqueue_dma source(%dma_start3A_176 : memref<64x128xf32, #tpu.memory_space<hbm>>) target(%arg12 : memref<64x128xf32, #tpu.memory_space<vmem>>) target_semaphore(%arg22 : memref<!tpu.dma_semaphore, #tpu.memory_space<semaphore_mem>>)
    %shift_right_arithmetic3A_177 = arith.constant 7 : i32
    %shift_right_arithmetic3A_178 = arith.shrsi %squeeze3A_67, %shift_right_arithmetic3A_177 : i32
    %mul3A_179 = arith.constant 128 : i32
    %mul3A_180 = arith.muli %shift_right_arithmetic3A_178, %mul3A_179 : i32
    %multiple_of3A_181 = tpu.assume_multiple %mul3A_180, 128 : i32
    %dma_start3A_182 = arith.constant 0 : i32
    %dma_start3A_183 = tpu.memref_slice %arg2[%dma_start3A_182, %multiple_of3A_181] : memref<64x100000xf32, #tpu.memory_space<hbm>> -> memref<64x128xf32, #tpu.memory_space<hbm>>
    %dma_start3A_184 = arith.constant 0 : i32
    %dma_start3A_185 = tpu.memref_slice %arg2[%dma_start3A_184, %multiple_of3A_181] : memref<64x100000xf32, #tpu.memory_space<hbm>> -> memref<64x128xf32, #tpu.memory_space<hbm>>
    tpu.enqueue_dma source(%dma_start3A_185 : memref<64x128xf32, #tpu.memory_space<hbm>>) target(%arg13 : memref<64x128xf32, #tpu.memory_space<vmem>>) target_semaphore(%arg23 : memref<!tpu.dma_semaphore, #tpu.memory_space<semaphore_mem>>)
    %dma_wait3A_186 = arith.constant 0 : i32
    %dma_wait3A_187 = arith.constant 0 : i32
    %dma_wait3A_188 = tpu.memref_slice %arg2[%dma_wait3A_186, %dma_wait3A_187] : memref<64x100000xf32, #tpu.memory_space<hbm>> -> memref<64x128xf32, #tpu.memory_space<hbm>>
    %dma_wait3A_189 = arith.constant 0 : i32
    %dma_wait3A_190 = arith.constant 0 : i32
    %dma_wait3A_191 = tpu.memref_slice %arg2[%dma_wait3A_189, %dma_wait3A_190] : memref<64x100000xf32, #tpu.memory_space<hbm>> -> memref<64x128xf32, #tpu.memory_space<hbm>>
    tpu.wait_dma2 semaphore(%arg16 : memref<!tpu.dma_semaphore, #tpu.memory_space<semaphore_mem>>) src(%dma_wait3A_191 : memref<64x128xf32, #tpu.memory_space<hbm>>) dst(%arg6 : memref<64x128xf32, #tpu.memory_space<vmem>>)
    %and3A_192 = arith.constant 127 : i32
    %and3A_193 = arith.andi %squeeze3A, %and3A_192 : i32
    %broadcast_in_dim3A = vector.broadcast %and3A_193 : i32 to vector<16xi32>
    %iota3A = tpu.iota {dimensions = array<i32: 0>} : vector<16xi32>
    %add3A_194 = arith.constant 0 : i32
    %add3A_195 = vector.broadcast %add3A_194 : i32 to vector<16xi32>
    %add3A_196 = arith.addi %iota3A, %add3A_195 : vector<16xi32>
    %gather3A = tpu.vector_load_idx %arg6[%add3A_196, %broadcast_in_dim3A] : memref<64x128xf32, #tpu.memory_space<vmem>>[vector<16xi32>, vector<16xi32>], vector<16xf32>,
    %swap3A = arith.constant 0 : i32
    %swap3A_197 = arith.index_cast %swap3A : i32 to index
    %swap3A_198 = arith.constant 0 : index
    %swap3A_199 = tpu.vector_load %arg14[%swap3A_197, %swap3A_198] {strides = array<i32>} : memref<32x128xf32, #tpu.memory_space<vmem>>, vector<16xf32>,
    tpu.vector_store %arg14[%swap3A_197, %swap3A_198], %gather3A {strides = array<i32>} : memref<32x128xf32, #tpu.memory_space<vmem>>, vector<16xf32>,
    %iota3A_200 = tpu.iota {dimensions = array<i32: 0>} : vector<16xi32>
    %add3A_201 = arith.constant 16 : i32
    %add3A_202 = vector.broadcast %add3A_201 : i32 to vector<16xi32>
    %add3A_203 = arith.addi %iota3A_200, %add3A_202 : vector<16xi32>
    %gather3A_204 = tpu.vector_load_idx %arg6[%add3A_203, %broadcast_in_dim3A] : memref<64x128xf32, #tpu.memory_space<vmem>>[vector<16xi32>, vector<16xi32>], vector<16xf32>,
    %swap3A_205 = arith.constant 0 : i32
    %swap3A_206 = arith.index_cast %swap3A_205 : i32 to index
    %swap3A_207 = arith.constant 16 : index
    %swap3A_208 = tpu.vector_load %arg14[%swap3A_206, %swap3A_207] {strides = array<i32>} : memref<32x128xf32, #tpu.memory_space<vmem>>, vector<16xf32>,
    tpu.vector_store %arg14[%swap3A_206, %swap3A_207], %gather3A_204 {strides = array<i32>} : memref<32x128xf32, #tpu.memory_space<vmem>>, vector<16xf32>,
    %iota3A_209 = tpu.iota {dimensions = array<i32: 0>} : vector<16xi32>
    %add3A_210 = arith.constant 32 : i32
    %add3A_211 = vector.broadcast %add3A_210 : i32 to vector<16xi32>
    %add3A_212 = arith.addi %iota3A_209, %add3A_211 : vector<16xi32>
    %gather3A_213 = tpu.vector_load_idx %arg6[%add3A_212, %broadcast_in_dim3A] : memref<64x128xf32, #tpu.memory_space<vmem>>[vector<16xi32>, vector<16xi32>], vector<16xf32>,
    %swap3A_214 = arith.constant 0 : i32
    %swap3A_215 = arith.index_cast %swap3A_214 : i32 to index
    %swap3A_216 = arith.constant 32 : index
    %swap3A_217 = tpu.vector_load %arg14[%swap3A_215, %swap3A_216] {strides = array<i32>} : memref<32x128xf32, #tpu.memory_space<vmem>>, vector<16xf32>,
    tpu.vector_store %arg14[%swap3A_215, %swap3A_216], %gather3A_213 {strides = array<i32>} : memref<32x128xf32, #tpu.memory_space<vmem>>, vector<16xf32>,
    %iota3A_218 = tpu.iota {dimensions = array<i32: 0>} : vector<16xi32>
    %add3A_219 = arith.constant 48 : i32
    %add3A_220 = vector.broadcast %add3A_219 : i32 to vector<16xi32>
    %add3A_221 = arith.addi %iota3A_218, %add3A_220 : vector<16xi32>
    %gather3A_222 = tpu.vector_load_idx %arg6[%add3A_221, %broadcast_in_dim3A] : memref<64x128xf32, #tpu.memory_space<vmem>>[vector<16xi32>, vector<16xi32>], vector<16xf32>,
    %swap3A_223 = arith.constant 0 : i32
    %swap3A_224 = arith.index_cast %swap3A_223 : i32 to index
    %swap3A_225 = arith.constant 48 : index
    %swap3A_226 = tpu.vector_load %arg14[%swap3A_224, %swap3A_225] {strides = array<i32>} : memref<32x128xf32, #tpu.memory_space<vmem>>, vector<16xf32>,
    tpu.vector_store %arg14[%swap3A_224, %swap3A_225], %gather3A_222 {strides = array<i32>} : memref<32x128xf32, #tpu.memory_space<vmem>>, vector<16xf32>,
    %shift_right_arithmetic3A_227 = arith.constant 7 : i32
    %shift_right_arithmetic3A_228 = arith.shrsi %squeeze3A_69, %shift_right_arithmetic3A_227 : i32
    %mul3A_229 = arith.constant 128 : i32
    %mul3A_230 = arith.muli %shift_right_arithmetic3A_228, %mul3A_229 : i32
    %multiple_of3A_231 = tpu.assume_multiple %mul3A_230, 128 : i32
    %dma_start3A_232 = arith.constant 0 : i32
    %dma_start3A_233 = tpu.memref_slice %arg2[%dma_start3A_232, %multiple_of3A_231] : memref<64x100000xf32, #tpu.memory_space<hbm>> -> memref<64x128xf32, #tpu.memory_space<hbm>>
    %dma_start3A_234 = arith.constant 0 : i32
    %dma_start3A_235 = tpu.memref_slice %arg2[%dma_start3A_234, %multiple_of3A_231] : memref<64x100000xf32, #tpu.memory_space<hbm>> -> memref<64x128xf32, #tpu.memory_space<hbm>>
    tpu.enqueue_dma source(%dma_start3A_235 : memref<64x128xf32, #tpu.memory_space<hbm>>) target(%arg6 : memref<64x128xf32, #tpu.memory_space<vmem>>) target_semaphore(%arg16 : memref<!tpu.dma_semaphore, #tpu.memory_space<semaphore_mem>>)
    %dma_wait3A_236 = arith.constant 0 : i32
    %dma_wait3A_237 = arith.constant 0 : i32
    %dma_wait3A_238 = tpu.memref_slice %arg2[%dma_wait3A_236, %dma_wait3A_237] : memref<64x100000xf32, #tpu.memory_space<hbm>> -> memref<64x128xf32, #tpu.memory_space<hbm>>
    %dma_wait3A_239 = arith.constant 0 : i32
    %dma_wait3A_240 = arith.constant 0 : i32
    %dma_wait3A_241 = tpu.memref_slice %arg2[%dma_wait3A_239, %dma_wait3A_240] : memref<64x100000xf32, #tpu.memory_space<hbm>> -> memref<64x128xf32, #tpu.memory_space<hbm>>
    tpu.wait_dma2 semaphore(%arg17 : memref<!tpu.dma_semaphore, #tpu.memory_space<semaphore_mem>>) src(%dma_wait3A_241 : memref<64x128xf32, #tpu.memory_space<hbm>>) dst(%arg7 : memref<64x128xf32, #tpu.memory_space<vmem>>)
    %and3A_242 = arith.constant 127 : i32
    %and3A_243 = arith.andi %squeeze3A_55, %and3A_242 : i32
    %broadcast_in_dim3A_244 = vector.broadcast %and3A_243 : i32 to vector<16xi32>
    %iota3A_245 = tpu.iota {dimensions = array<i32: 0>} : vector<16xi32>
    %add3A_246 = arith.constant 0 : i32
    %add3A_247 = vector.broadcast %add3A_246 : i32 to vector<16xi32>
    %add3A_248 = arith.addi %iota3A_245, %add3A_247 : vector<16xi32>
    %gather3A_249 = tpu.vector_load_idx %arg7[%add3A_248, %broadcast_in_dim3A_244] : memref<64x128xf32, #tpu.memory_space<vmem>>[vector<16xi32>, vector<16xi32>], vector<16xf32>,
    %swap3A_250 = arith.constant 1 : i32
    %swap3A_251 = arith.index_cast %swap3A_250 : i32 to index
    %swap3A_252 = arith.constant 0 : index
    %swap3A_253 = tpu.vector_load %arg14[%swap3A_251, %swap3A_252] {strides = array<i32>} : memref<32x128xf32, #tpu.memory_space<vmem>>, vector<16xf32>,
    tpu.vector_store %arg14[%swap3A_251, %swap3A_252], %gather3A_249 {strides = array<i32>} : memref<32x128xf32, #tpu.memory_space<vmem>>, vector<16xf32>,
    %iota3A_254 = tpu.iota {dimensions = array<i32: 0>} : vector<16xi32>
    %add3A_255 = arith.constant 16 : i32
    %add3A_256 = vector.broadcast %add3A_255 : i32 to vector<16xi32>
    %add3A_257 = arith.addi %iota3A_254, %add3A_256 : vector<16xi32>
    %gather3A_258 = tpu.vector_load_idx %arg7[%add3A_257, %broadcast_in_dim3A_244] : memref<64x128xf32, #tpu.memory_space<vmem>>[vector<16xi32>, vector<16xi32>], vector<16xf32>,
    %swap3A_259 = arith.constant 1 : i32
    %swap3A_260 = arith.index_cast %swap3A_259 : i32 to index
    %swap3A_261 = arith.constant 16 : index
    %swap3A_262 = tpu.vector_load %arg14[%swap3A_260, %swap3A_261] {strides = array<i32>} : memref<32x128xf32, #tpu.memory_space<vmem>>, vector<16xf32>,
    tpu.vector_store %arg14[%swap3A_260, %swap3A_261], %gather3A_258 {strides = array<i32>} : memref<32x128xf32, #tpu.memory_space<vmem>>, vector<16xf32>,
    %iota3A_263 = tpu.iota {dimensions = array<i32: 0>} : vector<16xi32>
    %add3A_264 = arith.constant 32 : i32
    %add3A_265 = vector.broadcast %add3A_264 : i32 to vector<16xi32>
    %add3A_266 = arith.addi %iota3A_263, %add3A_265 : vector<16xi32>
    %gather3A_267 = tpu.vector_load_idx %arg7[%add3A_266, %broadcast_in_dim3A_244] : memref<64x128xf32, #tpu.memory_space<vmem>>[vector<16xi32>, vector<16xi32>], vector<16xf32>,
    %swap3A_268 = arith.constant 1 : i32
    %swap3A_269 = arith.index_cast %swap3A_268 : i32 to index
    %swap3A_270 = arith.constant 32 : index
    %swap3A_271 = tpu.vector_load %arg14[%swap3A_269, %swap3A_270] {strides = array<i32>} : memref<32x128xf32, #tpu.memory_space<vmem>>, vector<16xf32>,
    tpu.vector_store %arg14[%swap3A_269, %swap3A_270], %gather3A_267 {strides = array<i32>} : memref<32x128xf32, #tpu.memory_space<vmem>>, vector<16xf32>,
    %iota3A_272 = tpu.iota {dimensions = array<i32: 0>} : vector<16xi32>
    %add3A_273 = arith.constant 48 : i32
    %add3A_274 = vector.broadcast %add3A_273 : i32 to vector<16xi32>
    %add3A_275 = arith.addi %iota3A_272, %add3A_274 : vector<16xi32>
    %gather3A_276 = tpu.vector_load_idx %arg7[%add3A_275, %broadcast_in_dim3A_244] : memref<64x128xf32, #tpu.memory_space<vmem>>[vector<16xi32>, vector<16xi32>], vector<16xf32>,
    %swap3A_277 = arith.constant 1 : i32
    %swap3A_278 = arith.index_cast %swap3A_277 : i32 to index
    %swap3A_279 = arith.constant 48 : index
    %swap3A_280 = tpu.vector_load %arg14[%swap3A_278, %swap3A_279] {strides = array<i32>} : memref<32x128xf32, #tpu.memory_space<vmem>>, vector<16xf32>,
    tpu.vector_store %arg14[%swap3A_278, %swap3A_279], %gather3A_276 {strides = array<i32>} : memref<32x128xf32, #tpu.memory_space<vmem>>, vector<16xf32>,
    %shift_right_arithmetic3A_281 = arith.constant 7 : i32
    %shift_right_arithmetic3A_282 = arith.shrsi %squeeze3A_71, %shift_right_arithmetic3A_281 : i32
    %mul3A_283 = arith.constant 128 : i32
    %mul3A_284 = arith.muli %shift_right_arithmetic3A_282, %mul3A_283 : i32
    %multiple_of3A_285 = tpu.assume_multiple %mul3A_284, 128 : i32
    %dma_start3A_286 = arith.constant 0 : i32
    %dma_start3A_287 = tpu.memref_slice %arg2[%dma_start3A_286, %multiple_of3A_285] : memref<64x100000xf32, #tpu.memory_space<hbm>> -> memref<64x128xf32, #tpu.memory_space<hbm>>
    %dma_start3A_288 = arith.constant 0 : i32
    %dma_start3A_289 = tpu.memref_slice %arg2[%dma_start3A_288, %multiple_of3A_285] : memref<64x100000xf32, #tpu.memory_space<hbm>> -> memref<64x128xf32, #tpu.memory_space<hbm>>
    tpu.enqueue_dma source(%dma_start3A_289 : memref<64x128xf32, #tpu.memory_space<hbm>>) target(%arg7 : memref<64x128xf32, #tpu.memory_space<vmem>>) target_semaphore(%arg17 : memref<!tpu.dma_semaphore, #tpu.memory_space<semaphore_mem>>)
    %dma_wait3A_290 = arith.constant 0 : i32
    %dma_wait3A_291 = arith.constant 0 : i32
    %dma_wait3A_292 = tpu.memref_slice %arg2[%dma_wait3A_290, %dma_wait3A_291] : memref<64x100000xf32, #tpu.memory_space<hbm>> -> memref<64x128xf32, #tpu.memory_space<hbm>>
    %dma_wait3A_293 = arith.constant 0 : i32
    %dma_wait3A_294 = arith.constant 0 : i32
    %dma_wait3A_295 = tpu.memref_slice %arg2[%dma_wait3A_293, %dma_wait3A_294] : memref<64x100000xf32, #tpu.memory_space<hbm>> -> memref<64x128xf32, #tpu.memory_space<hbm>>
    tpu.wait_dma2 semaphore(%arg18 : memref<!tpu.dma_semaphore, #tpu.memory_space<semaphore_mem>>) src(%dma_wait3A_295 : memref<64x128xf32, #tpu.memory_space<hbm>>) dst(%arg8 : memref<64x128xf32, #tpu.memory_space<vmem>>)
    %and3A_296 = arith.constant 127 : i32
    %and3A_297 = arith.andi %squeeze3A_57, %and3A_296 : i32
    %broadcast_in_dim3A_298 = vector.broadcast %and3A_297 : i32 to vector<16xi32>
    %iota3A_299 = tpu.iota {dimensions = array<i32: 0>} : vector<16xi32>
    %add3A_300 = arith.constant 0 : i32
    %add3A_301 = vector.broadcast %add3A_300 : i32 to vector<16xi32>
    %add3A_302 = arith.addi %iota3A_299, %add3A_301 : vector<16xi32>
    %gather3A_303 = tpu.vector_load_idx %arg8[%add3A_302, %broadcast_in_dim3A_298] : memref<64x128xf32, #tpu.memory_space<vmem>>[vector<16xi32>, vector<16xi32>], vector<16xf32>,
    %swap3A_304 = arith.constant 2 : i32
    %swap3A_305 = arith.index_cast %swap3A_304 : i32 to index
    %swap3A_306 = arith.constant 0 : index
    %swap3A_307 = tpu.vector_load %arg14[%swap3A_305, %swap3A_306] {strides = array<i32>} : memref<32x128xf32, #tpu.memory_space<vmem>>, vector<16xf32>,
    tpu.vector_store %arg14[%swap3A_305, %swap3A_306], %gather3A_303 {strides = array<i32>} : memref<32x128xf32, #tpu.memory_space<vmem>>, vector<16xf32>,
    %iota3A_308 = tpu.iota {dimensions = array<i32: 0>} : vector<16xi32>
    %add3A_309 = arith.constant 16 : i32
    %add3A_310 = vector.broadcast %add3A_309 : i32 to vector<16xi32>
    %add3A_311 = arith.addi %iota3A_308, %add3A_310 : vector<16xi32>
    %gather3A_312 = tpu.vector_load_idx %arg8[%add3A_311, %broadcast_in_dim3A_298] : memref<64x128xf32, #tpu.memory_space<vmem>>[vector<16xi32>, vector<16xi32>], vector<16xf32>,
    %swap3A_313 = arith.constant 2 : i32
    %swap3A_314 = arith.index_cast %swap3A_313 : i32 to index
    %swap3A_315 = arith.constant 16 : index
    %swap3A_316 = tpu.vector_load %arg14[%swap3A_314, %swap3A_315] {strides = array<i32>} : memref<32x128xf32, #tpu.memory_space<vmem>>, vector<16xf32>,
    tpu.vector_store %arg14[%swap3A_314, %swap3A_315], %gather3A_312 {strides = array<i32>} : memref<32x128xf32, #tpu.memory_space<vmem>>, vector<16xf32>,
    %iota3A_317 = tpu.iota {dimensions = array<i32: 0>} : vector<16xi32>
    %add3A_318 = arith.constant 32 : i32
    %add3A_319 = vector.broadcast %add3A_318 : i32 to vector<16xi32>
    %add3A_320 = arith.addi %iota3A_317, %add3A_319 : vector<16xi32>
    %gather3A_321 = tpu.vector_load_idx %arg8[%add3A_320, %broadcast_in_dim3A_298] : memref<64x128xf32, #tpu.memory_space<vmem>>[vector<16xi32>, vector<16xi32>], vector<16xf32>,
    %swap3A_322 = arith.constant 2 : i32
    %swap3A_323 = arith.index_cast %swap3A_322 : i32 to index
    %swap3A_324 = arith.constant 32 : index
    %swap3A_325 = tpu.vector_load %arg14[%swap3A_323, %swap3A_324] {strides = array<i32>} : memref<32x128xf32, #tpu.memory_space<vmem>>, vector<16xf32>,
    tpu.vector_store %arg14[%swap3A_323, %swap3A_324], %gather3A_321 {strides = array<i32>} : memref<32x128xf32, #tpu.memory_space<vmem>>, vector<16xf32>,
    %iota3A_326 = tpu.iota {dimensions = array<i32: 0>} : vector<16xi32>
    %add3A_327 = arith.constant 48 : i32
    %add3A_328 = vector.broadcast %add3A_327 : i32 to vector<16xi32>
    %add3A_329 = arith.addi %iota3A_326, %add3A_328 : vector<16xi32>
    %gather3A_330 = tpu.vector_load_idx %arg8[%add3A_329, %broadcast_in_dim3A_298] : memref<64x128xf32, #tpu.memory_space<vmem>>[vector<16xi32>, vector<16xi32>], vector<16xf32>,
    %swap3A_331 = arith.constant 2 : i32
    %swap3A_332 = arith.index_cast %swap3A_331 : i32 to index
    %swap3A_333 = arith.constant 48 : index
    %swap3A_334 = tpu.vector_load %arg14[%swap3A_332, %swap3A_333] {strides = array<i32>} : memref<32x128xf32, #tpu.memory_space<vmem>>, vector<16xf32>,
    tpu.vector_store %arg14[%swap3A_332, %swap3A_333], %gather3A_330 {strides = array<i32>} : memref<32x128xf32, #tpu.memory_space<vmem>>, vector<16xf32>,
    %shift_right_arithmetic3A_335 = arith.constant 7 : i32
    %shift_right_arithmetic3A_336 = arith.shrsi %squeeze3A_73, %shift_right_arithmetic3A_335 : i32
    %mul3A_337 = arith.constant 128 : i32
    %mul3A_338 = arith.muli %shift_right_arithmetic3A_336, %mul3A_337 : i32
    %multiple_of3A_339 = tpu.assume_multiple %mul3A_338, 128 : i32
    %dma_start3A_340 = arith.constant 0 : i32
    %dma_start3A_341 = tpu.memref_slice %arg2[%dma_start3A_340, %multiple_of3A_339] : memref<64x100000xf32, #tpu.memory_space<hbm>> -> memref<64x128xf32, #tpu.memory_space<hbm>>
    %dma_start3A_342 = arith.constant 0 : i32
    %dma_start3A_343 = tpu.memref_slice %arg2[%dma_start3A_342, %multiple_of3A_339] : memref<64x100000xf32, #tpu.memory_space<hbm>> -> memref<64x128xf32, #tpu.memory_space<hbm>>
    tpu.enqueue_dma source(%dma_start3A_343 : memref<64x128xf32, #tpu.memory_space<hbm>>) target(%arg8 : memref<64x128xf32, #tpu.memory_space<vmem>>) target_semaphore(%arg18 : memref<!tpu.dma_semaphore, #tpu.memory_space<semaphore_mem>>)
    %dma_wait3A_344 = arith.constant 0 : i32
    %dma_wait3A_345 = arith.constant 0 : i32
    %dma_wait3A_346 = tpu.memref_slice %arg2[%dma_wait3A_344, %dma_wait3A_345] : memref<64x100000xf32, #tpu.memory_space<hbm>> -> memref<64x128xf32, #tpu.memory_space<hbm>>
    %dma_wait3A_347 = arith.constant 0 : i32
    %dma_wait3A_348 = arith.constant 0 : i32
    %dma_wait3A_349 = tpu.memref_slice %arg2[%dma_wait3A_347, %dma_wait3A_348] : memref<64x100000xf32, #tpu.memory_space<hbm>> -> memref<64x128xf32, #tpu.memory_space<hbm>>
    tpu.wait_dma2 semaphore(%arg19 : memref<!tpu.dma_semaphore, #tpu.memory_space<semaphore_mem>>) src(%dma_wait3A_349 : memref<64x128xf32, #tpu.memory_space<hbm>>) dst(%arg9 : memref<64x128xf32, #tpu.memory_space<vmem>>)
    %and3A_350 = arith.constant 127 : i32
    %and3A_351 = arith.andi %squeeze3A_59, %and3A_350 : i32
    %broadcast_in_dim3A_352 = vector.broadcast %and3A_351 : i32 to vector<16xi32>
    %iota3A_353 = tpu.iota {dimensions = array<i32: 0>} : vector<16xi32>
    %add3A_354 = arith.constant 0 : i32
    %add3A_355 = vector.broadcast %add3A_354 : i32 to vector<16xi32>
    %add3A_356 = arith.addi %iota3A_353, %add3A_355 : vector<16xi32>
    %gather3A_357 = tpu.vector_load_idx %arg9[%add3A_356, %broadcast_in_dim3A_352] : memref<64x128xf32, #tpu.memory_space<vmem>>[vector<16xi32>, vector<16xi32>], vector<16xf32>,
    %swap3A_358 = arith.constant 3 : i32
    %swap3A_359 = arith.index_cast %swap3A_358 : i32 to index
    %swap3A_360 = arith.constant 0 : index
    %swap3A_361 = tpu.vector_load %arg14[%swap3A_359, %swap3A_360] {strides = array<i32>} : memref<32x128xf32, #tpu.memory_space<vmem>>, vector<16xf32>,
    tpu.vector_store %arg14[%swap3A_359, %swap3A_360], %gather3A_357 {strides = array<i32>} : memref<32x128xf32, #tpu.memory_space<vmem>>, vector<16xf32>,
    %iota3A_362 = tpu.iota {dimensions = array<i32: 0>} : vector<16xi32>
    %add3A_363 = arith.constant 16 : i32
    %add3A_364 = vector.broadcast %add3A_363 : i32 to vector<16xi32>
    %add3A_365 = arith.addi %iota3A_362, %add3A_364 : vector<16xi32>
    %gather3A_366 = tpu.vector_load_idx %arg9[%add3A_365, %broadcast_in_dim3A_352] : memref<64x128xf32, #tpu.memory_space<vmem>>[vector<16xi32>, vector<16xi32>], vector<16xf32>,
    %swap3A_367 = arith.constant 3 : i32
    %swap3A_368 = arith.index_cast %swap3A_367 : i32 to index
    %swap3A_369 = arith.constant 16 : index
    %swap3A_370 = tpu.vector_load %arg14[%swap3A_368, %swap3A_369] {strides = array<i32>} : memref<32x128xf32, #tpu.memory_space<vmem>>, vector<16xf32>,
    tpu.vector_store %arg14[%swap3A_368, %swap3A_369], %gather3A_366 {strides = array<i32>} : memref<32x128xf32, #tpu.memory_space<vmem>>, vector<16xf32>,
    %iota3A_371 = tpu.iota {dimensions = array<i32: 0>} : vector<16xi32>
    %add3A_372 = arith.constant 32 : i32
    %add3A_373 = vector.broadcast %add3A_372 : i32 to vector<16xi32>
    %add3A_374 = arith.addi %iota3A_371, %add3A_373 : vector<16xi32>
    %gather3A_375 = tpu.vector_load_idx %arg9[%add3A_374, %broadcast_in_dim3A_352] : memref<64x128xf32, #tpu.memory_space<vmem>>[vector<16xi32>, vector<16xi32>], vector<16xf32>,
    %swap3A_376 = arith.constant 3 : i32
    %swap3A_377 = arith.index_cast %swap3A_376 : i32 to index
    %swap3A_378 = arith.constant 32 : index
    %swap3A_379 = tpu.vector_load %arg14[%swap3A_377, %swap3A_378] {strides = array<i32>} : memref<32x128xf32, #tpu.memory_space<vmem>>, vector<16xf32>,
    tpu.vector_store %arg14[%swap3A_377, %swap3A_378], %gather3A_375 {strides = array<i32>} : memref<32x128xf32, #tpu.memory_space<vmem>>, vector<16xf32>,
    %iota3A_380 = tpu.iota {dimensions = array<i32: 0>} : vector<16xi32>
    %add3A_381 = arith.constant 48 : i32
    %add3A_382 = vector.broadcast %add3A_381 : i32 to vector<16xi32>
    %add3A_383 = arith.addi %iota3A_380, %add3A_382 : vector<16xi32>
    %gather3A_384 = tpu.vector_load_idx %arg9[%add3A_383, %broadcast_in_dim3A_352] : memref<64x128xf32, #tpu.memory_space<vmem>>[vector<16xi32>, vector<16xi32>], vector<16xf32>,
    %swap3A_385 = arith.constant 3 : i32
    %swap3A_386 = arith.index_cast %swap3A_385 : i32 to index
    %swap3A_387 = arith.constant 48 : index
    %swap3A_388 = tpu.vector_load %arg14[%swap3A_386, %swap3A_387] {strides = array<i32>} : memref<32x128xf32, #tpu.memory_space<vmem>>, vector<16xf32>,
    tpu.vector_store %arg14[%swap3A_386, %swap3A_387], %gather3A_384 {strides = array<i32>} : memref<32x128xf32, #tpu.memory_space<vmem>>, vector<16xf32>,
    %shift_right_arithmetic3A_389 = arith.constant 7 : i32
    %shift_right_arithmetic3A_390 = arith.shrsi %squeeze3A_75, %shift_right_arithmetic3A_389 : i32
    %mul3A_391 = arith.constant 128 : i32
    %mul3A_392 = arith.muli %shift_right_arithmetic3A_390, %mul3A_391 : i32
    %multiple_of3A_393 = tpu.assume_multiple %mul3A_392, 128 : i32
    %dma_start3A_394 = arith.constant 0 : i32
    %dma_start3A_395 = tpu.memref_slice %arg2[%dma_start3A_394, %multiple_of3A_393] : memref<64x100000xf32, #tpu.memory_space<hbm>> -> memref<64x128xf32, #tpu.memory_space<hbm>>
    %dma_start3A_396 = arith.constant 0 : i32
    %dma_start3A_397 = tpu.memref_slice %arg2[%dma_start3A_396, %multiple_of3A_393] : memref<64x100000xf32, #tpu.memory_space<hbm>> -> memref<64x128xf32, #tpu.memory_space<hbm>>
    tpu.enqueue_dma source(%dma_start3A_397 : memref<64x128xf32, #tpu.memory_space<hbm>>) target(%arg9 : memref<64x128xf32, #tpu.memory_space<vmem>>) target_semaphore(%arg19 : memref<!tpu.dma_semaphore, #tpu.memory_space<semaphore_mem>>)
    %dma_wait3A_398 = arith.constant 0 : i32
    %dma_wait3A_399 = arith.constant 0 : i32
    %dma_wait3A_400 = tpu.memref_slice %arg2[%dma_wait3A_398, %dma_wait3A_399] : memref<64x100000xf32, #tpu.memory_space<hbm>> -> memref<64x128xf32, #tpu.memory_space<hbm>>
    %dma_wait3A_401 = arith.constant 0 : i32
    %dma_wait3A_402 = arith.constant 0 : i32
    %dma_wait3A_403 = tpu.memref_slice %arg2[%dma_wait3A_401, %dma_wait3A_402] : memref<64x100000xf32, #tpu.memory_space<hbm>> -> memref<64x128xf32, #tpu.memory_space<hbm>>
    tpu.wait_dma2 semaphore(%arg20 : memref<!tpu.dma_semaphore, #tpu.memory_space<semaphore_mem>>) src(%dma_wait3A_403 : memref<64x128xf32, #tpu.memory_space<hbm>>) dst(%arg10 : memref<64x128xf32, #tpu.memory_space<vmem>>)
    %and3A_404 = arith.constant 127 : i32
    %and3A_405 = arith.andi %squeeze3A_61, %and3A_404 : i32
    %broadcast_in_dim3A_406 = vector.broadcast %and3A_405 : i32 to vector<16xi32>
    %iota3A_407 = tpu.iota {dimensions = array<i32: 0>} : vector<16xi32>
    %add3A_408 = arith.constant 0 : i32
    %add3A_409 = vector.broadcast %add3A_408 : i32 to vector<16xi32>
    %add3A_410 = arith.addi %iota3A_407, %add3A_409 : vector<16xi32>
    %gather3A_411 = tpu.vector_load_idx %arg10[%add3A_410, %broadcast_in_dim3A_406] : memref<64x128xf32, #tpu.memory_space<vmem>>[vector<16xi32>, vector<16xi32>], vector<16xf32>,
    %swap3A_412 = arith.constant 4 : i32
    %swap3A_413 = arith.index_cast %swap3A_412 : i32 to index
    %swap3A_414 = arith.constant 0 : index
    %swap3A_415 = tpu.vector_load %arg14[%swap3A_413, %swap3A_414] {strides = array<i32>} : memref<32x128xf32, #tpu.memory_space<vmem>>, vector<16xf32>,
    tpu.vector_store %arg14[%swap3A_413, %swap3A_414], %gather3A_411 {strides = array<i32>} : memref<32x128xf32, #tpu.memory_space<vmem>>, vector<16xf32>,
    %iota3A_416 = tpu.iota {dimensions = array<i32: 0>} : vector<16xi32>
    %add3A_417 = arith.constant 16 : i32
    %add3A_418 = vector.broadcast %add3A_417 : i32 to vector<16xi32>
    %add3A_419 = arith.addi %iota3A_416, %add3A_418 : vector<16xi32>
    %gather3A_420 = tpu.vector_load_idx %arg10[%add3A_419, %broadcast_in_dim3A_406] : memref<64x128xf32, #tpu.memory_space<vmem>>[vector<16xi32>, vector<16xi32>], vector<16xf32>,
    %swap3A_421 = arith.constant 4 : i32
    %swap3A_422 = arith.index_cast %swap3A_421 : i32 to index
    %swap3A_423 = arith.constant 16 : index
    %swap3A_424 = tpu.vector_load %arg14[%swap3A_422, %swap3A_423] {strides = array<i32>} : memref<32x128xf32, #tpu.memory_space<vmem>>, vector<16xf32>,
    tpu.vector_store %arg14[%swap3A_422, %swap3A_423], %gather3A_420 {strides = array<i32>} : memref<32x128xf32, #tpu.memory_space<vmem>>, vector<16xf32>,
    %iota3A_425 = tpu.iota {dimensions = array<i32: 0>} : vector<16xi32>
    %add3A_426 = arith.constant 32 : i32
    %add3A_427 = vector.broadcast %add3A_426 : i32 to vector<16xi32>
    %add3A_428 = arith.addi %iota3A_425, %add3A_427 : vector<16xi32>
    %gather3A_429 = tpu.vector_load_idx %arg10[%add3A_428, %broadcast_in_dim3A_406] : memref<64x128xf32, #tpu.memory_space<vmem>>[vector<16xi32>, vector<16xi32>], vector<16xf32>,
    %swap3A_430 = arith.constant 4 : i32
    %swap3A_431 = arith.index_cast %swap3A_430 : i32 to index
    %swap3A_432 = arith.constant 32 : index
    %swap3A_433 = tpu.vector_load %arg14[%swap3A_431, %swap3A_432] {strides = array<i32>} : memref<32x128xf32, #tpu.memory_space<vmem>>, vector<16xf32>,
    tpu.vector_store %arg14[%swap3A_431, %swap3A_432], %gather3A_429 {strides = array<i32>} : memref<32x128xf32, #tpu.memory_space<vmem>>, vector<16xf32>,
    %iota3A_434 = tpu.iota {dimensions = array<i32: 0>} : vector<16xi32>
    %add3A_435 = arith.constant 48 : i32
    %add3A_436 = vector.broadcast %add3A_435 : i32 to vector<16xi32>
    %add3A_437 = arith.addi %iota3A_434, %add3A_436 : vector<16xi32>
    %gather3A_438 = tpu.vector_load_idx %arg10[%add3A_437, %broadcast_in_dim3A_406] : memref<64x128xf32, #tpu.memory_space<vmem>>[vector<16xi32>, vector<16xi32>], vector<16xf32>,
    %swap3A_439 = arith.constant 4 : i32
    %swap3A_440 = arith.index_cast %swap3A_439 : i32 to index
    %swap3A_441 = arith.constant 48 : index
    %swap3A_442 = tpu.vector_load %arg14[%swap3A_440, %swap3A_441] {strides = array<i32>} : memref<32x128xf32, #tpu.memory_space<vmem>>, vector<16xf32>,
    tpu.vector_store %arg14[%swap3A_440, %swap3A_441], %gather3A_438 {strides = array<i32>} : memref<32x128xf32, #tpu.memory_space<vmem>>, vector<16xf32>,
    %shift_right_arithmetic3A_443 = arith.constant 7 : i32
    %shift_right_arithmetic3A_444 = arith.shrsi %squeeze3A_77, %shift_right_arithmetic3A_443 : i32
    %mul3A_445 = arith.constant 128 : i32
    %mul3A_446 = arith.muli %shift_right_arithmetic3A_444, %mul3A_445 : i32
    %multiple_of3A_447 = tpu.assume_multiple %mul3A_446, 128 : i32
    %dma_start3A_448 = arith.constant 0 : i32
    %dma_start3A_449 = tpu.memref_slice %arg2[%dma_start3A_448, %multiple_of3A_447] : memref<64x100000xf32, #tpu.memory_space<hbm>> -> memref<64x128xf32, #tpu.memory_space<hbm>>
    %dma_start3A_450 = arith.constant 0 : i32
    %dma_start3A_451 = tpu.memref_slice %arg2[%dma_start3A_450, %multiple_of3A_447] : memref<64x100000xf32, #tpu.memory_space<hbm>> -> memref<64x128xf32, #tpu.memory_space<hbm>>
    tpu.enqueue_dma source(%dma_start3A_451 : memref<64x128xf32, #tpu.memory_space<hbm>>) target(%arg10 : memref<64x128xf32, #tpu.memory_space<vmem>>) target_semaphore(%arg20 : memref<!tpu.dma_semaphore, #tpu.memory_space<semaphore_mem>>)
    %dma_wait3A_452 = arith.constant 0 : i32
    %dma_wait3A_453 = arith.constant 0 : i32
    %dma_wait3A_454 = tpu.memref_slice %arg2[%dma_wait3A_452, %dma_wait3A_453] : memref<64x100000xf32, #tpu.memory_space<hbm>> -> memref<64x128xf32, #tpu.memory_space<hbm>>
    %dma_wait3A_455 = arith.constant 0 : i32
    %dma_wait3A_456 = arith.constant 0 : i32
    %dma_wait3A_457 = tpu.memref_slice %arg2[%dma_wait3A_455, %dma_wait3A_456] : memref<64x100000xf32, #tpu.memory_space<hbm>> -> memref<64x128xf32, #tpu.memory_space<hbm>>
    tpu.wait_dma2 semaphore(%arg21 : memref<!tpu.dma_semaphore, #tpu.memory_space<semaphore_mem>>) src(%dma_wait3A_457 : memref<64x128xf32, #tpu.memory_space<hbm>>) dst(%arg11 : memref<64x128xf32, #tpu.memory_space<vmem>>)
    %and3A_458 = arith.constant 127 : i32
    %and3A_459 = arith.andi %squeeze3A_63, %and3A_458 : i32
    %broadcast_in_dim3A_460 = vector.broadcast %and3A_459 : i32 to vector<16xi32>
    %iota3A_461 = tpu.iota {dimensions = array<i32: 0>} : vector<16xi32>
    %add3A_462 = arith.constant 0 : i32
    %add3A_463 = vector.broadcast %add3A_462 : i32 to vector<16xi32>
    %add3A_464 = arith.addi %iota3A_461, %add3A_463 : vector<16xi32>
    %gather3A_465 = tpu.vector_load_idx %arg11[%add3A_464, %broadcast_in_dim3A_460] : memref<64x128xf32, #tpu.memory_space<vmem>>[vector<16xi32>, vector<16xi32>], vector<16xf32>,
    %swap3A_466 = arith.constant 5 : i32
    %swap3A_467 = arith.index_cast %swap3A_466 : i32 to index
    %swap3A_468 = arith.constant 0 : index
    %swap3A_469 = tpu.vector_load %arg14[%swap3A_467, %swap3A_468] {strides = array<i32>} : memref<32x128xf32, #tpu.memory_space<vmem>>, vector<16xf32>,
    tpu.vector_store %arg14[%swap3A_467, %swap3A_468], %gather3A_465 {strides = array<i32>} : memref<32x128xf32, #tpu.memory_space<vmem>>, vector<16xf32>,
    %iota3A_470 = tpu.iota {dimensions = array<i32: 0>} : vector<16xi32>
    %add3A_471 = arith.constant 16 : i32
    %add3A_472 = vector.broadcast %add3A_471 : i32 to vector<16xi32>
    %add3A_473 = arith.addi %iota3A_470, %add3A_472 : vector<16xi32>
    %gather3A_474 = tpu.vector_load_idx %arg11[%add3A_473, %broadcast_in_dim3A_460] : memref<64x128xf32, #tpu.memory_space<vmem>>[vector<16xi32>, vector<16xi32>], vector<16xf32>,
    %swap3A_475 = arith.constant 5 : i32
    %swap3A_476 = arith.index_cast %swap3A_475 : i32 to index
    %swap3A_477 = arith.constant 16 : index
    %swap3A_478 = tpu.vector_load %arg14[%swap3A_476, %swap3A_477] {strides = array<i32>} : memref<32x128xf32, #tpu.memory_space<vmem>>, vector<16xf32>,
    tpu.vector_store %arg14[%swap3A_476, %swap3A_477], %gather3A_474 {strides = array<i32>} : memref<32x128xf32, #tpu.memory_space<vmem>>, vector<16xf32>,
    %iota3A_479 = tpu.iota {dimensions = array<i32: 0>} : vector<16xi32>
    %add3A_480 = arith.constant 32 : i32
    %add3A_481 = vector.broadcast %add3A_480 : i32 to vector<16xi32>
    %add3A_482 = arith.addi %iota3A_479, %add3A_481 : vector<16xi32>
    %gather3A_483 = tpu.vector_load_idx %arg11[%add3A_482, %broadcast_in_dim3A_460] : memref<64x128xf32, #tpu.memory_space<vmem>>[vector<16xi32>, vector<16xi32>], vector<16xf32>,
    %swap3A_484 = arith.constant 5 : i32
    %swap3A_485 = arith.index_cast %swap3A_484 : i32 to index
    %swap3A_486 = arith.constant 32 : index
    %swap3A_487 = tpu.vector_load %arg14[%swap3A_485, %swap3A_486] {strides = array<i32>} : memref<32x128xf32, #tpu.memory_space<vmem>>, vector<16xf32>,
    tpu.vector_store %arg14[%swap3A_485, %swap3A_486], %gather3A_483 {strides = array<i32>} : memref<32x128xf32, #tpu.memory_space<vmem>>, vector<16xf32>,
    %iota3A_488 = tpu.iota {dimensions = array<i32: 0>} : vector<16xi32>
    %add3A_489 = arith.constant 48 : i32
    %add3A_490 = vector.broadcast %add3A_489 : i32 to vector<16xi32>
    %add3A_491 = arith.addi %iota3A_488, %add3A_490 : vector<16xi32>
    %gather3A_492 = tpu.vector_load_idx %arg11[%add3A_491, %broadcast_in_dim3A_460] : memref<64x128xf32, #tpu.memory_space<vmem>>[vector<16xi32>, vector<16xi32>], vector<16xf32>,
    %swap3A_493 = arith.constant 5 : i32
    %swap3A_494 = arith.index_cast %swap3A_493 : i32 to index
    %swap3A_495 = arith.constant 48 : index
    %swap3A_496 = tpu.vector_load %arg14[%swap3A_494, %swap3A_495] {strides = array<i32>} : memref<32x128xf32, #tpu.memory_space<vmem>>, vector<16xf32>,
    tpu.vector_store %arg14[%swap3A_494, %swap3A_495], %gather3A_492 {strides = array<i32>} : memref<32x128xf32, #tpu.memory_space<vmem>>, vector<16xf32>,
    %shift_right_arithmetic3A_497 = arith.constant 7 : i32
    %shift_right_arithmetic3A_498 = arith.shrsi %squeeze3A_79, %shift_right_arithmetic3A_497 : i32
    %mul3A_499 = arith.constant 128 : i32
    %mul3A_500 = arith.muli %shift_right_arithmetic3A_498, %mul3A_499 : i32
    %multiple_of3A_501 = tpu.assume_multiple %mul3A_500, 128 : i32
    %dma_start3A_502 = arith.constant 0 : i32
    %dma_start3A_503 = tpu.memref_slice %arg2[%dma_start3A_502, %multiple_of3A_501] : memref<64x100000xf32, #tpu.memory_space<hbm>> -> memref<64x128xf32, #tpu.memory_space<hbm>>
    %dma_start3A_504 = arith.constant 0 : i32
    %dma_start3A_505 = tpu.memref_slice %arg2[%dma_start3A_504, %multiple_of3A_501] : memref<64x100000xf32, #tpu.memory_space<hbm>> -> memref<64x128xf32, #tpu.memory_space<hbm>>
    tpu.enqueue_dma source(%dma_start3A_505 : memref<64x128xf32, #tpu.memory_space<hbm>>) target(%arg11 : memref<64x128xf32, #tpu.memory_space<vmem>>) target_semaphore(%arg21 : memref<!tpu.dma_semaphore, #tpu.memory_space<semaphore_mem>>)
    %dma_wait3A_506 = arith.constant 0 : i32
    %dma_wait3A_507 = arith.constant 0 : i32
    %dma_wait3A_508 = tpu.memref_slice %arg2[%dma_wait3A_506, %dma_wait3A_507] : memref<64x100000xf32, #tpu.memory_space<hbm>> -> memref<64x128xf32, #tpu.memory_space<hbm>>
    %dma_wait3A_509 = arith.constant 0 : i32
    %dma_wait3A_510 = arith.constant 0 : i32
    %dma_wait3A_511 = tpu.memref_slice %arg2[%dma_wait3A_509, %dma_wait3A_510] : memref<64x100000xf32, #tpu.memory_space<hbm>> -> memref<64x128xf32, #tpu.memory_space<hbm>>
    tpu.wait_dma2 semaphore(%arg22 : memref<!tpu.dma_semaphore, #tpu.memory_space<semaphore_mem>>) src(%dma_wait3A_511 : memref<64x128xf32, #tpu.memory_space<hbm>>) dst(%arg12 : memref<64x128xf32, #tpu.memory_space<vmem>>)
    %and3A_512 = arith.constant 127 : i32
    %and3A_513 = arith.andi %squeeze3A_65, %and3A_512 : i32
    %broadcast_in_dim3A_514 = vector.broadcast %and3A_513 : i32 to vector<16xi32>
    %iota3A_515 = tpu.iota {dimensions = array<i32: 0>} : vector<16xi32>
    %add3A_516 = arith.constant 0 : i32
    %add3A_517 = vector.broadcast %add3A_516 : i32 to vector<16xi32>
    %add3A_518 = arith.addi %iota3A_515, %add3A_517 : vector<16xi32>
    %gather3A_519 = tpu.vector_load_idx %arg12[%add3A_518, %broadcast_in_dim3A_514] : memref<64x128xf32, #tpu.memory_space<vmem>>[vector<16xi32>, vector<16xi32>], vector<16xf32>,
    %swap3A_520 = arith.constant 6 : i32
    %swap3A_521 = arith.index_cast %swap3A_520 : i32 to index
    %swap3A_522 = arith.constant 0 : index
    %swap3A_523 = tpu.vector_load %arg14[%swap3A_521, %swap3A_522] {strides = array<i32>} : memref<32x128xf32, #tpu.memory_space<vmem>>, vector<16xf32>,
    tpu.vector_store %arg14[%swap3A_521, %swap3A_522], %gather3A_519 {strides = array<i32>} : memref<32x128xf32, #tpu.memory_space<vmem>>, vector<16xf32>,
    %iota3A_524 = tpu.iota {dimensions = array<i32: 0>} : vector<16xi32>
    %add3A_525 = arith.constant 16 : i32
    %add3A_526 = vector.broadcast %add3A_525 : i32 to vector<16xi32>
    %add3A_527 = arith.addi %iota3A_524, %add3A_526 : vector<16xi32>
    %gather3A_528 = tpu.vector_load_idx %arg12[%add3A_527, %broadcast_in_dim3A_514] : memref<64x128xf32, #tpu.memory_space<vmem>>[vector<16xi32>, vector<16xi32>], vector<16xf32>,
    %swap3A_529 = arith.constant 6 : i32
    %swap3A_530 = arith.index_cast %swap3A_529 : i32 to index
    %swap3A_531 = arith.constant 16 : index
    %swap3A_532 = tpu.vector_load %arg14[%swap3A_530, %swap3A_531] {strides = array<i32>} : memref<32x128xf32, #tpu.memory_space<vmem>>, vector<16xf32>,
    tpu.vector_store %arg14[%swap3A_530, %swap3A_531], %gather3A_528 {strides = array<i32>} : memref<32x128xf32, #tpu.memory_space<vmem>>, vector<16xf32>,
    %iota3A_533 = tpu.iota {dimensions = array<i32: 0>} : vector<16xi32>
    %add3A_534 = arith.constant 32 : i32
    %add3A_535 = vector.broadcast %add3A_534 : i32 to vector<16xi32>
    %add3A_536 = arith.addi %iota3A_533, %add3A_535 : vector<16xi32>
    %gather3A_537 = tpu.vector_load_idx %arg12[%add3A_536, %broadcast_in_dim3A_514] : memref<64x128xf32, #tpu.memory_space<vmem>>[vector<16xi32>, vector<16xi32>], vector<16xf32>,
    %swap3A_538 = arith.constant 6 : i32
    %swap3A_539 = arith.index_cast %swap3A_538 : i32 to index
    %swap3A_540 = arith.constant 32 : index
    %swap3A_541 = tpu.vector_load %arg14[%swap3A_539, %swap3A_540] {strides = array<i32>} : memref<32x128xf32, #tpu.memory_space<vmem>>, vector<16xf32>,
    tpu.vector_store %arg14[%swap3A_539, %swap3A_540], %gather3A_537 {strides = array<i32>} : memref<32x128xf32, #tpu.memory_space<vmem>>, vector<16xf32>,
    %iota3A_542 = tpu.iota {dimensions = array<i32: 0>} : vector<16xi32>
    %add3A_543 = arith.constant 48 : i32
    %add3A_544 = vector.broadcast %add3A_543 : i32 to vector<16xi32>
    %add3A_545 = arith.addi %iota3A_542, %add3A_544 : vector<16xi32>
    %gather3A_546 = tpu.vector_load_idx %arg12[%add3A_545, %broadcast_in_dim3A_514] : memref<64x128xf32, #tpu.memory_space<vmem>>[vector<16xi32>, vector<16xi32>], vector<16xf32>,
    %swap3A_547 = arith.constant 6 : i32
    %swap3A_548 = arith.index_cast %swap3A_547 : i32 to index
    %swap3A_549 = arith.constant 48 : index
    %swap3A_550 = tpu.vector_load %arg14[%swap3A_548, %swap3A_549] {strides = array<i32>} : memref<32x128xf32, #tpu.memory_space<vmem>>, vector<16xf32>,
    tpu.vector_store %arg14[%swap3A_548, %swap3A_549], %gather3A_546 {strides = array<i32>} : memref<32x128xf32, #tpu.memory_space<vmem>>, vector<16xf32>,
    %shift_right_arithmetic3A_551 = arith.constant 7 : i32
    %shift_right_arithmetic3A_552 = arith.shrsi %squeeze3A_81, %shift_right_arithmetic3A_551 : i32
    %mul3A_553 = arith.constant 128 : i32
    %mul3A_554 = arith.muli %shift_right_arithmetic3A_552, %mul3A_553 : i32
    %multiple_of3A_555 = tpu.assume_multiple %mul3A_554, 128 : i32
    %dma_start3A_556 = arith.constant 0 : i32
    %dma_start3A_557 = tpu.memref_slice %arg2[%dma_start3A_556, %multiple_of3A_555] : memref<64x100000xf32, #tpu.memory_space<hbm>> -> memref<64x128xf32, #tpu.memory_space<hbm>>
    %dma_start3A_558 = arith.constant 0 : i32
    %dma_start3A_559 = tpu.memref_slice %arg2[%dma_start3A_558, %multiple_of3A_555] : memref<64x100000xf32, #tpu.memory_space<hbm>> -> memref<64x128xf32, #tpu.memory_space<hbm>>
    tpu.enqueue_dma source(%dma_start3A_559 : memref<64x128xf32, #tpu.memory_space<hbm>>) target(%arg12 : memref<64x128xf32, #tpu.memory_space<vmem>>) target_semaphore(%arg22 : memref<!tpu.dma_semaphore, #tpu.memory_space<semaphore_mem>>)
    %dma_wait3A_560 = arith.constant 0 : i32
    %dma_wait3A_561 = arith.constant 0 : i32
    %dma_wait3A_562 = tpu.memref_slice %arg2[%dma_wait3A_560, %dma_wait3A_561] : memref<64x100000xf32, #tpu.memory_space<hbm>> -> memref<64x128xf32, #tpu.memory_space<hbm>>
    %dma_wait3A_563 = arith.constant 0 : i32
    %dma_wait3A_564 = arith.constant 0 : i32
    %dma_wait3A_565 = tpu.memref_slice %arg2[%dma_wait3A_563, %dma_wait3A_564] : memref<64x100000xf32, #tpu.memory_space<hbm>> -> memref<64x128xf32, #tpu.memory_space<hbm>>
    tpu.wait_dma2 semaphore(%arg23 : memref<!tpu.dma_semaphore, #tpu.memory_space<semaphore_mem>>) src(%dma_wait3A_565 : memref<64x128xf32, #tpu.memory_space<hbm>>) dst(%arg13 : memref<64x128xf32, #tpu.memory_space<vmem>>)
    %and3A_566 = arith.constant 127 : i32
    %and3A_567 = arith.andi %squeeze3A_67, %and3A_566 : i32
    %broadcast_in_dim3A_568 = vector.broadcast %and3A_567 : i32 to vector<16xi32>
    %iota3A_569 = tpu.iota {dimensions = array<i32: 0>} : vector<16xi32>
    %add3A_570 = arith.constant 0 : i32
    %add3A_571 = vector.broadcast %add3A_570 : i32 to vector<16xi32>
    %add3A_572 = arith.addi %iota3A_569, %add3A_571 : vector<16xi32>
    %gather3A_573 = tpu.vector_load_idx %arg13[%add3A_572, %broadcast_in_dim3A_568] : memref<64x128xf32, #tpu.memory_space<vmem>>[vector<16xi32>, vector<16xi32>], vector<16xf32>,
    %swap3A_574 = arith.constant 7 : i32
    %swap3A_575 = arith.index_cast %swap3A_574 : i32 to index
    %swap3A_576 = arith.constant 0 : index
    %swap3A_577 = tpu.vector_load %arg14[%swap3A_575, %swap3A_576] {strides = array<i32>} : memref<32x128xf32, #tpu.memory_space<vmem>>, vector<16xf32>,
    tpu.vector_store %arg14[%swap3A_575, %swap3A_576], %gather3A_573 {strides = array<i32>} : memref<32x128xf32, #tpu.memory_space<vmem>>, vector<16xf32>,
    %iota3A_578 = tpu.iota {dimensions = array<i32: 0>} : vector<16xi32>
    %add3A_579 = arith.constant 16 : i32
    %add3A_580 = vector.broadcast %add3A_579 : i32 to vector<16xi32>
    %add3A_581 = arith.addi %iota3A_578, %add3A_580 : vector<16xi32>
    %gather3A_582 = tpu.vector_load_idx %arg13[%add3A_581, %broadcast_in_dim3A_568] : memref<64x128xf32, #tpu.memory_space<vmem>>[vector<16xi32>, vector<16xi32>], vector<16xf32>,
    %swap3A_583 = arith.constant 7 : i32
    %swap3A_584 = arith.index_cast %swap3A_583 : i32 to index
    %swap3A_585 = arith.constant 16 : index
    %swap3A_586 = tpu.vector_load %arg14[%swap3A_584, %swap3A_585] {strides = array<i32>} : memref<32x128xf32, #tpu.memory_space<vmem>>, vector<16xf32>,
    tpu.vector_store %arg14[%swap3A_584, %swap3A_585], %gather3A_582 {strides = array<i32>} : memref<32x128xf32, #tpu.memory_space<vmem>>, vector<16xf32>,
    %iota3A_587 = tpu.iota {dimensions = array<i32: 0>} : vector<16xi32>
    %add3A_588 = arith.constant 32 : i32
    %add3A_589 = vector.broadcast %add3A_588 : i32 to vector<16xi32>
    %add3A_590 = arith.addi %iota3A_587, %add3A_589 : vector<16xi32>
    %gather3A_591 = tpu.vector_load_idx %arg13[%add3A_590, %broadcast_in_dim3A_568] : memref<64x128xf32, #tpu.memory_space<vmem>>[vector<16xi32>, vector<16xi32>], vector<16xf32>,
    %swap3A_592 = arith.constant 7 : i32
    %swap3A_593 = arith.index_cast %swap3A_592 : i32 to index
    %swap3A_594 = arith.constant 32 : index
    %swap3A_595 = tpu.vector_load %arg14[%swap3A_593, %swap3A_594] {strides = array<i32>} : memref<32x128xf32, #tpu.memory_space<vmem>>, vector<16xf32>,
    tpu.vector_store %arg14[%swap3A_593, %swap3A_594], %gather3A_591 {strides = array<i32>} : memref<32x128xf32, #tpu.memory_space<vmem>>, vector<16xf32>,
    %iota3A_596 = tpu.iota {dimensions = array<i32: 0>} : vector<16xi32>
    %add3A_597 = arith.constant 48 : i32
    %add3A_598 = vector.broadcast %add3A_597 : i32 to vector<16xi32>
    %add3A_599 = arith.addi %iota3A_596, %add3A_598 : vector<16xi32>
    %gather3A_600 = tpu.vector_load_idx %arg13[%add3A_599, %broadcast_in_dim3A_568] : memref<64x128xf32, #tpu.memory_space<vmem>>[vector<16xi32>, vector<16xi32>], vector<16xf32>,
    %swap3A_601 = arith.constant 7 : i32
    %swap3A_602 = arith.index_cast %swap3A_601 : i32 to index
    %swap3A_603 = arith.constant 48 : index
    %swap3A_604 = tpu.vector_load %arg14[%swap3A_602, %swap3A_603] {strides = array<i32>} : memref<32x128xf32, #tpu.memory_space<vmem>>, vector<16xf32>,
    tpu.vector_store %arg14[%swap3A_602, %swap3A_603], %gather3A_600 {strides = array<i32>} : memref<32x128xf32, #tpu.memory_space<vmem>>, vector<16xf32>,
    %shift_right_arithmetic3A_605 = arith.constant 7 : i32
    %shift_right_arithmetic3A_606 = arith.shrsi %squeeze3A_83, %shift_right_arithmetic3A_605 : i32
    %mul3A_607 = arith.constant 128 : i32
    %mul3A_608 = arith.muli %shift_right_arithmetic3A_606, %mul3A_607 : i32
    %multiple_of3A_609 = tpu.assume_multiple %mul3A_608, 128 : i32
    %dma_start3A_610 = arith.constant 0 : i32
    %dma_start3A_611 = tpu.memref_slice %arg2[%dma_start3A_610, %multiple_of3A_609] : memref<64x100000xf32, #tpu.memory_space<hbm>> -> memref<64x128xf32, #tpu.memory_space<hbm>>
    %dma_start3A_612 = arith.constant 0 : i32
    %dma_start3A_613 = tpu.memref_slice %arg2[%dma_start3A_612, %multiple_of3A_609] : memref<64x100000xf32, #tpu.memory_space<hbm>> -> memref<64x128xf32, #tpu.memory_space<hbm>>
    tpu.enqueue_dma source(%dma_start3A_613 : memref<64x128xf32, #tpu.memory_space<hbm>>) target(%arg13 : memref<64x128xf32, #tpu.memory_space<vmem>>) target_semaphore(%arg23 : memref<!tpu.dma_semaphore, #tpu.memory_space<semaphore_mem>>)
    %dma_wait3A_614 = arith.constant 0 : i32
    %dma_wait3A_615 = arith.constant 0 : i32
    %dma_wait3A_616 = tpu.memref_slice %arg2[%dma_wait3A_614, %dma_wait3A_615] : memref<64x100000xf32, #tpu.memory_space<hbm>> -> memref<64x128xf32, #tpu.memory_space<hbm>>
    %dma_wait3A_617 = arith.constant 0 : i32
    %dma_wait3A_618 = arith.constant 0 : i32
    %dma_wait3A_619 = tpu.memref_slice %arg2[%dma_wait3A_617, %dma_wait3A_618] : memref<64x100000xf32, #tpu.memory_space<hbm>> -> memref<64x128xf32, #tpu.memory_space<hbm>>
    tpu.wait_dma2 semaphore(%arg16 : memref<!tpu.dma_semaphore, #tpu.memory_space<semaphore_mem>>) src(%dma_wait3A_619 : memref<64x128xf32, #tpu.memory_space<hbm>>) dst(%arg6 : memref<64x128xf32, #tpu.memory_space<vmem>>)
    %and3A_620 = arith.constant 127 : i32
    %and3A_621 = arith.andi %squeeze3A_69, %and3A_620 : i32
    %broadcast_in_dim3A_622 = vector.broadcast %and3A_621 : i32 to vector<16xi32>
    %iota3A_623 = tpu.iota {dimensions = array<i32: 0>} : vector<16xi32>
    %add3A_624 = arith.constant 0 : i32
    %add3A_625 = vector.broadcast %add3A_624 : i32 to vector<16xi32>
    %add3A_626 = arith.addi %iota3A_623, %add3A_625 : vector<16xi32>
    %gather3A_627 = tpu.vector_load_idx %arg6[%add3A_626, %broadcast_in_dim3A_622] : memref<64x128xf32, #tpu.memory_space<vmem>>[vector<16xi32>, vector<16xi32>], vector<16xf32>,
    %swap3A_628 = arith.constant 8 : i32
    %swap3A_629 = arith.index_cast %swap3A_628 : i32 to index
    %swap3A_630 = arith.constant 0 : index
    %swap3A_631 = tpu.vector_load %arg14[%swap3A_629, %swap3A_630] {strides = array<i32>} : memref<32x128xf32, #tpu.memory_space<vmem>>, vector<16xf32>,
    tpu.vector_store %arg14[%swap3A_629, %swap3A_630], %gather3A_627 {strides = array<i32>} : memref<32x128xf32, #tpu.memory_space<vmem>>, vector<16xf32>,
    %iota3A_632 = tpu.iota {dimensions = array<i32: 0>} : vector<16xi32>
    %add3A_633 = arith.constant 16 : i32
    %add3A_634 = vector.broadcast %add3A_633 : i32 to vector<16xi32>
    %add3A_635 = arith.addi %iota3A_632, %add3A_634 : vector<16xi32>
    %gather3A_636 = tpu.vector_load_idx %arg6[%add3A_635, %broadcast_in_dim3A_622] : memref<64x128xf32, #tpu.memory_space<vmem>>[vector<16xi32>, vector<16xi32>], vector<16xf32>,
    %swap3A_637 = arith.constant 8 : i32
    %swap3A_638 = arith.index_cast %swap3A_637 : i32 to index
    %swap3A_639 = arith.constant 16 : index
    %swap3A_640 = tpu.vector_load %arg14[%swap3A_638, %swap3A_639] {strides = array<i32>} : memref<32x128xf32, #tpu.memory_space<vmem>>, vector<16xf32>,
    tpu.vector_store %arg14[%swap3A_638, %swap3A_639], %gather3A_636 {strides = array<i32>} : memref<32x128xf32, #tpu.memory_space<vmem>>, vector<16xf32>,
    %iota3A_641 = tpu.iota {dimensions = array<i32: 0>} : vector<16xi32>
    %add3A_642 = arith.constant 32 : i32
    %add3A_643 = vector.broadcast %add3A_642 : i32 to vector<16xi32>
    %add3A_644 = arith.addi %iota3A_641, %add3A_643 : vector<16xi32>
    %gather3A_645 = tpu.vector_load_idx %arg6[%add3A_644, %broadcast_in_dim3A_622] : memref<64x128xf32, #tpu.memory_space<vmem>>[vector<16xi32>, vector<16xi32>], vector<16xf32>,
    %swap3A_646 = arith.constant 8 : i32
    %swap3A_647 = arith.index_cast %swap3A_646 : i32 to index
    %swap3A_648 = arith.constant 32 : index
    %swap3A_649 = tpu.vector_load %arg14[%swap3A_647, %swap3A_648] {strides = array<i32>} : memref<32x128xf32, #tpu.memory_space<vmem>>, vector<16xf32>,
    tpu.vector_store %arg14[%swap3A_647, %swap3A_648], %gather3A_645 {strides = array<i32>} : memref<32x128xf32, #tpu.memory_space<vmem>>, vector<16xf32>,
    %iota3A_650 = tpu.iota {dimensions = array<i32: 0>} : vector<16xi32>
    %add3A_651 = arith.constant 48 : i32
    %add3A_652 = vector.broadcast %add3A_651 : i32 to vector<16xi32>
    %add3A_653 = arith.addi %iota3A_650, %add3A_652 : vector<16xi32>
    %gather3A_654 = tpu.vector_load_idx %arg6[%add3A_653, %broadcast_in_dim3A_622] : memref<64x128xf32, #tpu.memory_space<vmem>>[vector<16xi32>, vector<16xi32>], vector<16xf32>,
    %swap3A_655 = arith.constant 8 : i32
    %swap3A_656 = arith.index_cast %swap3A_655 : i32 to index
    %swap3A_657 = arith.constant 48 : index
    %swap3A_658 = tpu.vector_load %arg14[%swap3A_656, %swap3A_657] {strides = array<i32>} : memref<32x128xf32, #tpu.memory_space<vmem>>, vector<16xf32>,
    tpu.vector_store %arg14[%swap3A_656, %swap3A_657], %gather3A_654 {strides = array<i32>} : memref<32x128xf32, #tpu.memory_space<vmem>>, vector<16xf32>,
    %shift_right_arithmetic3A_659 = arith.constant 7 : i32
    %shift_right_arithmetic3A_660 = arith.shrsi %squeeze3A_85, %shift_right_arithmetic3A_659 : i32
    %mul3A_661 = arith.constant 128 : i32
    %mul3A_662 = arith.muli %shift_right_arithmetic3A_660, %mul3A_661 : i32
    %multiple_of3A_663 = tpu.assume_multiple %mul3A_662, 128 : i32
    %dma_start3A_664 = arith.constant 0 : i32
    %dma_start3A_665 = tpu.memref_slice %arg2[%dma_start3A_664, %multiple_of3A_663] : memref<64x100000xf32, #tpu.memory_space<hbm>> -> memref<64x128xf32, #tpu.memory_space<hbm>>
    %dma_start3A_666 = arith.constant 0 : i32
    %dma_start3A_667 = tpu.memref_slice %arg2[%dma_start3A_666, %multiple_of3A_663] : memref<64x100000xf32, #tpu.memory_space<hbm>> -> memref<64x128xf32, #tpu.memory_space<hbm>>
    tpu.enqueue_dma source(%dma_start3A_667 : memref<64x128xf32, #tpu.memory_space<hbm>>) target(%arg6 : memref<64x128xf32, #tpu.memory_space<vmem>>) target_semaphore(%arg16 : memref<!tpu.dma_semaphore, #tpu.memory_space<semaphore_mem>>)
    %dma_wait3A_668 = arith.constant 0 : i32
    %dma_wait3A_669 = arith.constant 0 : i32
    %dma_wait3A_670 = tpu.memref_slice %arg2[%dma_wait3A_668, %dma_wait3A_669] : memref<64x100000xf32, #tpu.memory_space<hbm>> -> memref<64x128xf32, #tpu.memory_space<hbm>>
    %dma_wait3A_671 = arith.constant 0 : i32
    %dma_wait3A_672 = arith.constant 0 : i32
    %dma_wait3A_673 = tpu.memref_slice %arg2[%dma_wait3A_671, %dma_wait3A_672] : memref<64x100000xf32, #tpu.memory_space<hbm>> -> memref<64x128xf32, #tpu.memory_space<hbm>>
    tpu.wait_dma2 semaphore(%arg17 : memref<!tpu.dma_semaphore, #tpu.memory_space<semaphore_mem>>) src(%dma_wait3A_673 : memref<64x128xf32, #tpu.memory_space<hbm>>) dst(%arg7 : memref<64x128xf32, #tpu.memory_space<vmem>>)
    %and3A_674 = arith.constant 127 : i32
    %and3A_675 = arith.andi %squeeze3A_71, %and3A_674 : i32
    %broadcast_in_dim3A_676 = vector.broadcast %and3A_675 : i32 to vector<16xi32>
    %iota3A_677 = tpu.iota {dimensions = array<i32: 0>} : vector<16xi32>
    %add3A_678 = arith.constant 0 : i32
    %add3A_679 = vector.broadcast %add3A_678 : i32 to vector<16xi32>
    %add3A_680 = arith.addi %iota3A_677, %add3A_679 : vector<16xi32>
    %gather3A_681 = tpu.vector_load_idx %arg7[%add3A_680, %broadcast_in_dim3A_676] : memref<64x128xf32, #tpu.memory_space<vmem>>[vector<16xi32>, vector<16xi32>], vector<16xf32>,
    %swap3A_682 = arith.constant 9 : i32
    %swap3A_683 = arith.index_cast %swap3A_682 : i32 to index
    %swap3A_684 = arith.constant 0 : index
    %swap3A_685 = tpu.vector_load %arg14[%swap3A_683, %swap3A_684] {strides = array<i32>} : memref<32x128xf32, #tpu.memory_space<vmem>>, vector<16xf32>,
    tpu.vector_store %arg14[%swap3A_683, %swap3A_684], %gather3A_681 {strides = array<i32>} : memref<32x128xf32, #tpu.memory_space<vmem>>, vector<16xf32>,
    %iota3A_686 = tpu.iota {dimensions = array<i32: 0>} : vector<16xi32>
    %add3A_687 = arith.constant 16 : i32
    %add3A_688 = vector.broadcast %add3A_687 : i32 to vector<16xi32>
    %add3A_689 = arith.addi %iota3A_686, %add3A_688 : vector<16xi32>
    %gather3A_690 = tpu.vector_load_idx %arg7[%add3A_689, %broadcast_in_dim3A_676] : memref<64x128xf32, #tpu.memory_space<vmem>>[vector<16xi32>, vector<16xi32>], vector<16xf32>,
    %swap3A_691 = arith.constant 9 : i32
    %swap3A_692 = arith.index_cast %swap3A_691 : i32 to index
    %swap3A_693 = arith.constant 16 : index
    %swap3A_694 = tpu.vector_load %arg14[%swap3A_692, %swap3A_693] {strides = array<i32>} : memref<32x128xf32, #tpu.memory_space<vmem>>, vector<16xf32>,
    tpu.vector_store %arg14[%swap3A_692, %swap3A_693], %gather3A_690 {strides = array<i32>} : memref<32x128xf32, #tpu.memory_space<vmem>>, vector<16xf32>,
    %iota3A_695 = tpu.iota {dimensions = array<i32: 0>} : vector<16xi32>
    %add3A_696 = arith.constant 32 : i32
    %add3A_697 = vector.broadcast %add3A_696 : i32 to vector<16xi32>
    %add3A_698 = arith.addi %iota3A_695, %add3A_697 : vector<16xi32>
    %gather3A_699 = tpu.vector_load_idx %arg7[%add3A_698, %broadcast_in_dim3A_676] : memref<64x128xf32, #tpu.memory_space<vmem>>[vector<16xi32>, vector<16xi32>], vector<16xf32>,
    %swap3A_700 = arith.constant 9 : i32
    %swap3A_701 = arith.index_cast %swap3A_700 : i32 to index
    %swap3A_702 = arith.constant 32 : index
    %swap3A_703 = tpu.vector_load %arg14[%swap3A_701, %swap3A_702] {strides = array<i32>} : memref<32x128xf32, #tpu.memory_space<vmem>>, vector<16xf32>,
    tpu.vector_store %arg14[%swap3A_701, %swap3A_702], %gather3A_699 {strides = array<i32>} : memref<32x128xf32, #tpu.memory_space<vmem>>, vector<16xf32>,
    %iota3A_704 = tpu.iota {dimensions = array<i32: 0>} : vector<16xi32>
    %add3A_705 = arith.constant 48 : i32
    %add3A_706 = vector.broadcast %add3A_705 : i32 to vector<16xi32>
    %add3A_707 = arith.addi %iota3A_704, %add3A_706 : vector<16xi32>
    %gather3A_708 = tpu.vector_load_idx %arg7[%add3A_707, %broadcast_in_dim3A_676] : memref<64x128xf32, #tpu.memory_space<vmem>>[vector<16xi32>, vector<16xi32>], vector<16xf32>,
    %swap3A_709 = arith.constant 9 : i32
    %swap3A_710 = arith.index_cast %swap3A_709 : i32 to index
    %swap3A_711 = arith.constant 48 : index
    %swap3A_712 = tpu.vector_load %arg14[%swap3A_710, %swap3A_711] {strides = array<i32>} : memref<32x128xf32, #tpu.memory_space<vmem>>, vector<16xf32>,
    tpu.vector_store %arg14[%swap3A_710, %swap3A_711], %gather3A_708 {strides = array<i32>} : memref<32x128xf32, #tpu.memory_space<vmem>>, vector<16xf32>,
    %shift_right_arithmetic3A_713 = arith.constant 7 : i32
    %shift_right_arithmetic3A_714 = arith.shrsi %squeeze3A_87, %shift_right_arithmetic3A_713 : i32
    %mul3A_715 = arith.constant 128 : i32
    %mul3A_716 = arith.muli %shift_right_arithmetic3A_714, %mul3A_715 : i32
    %multiple_of3A_717 = tpu.assume_multiple %mul3A_716, 128 : i32
    %dma_start3A_718 = arith.constant 0 : i32
    %dma_start3A_719 = tpu.memref_slice %arg2[%dma_start3A_718, %multiple_of3A_717] : memref<64x100000xf32, #tpu.memory_space<hbm>> -> memref<64x128xf32, #tpu.memory_space<hbm>>
    %dma_start3A_720 = arith.constant 0 : i32
    %dma_start3A_721 = tpu.memref_slice %arg2[%dma_start3A_720, %multiple_of3A_717] : memref<64x100000xf32, #tpu.memory_space<hbm>> -> memref<64x128xf32, #tpu.memory_space<hbm>>
    tpu.enqueue_dma source(%dma_start3A_721 : memref<64x128xf32, #tpu.memory_space<hbm>>) target(%arg7 : memref<64x128xf32, #tpu.memory_space<vmem>>) target_semaphore(%arg17 : memref<!tpu.dma_semaphore, #tpu.memory_space<semaphore_mem>>)
    %dma_wait3A_722 = arith.constant 0 : i32
    %dma_wait3A_723 = arith.constant 0 : i32
    %dma_wait3A_724 = tpu.memref_slice %arg2[%dma_wait3A_722, %dma_wait3A_723] : memref<64x100000xf32, #tpu.memory_space<hbm>> -> memref<64x128xf32, #tpu.memory_space<hbm>>
    %dma_wait3A_725 = arith.constant 0 : i32
    %dma_wait3A_726 = arith.constant 0 : i32
    %dma_wait3A_727 = tpu.memref_slice %arg2[%dma_wait3A_725, %dma_wait3A_726] : memref<64x100000xf32, #tpu.memory_space<hbm>> -> memref<64x128xf32, #tpu.memory_space<hbm>>
    tpu.wait_dma2 semaphore(%arg18 : memref<!tpu.dma_semaphore, #tpu.memory_space<semaphore_mem>>) src(%dma_wait3A_727 : memref<64x128xf32, #tpu.memory_space<hbm>>) dst(%arg8 : memref<64x128xf32, #tpu.memory_space<vmem>>)
    %and3A_728 = arith.constant 127 : i32
    %and3A_729 = arith.andi %squeeze3A_73, %and3A_728 : i32
    %broadcast_in_dim3A_730 = vector.broadcast %and3A_729 : i32 to vector<16xi32>
    %iota3A_731 = tpu.iota {dimensions = array<i32: 0>} : vector<16xi32>
    %add3A_732 = arith.constant 0 : i32
    %add3A_733 = vector.broadcast %add3A_732 : i32 to vector<16xi32>
    %add3A_734 = arith.addi %iota3A_731, %add3A_733 : vector<16xi32>
    %gather3A_735 = tpu.vector_load_idx %arg8[%add3A_734, %broadcast_in_dim3A_730] : memref<64x128xf32, #tpu.memory_space<vmem>>[vector<16xi32>, vector<16xi32>], vector<16xf32>,
    %swap3A_736 = arith.constant 10 : i32
    %swap3A_737 = arith.index_cast %swap3A_736 : i32 to index
    %swap3A_738 = arith.constant 0 : index
    %swap3A_739 = tpu.vector_load %arg14[%swap3A_737, %swap3A_738] {strides = array<i32>} : memref<32x128xf32, #tpu.memory_space<vmem>>, vector<16xf32>,
    tpu.vector_store %arg14[%swap3A_737, %swap3A_738], %gather3A_735 {strides = array<i32>} : memref<32x128xf32, #tpu.memory_space<vmem>>, vector<16xf32>,
    %iota3A_740 = tpu.iota {dimensions = array<i32: 0>} : vector<16xi32>
    %add3A_741 = arith.constant 16 : i32
    %add3A_742 = vector.broadcast %add3A_741 : i32 to vector<16xi32>
    %add3A_743 = arith.addi %iota3A_740, %add3A_742 : vector<16xi32>
    %gather3A_744 = tpu.vector_load_idx %arg8[%add3A_743, %broadcast_in_dim3A_730] : memref<64x128xf32, #tpu.memory_space<vmem>>[vector<16xi32>, vector<16xi32>], vector<16xf32>,
    %swap3A_745 = arith.constant 10 : i32
    %swap3A_746 = arith.index_cast %swap3A_745 : i32 to index
    %swap3A_747 = arith.constant 16 : index
    %swap3A_748 = tpu.vector_load %arg14[%swap3A_746, %swap3A_747] {strides = array<i32>} : memref<32x128xf32, #tpu.memory_space<vmem>>, vector<16xf32>,
    tpu.vector_store %arg14[%swap3A_746, %swap3A_747], %gather3A_744 {strides = array<i32>} : memref<32x128xf32, #tpu.memory_space<vmem>>, vector<16xf32>,
    %iota3A_749 = tpu.iota {dimensions = array<i32: 0>} : vector<16xi32>
    %add3A_750 = arith.constant 32 : i32
    %add3A_751 = vector.broadcast %add3A_750 : i32 to vector<16xi32>
    %add3A_752 = arith.addi %iota3A_749, %add3A_751 : vector<16xi32>
    %gather3A_753 = tpu.vector_load_idx %arg8[%add3A_752, %broadcast_in_dim3A_730] : memref<64x128xf32, #tpu.memory_space<vmem>>[vector<16xi32>, vector<16xi32>], vector<16xf32>,
    %swap3A_754 = arith.constant 10 : i32
    %swap3A_755 = arith.index_cast %swap3A_754 : i32 to index
    %swap3A_756 = arith.constant 32 : index
    %swap3A_757 = tpu.vector_load %arg14[%swap3A_755, %swap3A_756] {strides = array<i32>} : memref<32x128xf32, #tpu.memory_space<vmem>>, vector<16xf32>,
    tpu.vector_store %arg14[%swap3A_755, %swap3A_756], %gather3A_753 {strides = array<i32>} : memref<32x128xf32, #tpu.memory_space<vmem>>, vector<16xf32>,
    %iota3A_758 = tpu.iota {dimensions = array<i32: 0>} : vector<16xi32>
    %add3A_759 = arith.constant 48 : i32
    %add3A_760 = vector.broadcast %add3A_759 : i32 to vector<16xi32>
    %add3A_761 = arith.addi %iota3A_758, %add3A_760 : vector<16xi32>
    %gather3A_762 = tpu.vector_load_idx %arg8[%add3A_761, %broadcast_in_dim3A_730] : memref<64x128xf32, #tpu.memory_space<vmem>>[vector<16xi32>, vector<16xi32>], vector<16xf32>,
    %swap3A_763 = arith.constant 10 : i32
    %swap3A_764 = arith.index_cast %swap3A_763 : i32 to index
    %swap3A_765 = arith.constant 48 : index
    %swap3A_766 = tpu.vector_load %arg14[%swap3A_764, %swap3A_765] {strides = array<i32>} : memref<32x128xf32, #tpu.memory_space<vmem>>, vector<16xf32>,
    tpu.vector_store %arg14[%swap3A_764, %swap3A_765], %gather3A_762 {strides = array<i32>} : memref<32x128xf32, #tpu.memory_space<vmem>>, vector<16xf32>,
    %shift_right_arithmetic3A_767 = arith.constant 7 : i32
    %shift_right_arithmetic3A_768 = arith.shrsi %squeeze3A_89, %shift_right_arithmetic3A_767 : i32
    %mul3A_769 = arith.constant 128 : i32
    %mul3A_770 = arith.muli %shift_right_arithmetic3A_768, %mul3A_769 : i32
    %multiple_of3A_771 = tpu.assume_multiple %mul3A_770, 128 : i32
    %dma_start3A_772 = arith.constant 0 : i32
    %dma_start3A_773 = tpu.memref_slice %arg2[%dma_start3A_772, %multiple_of3A_771] : memref<64x100000xf32, #tpu.memory_space<hbm>> -> memref<64x128xf32, #tpu.memory_space<hbm>>
    %dma_start3A_774 = arith.constant 0 : i32
    %dma_start3A_775 = tpu.memref_slice %arg2[%dma_start3A_774, %multiple_of3A_771] : memref<64x100000xf32, #tpu.memory_space<hbm>> -> memref<64x128xf32, #tpu.memory_space<hbm>>
    tpu.enqueue_dma source(%dma_start3A_775 : memref<64x128xf32, #tpu.memory_space<hbm>>) target(%arg8 : memref<64x128xf32, #tpu.memory_space<vmem>>) target_semaphore(%arg18 : memref<!tpu.dma_semaphore, #tpu.memory_space<semaphore_mem>>)
    %dma_wait3A_776 = arith.constant 0 : i32
    %dma_wait3A_777 = arith.constant 0 : i32
    %dma_wait3A_778 = tpu.memref_slice %arg2[%dma_wait3A_776, %dma_wait3A_777] : memref<64x100000xf32, #tpu.memory_space<hbm>> -> memref<64x128xf32, #tpu.memory_space<hbm>>
    %dma_wait3A_779 = arith.constant 0 : i32
    %dma_wait3A_780 = arith.constant 0 : i32
    %dma_wait3A_781 = tpu.memref_slice %arg2[%dma_wait3A_779, %dma_wait3A_780] : memref<64x100000xf32, #tpu.memory_space<hbm>> -> memref<64x128xf32, #tpu.memory_space<hbm>>
    tpu.wait_dma2 semaphore(%arg19 : memref<!tpu.dma_semaphore, #tpu.memory_space<semaphore_mem>>) src(%dma_wait3A_781 : memref<64x128xf32, #tpu.memory_space<hbm>>) dst(%arg9 : memref<64x128xf32, #tpu.memory_space<vmem>>)
    %and3A_782 = arith.constant 127 : i32
    %and3A_783 = arith.andi %squeeze3A_75, %and3A_782 : i32
    %broadcast_in_dim3A_784 = vector.broadcast %and3A_783 : i32 to vector<16xi32>
    %iota3A_785 = tpu.iota {dimensions = array<i32: 0>} : vector<16xi32>
    %add3A_786 = arith.constant 0 : i32
    %add3A_787 = vector.broadcast %add3A_786 : i32 to vector<16xi32>
    %add3A_788 = arith.addi %iota3A_785, %add3A_787 : vector<16xi32>
    %gather3A_789 = tpu.vector_load_idx %arg9[%add3A_788, %broadcast_in_dim3A_784] : memref<64x128xf32, #tpu.memory_space<vmem>>[vector<16xi32>, vector<16xi32>], vector<16xf32>,
    %swap3A_790 = arith.constant 11 : i32
    %swap3A_791 = arith.index_cast %swap3A_790 : i32 to index
    %swap3A_792 = arith.constant 0 : index
    %swap3A_793 = tpu.vector_load %arg14[%swap3A_791, %swap3A_792] {strides = array<i32>} : memref<32x128xf32, #tpu.memory_space<vmem>>, vector<16xf32>,
    tpu.vector_store %arg14[%swap3A_791, %swap3A_792], %gather3A_789 {strides = array<i32>} : memref<32x128xf32, #tpu.memory_space<vmem>>, vector<16xf32>,
    %iota3A_794 = tpu.iota {dimensions = array<i32: 0>} : vector<16xi32>
    %add3A_795 = arith.constant 16 : i32
    %add3A_796 = vector.broadcast %add3A_795 : i32 to vector<16xi32>
    %add3A_797 = arith.addi %iota3A_794, %add3A_796 : vector<16xi32>
    %gather3A_798 = tpu.vector_load_idx %arg9[%add3A_797, %broadcast_in_dim3A_784] : memref<64x128xf32, #tpu.memory_space<vmem>>[vector<16xi32>, vector<16xi32>], vector<16xf32>,
    %swap3A_799 = arith.constant 11 : i32
    %swap3A_800 = arith.index_cast %swap3A_799 : i32 to index
    %swap3A_801 = arith.constant 16 : index
    %swap3A_802 = tpu.vector_load %arg14[%swap3A_800, %swap3A_801] {strides = array<i32>} : memref<32x128xf32, #tpu.memory_space<vmem>>, vector<16xf32>,
    tpu.vector_store %arg14[%swap3A_800, %swap3A_801], %gather3A_798 {strides = array<i32>} : memref<32x128xf32, #tpu.memory_space<vmem>>, vector<16xf32>,
    %iota3A_803 = tpu.iota {dimensions = array<i32: 0>} : vector<16xi32>
    %add3A_804 = arith.constant 32 : i32
    %add3A_805 = vector.broadcast %add3A_804 : i32 to vector<16xi32>
    %add3A_806 = arith.addi %iota3A_803, %add3A_805 : vector<16xi32>
    %gather3A_807 = tpu.vector_load_idx %arg9[%add3A_806, %broadcast_in_dim3A_784] : memref<64x128xf32, #tpu.memory_space<vmem>>[vector<16xi32>, vector<16xi32>], vector<16xf32>,
    %swap3A_808 = arith.constant 11 : i32
    %swap3A_809 = arith.index_cast %swap3A_808 : i32 to index
    %swap3A_810 = arith.constant 32 : index
    %swap3A_811 = tpu.vector_load %arg14[%swap3A_809, %swap3A_810] {strides = array<i32>} : memref<32x128xf32, #tpu.memory_space<vmem>>, vector<16xf32>,
    tpu.vector_store %arg14[%swap3A_809, %swap3A_810], %gather3A_807 {strides = array<i32>} : memref<32x128xf32, #tpu.memory_space<vmem>>, vector<16xf32>,
    %iota3A_812 = tpu.iota {dimensions = array<i32: 0>} : vector<16xi32>
    %add3A_813 = arith.constant 48 : i32
    %add3A_814 = vector.broadcast %add3A_813 : i32 to vector<16xi32>
    %add3A_815 = arith.addi %iota3A_812, %add3A_814 : vector<16xi32>
    %gather3A_816 = tpu.vector_load_idx %arg9[%add3A_815, %broadcast_in_dim3A_784] : memref<64x128xf32, #tpu.memory_space<vmem>>[vector<16xi32>, vector<16xi32>], vector<16xf32>,
    %swap3A_817 = arith.constant 11 : i32
    %swap3A_818 = arith.index_cast %swap3A_817 : i32 to index
    %swap3A_819 = arith.constant 48 : index
    %swap3A_820 = tpu.vector_load %arg14[%swap3A_818, %swap3A_819] {strides = array<i32>} : memref<32x128xf32, #tpu.memory_space<vmem>>, vector<16xf32>,
    tpu.vector_store %arg14[%swap3A_818, %swap3A_819], %gather3A_816 {strides = array<i32>} : memref<32x128xf32, #tpu.memory_space<vmem>>, vector<16xf32>,
    %shift_right_arithmetic3A_821 = arith.constant 7 : i32
    %shift_right_arithmetic3A_822 = arith.shrsi %squeeze3A_91, %shift_right_arithmetic3A_821 : i32
    %mul3A_823 = arith.constant 128 : i32
    %mul3A_824 = arith.muli %shift_right_arithmetic3A_822, %mul3A_823 : i32
    %multiple_of3A_825 = tpu.assume_multiple %mul3A_824, 128 : i32
    %dma_start3A_826 = arith.constant 0 : i32
    %dma_start3A_827 = tpu.memref_slice %arg2[%dma_start3A_826, %multiple_of3A_825] : memref<64x100000xf32, #tpu.memory_space<hbm>> -> memref<64x128xf32, #tpu.memory_space<hbm>>
    %dma_start3A_828 = arith.constant 0 : i32
    %dma_start3A_829 = tpu.memref_slice %arg2[%dma_start3A_828, %multiple_of3A_825] : memref<64x100000xf32, #tpu.memory_space<hbm>> -> memref<64x128xf32, #tpu.memory_space<hbm>>
    tpu.enqueue_dma source(%dma_start3A_829 : memref<64x128xf32, #tpu.memory_space<hbm>>) target(%arg9 : memref<64x128xf32, #tpu.memory_space<vmem>>) target_semaphore(%arg19 : memref<!tpu.dma_semaphore, #tpu.memory_space<semaphore_mem>>)
    %dma_wait3A_830 = arith.constant 0 : i32
    %dma_wait3A_831 = arith.constant 0 : i32
    %dma_wait3A_832 = tpu.memref_slice %arg2[%dma_wait3A_830, %dma_wait3A_831] : memref<64x100000xf32, #tpu.memory_space<hbm>> -> memref<64x128xf32, #tpu.memory_space<hbm>>
    %dma_wait3A_833 = arith.constant 0 : i32
    %dma_wait3A_834 = arith.constant 0 : i32
    %dma_wait3A_835 = tpu.memref_slice %arg2[%dma_wait3A_833, %dma_wait3A_834] : memref<64x100000xf32, #tpu.memory_space<hbm>> -> memref<64x128xf32, #tpu.memory_space<hbm>>
    tpu.wait_dma2 semaphore(%arg20 : memref<!tpu.dma_semaphore, #tpu.memory_space<semaphore_mem>>) src(%dma_wait3A_835 : memref<64x128xf32, #tpu.memory_space<hbm>>) dst(%arg10 : memref<64x128xf32, #tpu.memory_space<vmem>>)
    %and3A_836 = arith.constant 127 : i32
    %and3A_837 = arith.andi %squeeze3A_77, %and3A_836 : i32
    %broadcast_in_dim3A_838 = vector.broadcast %and3A_837 : i32 to vector<16xi32>
    %iota3A_839 = tpu.iota {dimensions = array<i32: 0>} : vector<16xi32>
    %add3A_840 = arith.constant 0 : i32
    %add3A_841 = vector.broadcast %add3A_840 : i32 to vector<16xi32>
    %add3A_842 = arith.addi %iota3A_839, %add3A_841 : vector<16xi32>
    %gather3A_843 = tpu.vector_load_idx %arg10[%add3A_842, %broadcast_in_dim3A_838] : memref<64x128xf32, #tpu.memory_space<vmem>>[vector<16xi32>, vector<16xi32>], vector<16xf32>,
    %swap3A_844 = arith.constant 12 : i32
    %swap3A_845 = arith.index_cast %swap3A_844 : i32 to index
    %swap3A_846 = arith.constant 0 : index
    %swap3A_847 = tpu.vector_load %arg14[%swap3A_845, %swap3A_846] {strides = array<i32>} : memref<32x128xf32, #tpu.memory_space<vmem>>, vector<16xf32>,
    tpu.vector_store %arg14[%swap3A_845, %swap3A_846], %gather3A_843 {strides = array<i32>} : memref<32x128xf32, #tpu.memory_space<vmem>>, vector<16xf32>,
    %iota3A_848 = tpu.iota {dimensions = array<i32: 0>} : vector<16xi32>
    %add3A_849 = arith.constant 16 : i32
    %add3A_850 = vector.broadcast %add3A_849 : i32 to vector<16xi32>
    %add3A_851 = arith.addi %iota3A_848, %add3A_850 : vector<16xi32>
    %gather3A_852 = tpu.vector_load_idx %arg10[%add3A_851, %broadcast_in_dim3A_838] : memref<64x128xf32, #tpu.memory_space<vmem>>[vector<16xi32>, vector<16xi32>], vector<16xf32>,
    %swap3A_853 = arith.constant 12 : i32
    %swap3A_854 = arith.index_cast %swap3A_853 : i32 to index
    %swap3A_855 = arith.constant 16 : index
    %swap3A_856 = tpu.vector_load %arg14[%swap3A_854, %swap3A_855] {strides = array<i32>} : memref<32x128xf32, #tpu.memory_space<vmem>>, vector<16xf32>,
    tpu.vector_store %arg14[%swap3A_854, %swap3A_855], %gather3A_852 {strides = array<i32>} : memref<32x128xf32, #tpu.memory_space<vmem>>, vector<16xf32>,
    %iota3A_857 = tpu.iota {dimensions = array<i32: 0>} : vector<16xi32>
    %add3A_858 = arith.constant 32 : i32
    %add3A_859 = vector.broadcast %add3A_858 : i32 to vector<16xi32>
    %add3A_860 = arith.addi %iota3A_857, %add3A_859 : vector<16xi32>
    %gather3A_861 = tpu.vector_load_idx %arg10[%add3A_860, %broadcast_in_dim3A_838] : memref<64x128xf32, #tpu.memory_space<vmem>>[vector<16xi32>, vector<16xi32>], vector<16xf32>,
    %swap3A_862 = arith.constant 12 : i32
    %swap3A_863 = arith.index_cast %swap3A_862 : i32 to index
    %swap3A_864 = arith.constant 32 : index
    %swap3A_865 = tpu.vector_load %arg14[%swap3A_863, %swap3A_864] {strides = array<i32>} : memref<32x128xf32, #tpu.memory_space<vmem>>, vector<16xf32>,
    tpu.vector_store %arg14[%swap3A_863, %swap3A_864], %gather3A_861 {strides = array<i32>} : memref<32x128xf32, #tpu.memory_space<vmem>>, vector<16xf32>,
    %iota3A_866 = tpu.iota {dimensions = array<i32: 0>} : vector<16xi32>
    %add3A_867 = arith.constant 48 : i32
    %add3A_868 = vector.broadcast %add3A_867 : i32 to vector<16xi32>
    %add3A_869 = arith.addi %iota3A_866, %add3A_868 : vector<16xi32>
    %gather3A_870 = tpu.vector_load_idx %arg10[%add3A_869, %broadcast_in_dim3A_838] : memref<64x128xf32, #tpu.memory_space<vmem>>[vector<16xi32>, vector<16xi32>], vector<16xf32>,
    %swap3A_871 = arith.constant 12 : i32
    %swap3A_872 = arith.index_cast %swap3A_871 : i32 to index
    %swap3A_873 = arith.constant 48 : index
    %swap3A_874 = tpu.vector_load %arg14[%swap3A_872, %swap3A_873] {strides = array<i32>} : memref<32x128xf32, #tpu.memory_space<vmem>>, vector<16xf32>,
    tpu.vector_store %arg14[%swap3A_872, %swap3A_873], %gather3A_870 {strides = array<i32>} : memref<32x128xf32, #tpu.memory_space<vmem>>, vector<16xf32>,
    %shift_right_arithmetic3A_875 = arith.constant 7 : i32
    %shift_right_arithmetic3A_876 = arith.shrsi %squeeze3A_93, %shift_right_arithmetic3A_875 : i32
    %mul3A_877 = arith.constant 128 : i32
    %mul3A_878 = arith.muli %shift_right_arithmetic3A_876, %mul3A_877 : i32
    %multiple_of3A_879 = tpu.assume_multiple %mul3A_878, 128 : i32
    %dma_start3A_880 = arith.constant 0 : i32
    %dma_start3A_881 = tpu.memref_slice %arg2[%dma_start3A_880, %multiple_of3A_879] : memref<64x100000xf32, #tpu.memory_space<hbm>> -> memref<64x128xf32, #tpu.memory_space<hbm>>
    %dma_start3A_882 = arith.constant 0 : i32
    %dma_start3A_883 = tpu.memref_slice %arg2[%dma_start3A_882, %multiple_of3A_879] : memref<64x100000xf32, #tpu.memory_space<hbm>> -> memref<64x128xf32, #tpu.memory_space<hbm>>
    tpu.enqueue_dma source(%dma_start3A_883 : memref<64x128xf32, #tpu.memory_space<hbm>>) target(%arg10 : memref<64x128xf32, #tpu.memory_space<vmem>>) target_semaphore(%arg20 : memref<!tpu.dma_semaphore, #tpu.memory_space<semaphore_mem>>)
    %dma_wait3A_884 = arith.constant 0 : i32
    %dma_wait3A_885 = arith.constant 0 : i32
    %dma_wait3A_886 = tpu.memref_slice %arg2[%dma_wait3A_884, %dma_wait3A_885] : memref<64x100000xf32, #tpu.memory_space<hbm>> -> memref<64x128xf32, #tpu.memory_space<hbm>>
    %dma_wait3A_887 = arith.constant 0 : i32
    %dma_wait3A_888 = arith.constant 0 : i32
    %dma_wait3A_889 = tpu.memref_slice %arg2[%dma_wait3A_887, %dma_wait3A_888] : memref<64x100000xf32, #tpu.memory_space<hbm>> -> memref<64x128xf32, #tpu.memory_space<hbm>>
    tpu.wait_dma2 semaphore(%arg21 : memref<!tpu.dma_semaphore, #tpu.memory_space<semaphore_mem>>) src(%dma_wait3A_889 : memref<64x128xf32, #tpu.memory_space<hbm>>) dst(%arg11 : memref<64x128xf32, #tpu.memory_space<vmem>>)
    %and3A_890 = arith.constant 127 : i32
    %and3A_891 = arith.andi %squeeze3A_79, %and3A_890 : i32
    %broadcast_in_dim3A_892 = vector.broadcast %and3A_891 : i32 to vector<16xi32>
    %iota3A_893 = tpu.iota {dimensions = array<i32: 0>} : vector<16xi32>
    %add3A_894 = arith.constant 0 : i32
    %add3A_895 = vector.broadcast %add3A_894 : i32 to vector<16xi32>
    %add3A_896 = arith.addi %iota3A_893, %add3A_895 : vector<16xi32>
    %gather3A_897 = tpu.vector_load_idx %arg11[%add3A_896, %broadcast_in_dim3A_892] : memref<64x128xf32, #tpu.memory_space<vmem>>[vector<16xi32>, vector<16xi32>], vector<16xf32>,
    %swap3A_898 = arith.constant 13 : i32
    %swap3A_899 = arith.index_cast %swap3A_898 : i32 to index
    %swap3A_900 = arith.constant 0 : index
    %swap3A_901 = tpu.vector_load %arg14[%swap3A_899, %swap3A_900] {strides = array<i32>} : memref<32x128xf32, #tpu.memory_space<vmem>>, vector<16xf32>,
    tpu.vector_store %arg14[%swap3A_899, %swap3A_900], %gather3A_897 {strides = array<i32>} : memref<32x128xf32, #tpu.memory_space<vmem>>, vector<16xf32>,
    %iota3A_902 = tpu.iota {dimensions = array<i32: 0>} : vector<16xi32>
    %add3A_903 = arith.constant 16 : i32
    %add3A_904 = vector.broadcast %add3A_903 : i32 to vector<16xi32>
    %add3A_905 = arith.addi %iota3A_902, %add3A_904 : vector<16xi32>
    %gather3A_906 = tpu.vector_load_idx %arg11[%add3A_905, %broadcast_in_dim3A_892] : memref<64x128xf32, #tpu.memory_space<vmem>>[vector<16xi32>, vector<16xi32>], vector<16xf32>,
    %swap3A_907 = arith.constant 13 : i32
    %swap3A_908 = arith.index_cast %swap3A_907 : i32 to index
    %swap3A_909 = arith.constant 16 : index
    %swap3A_910 = tpu.vector_load %arg14[%swap3A_908, %swap3A_909] {strides = array<i32>} : memref<32x128xf32, #tpu.memory_space<vmem>>, vector<16xf32>,
    tpu.vector_store %arg14[%swap3A_908, %swap3A_909], %gather3A_906 {strides = array<i32>} : memref<32x128xf32, #tpu.memory_space<vmem>>, vector<16xf32>,
    %iota3A_911 = tpu.iota {dimensions = array<i32: 0>} : vector<16xi32>
    %add3A_912 = arith.constant 32 : i32
    %add3A_913 = vector.broadcast %add3A_912 : i32 to vector<16xi32>
    %add3A_914 = arith.addi %iota3A_911, %add3A_913 : vector<16xi32>
    %gather3A_915 = tpu.vector_load_idx %arg11[%add3A_914, %broadcast_in_dim3A_892] : memref<64x128xf32, #tpu.memory_space<vmem>>[vector<16xi32>, vector<16xi32>], vector<16xf32>,
    %swap3A_916 = arith.constant 13 : i32
    %swap3A_917 = arith.index_cast %swap3A_916 : i32 to index
    %swap3A_918 = arith.constant 32 : index
    %swap3A_919 = tpu.vector_load %arg14[%swap3A_917, %swap3A_918] {strides = array<i32>} : memref<32x128xf32, #tpu.memory_space<vmem>>, vector<16xf32>,
    tpu.vector_store %arg14[%swap3A_917, %swap3A_918], %gather3A_915 {strides = array<i32>} : memref<32x128xf32, #tpu.memory_space<vmem>>, vector<16xf32>,
    %iota3A_920 = tpu.iota {dimensions = array<i32: 0>} : vector<16xi32>
    %add3A_921 = arith.constant 48 : i32
    %add3A_922 = vector.broadcast %add3A_921 : i32 to vector<16xi32>
    %add3A_923 = arith.addi %iota3A_920, %add3A_922 : vector<16xi32>
    %gather3A_924 = tpu.vector_load_idx %arg11[%add3A_923, %broadcast_in_dim3A_892] : memref<64x128xf32, #tpu.memory_space<vmem>>[vector<16xi32>, vector<16xi32>], vector<16xf32>,
    %swap3A_925 = arith.constant 13 : i32
    %swap3A_926 = arith.index_cast %swap3A_925 : i32 to index
    %swap3A_927 = arith.constant 48 : index
    %swap3A_928 = tpu.vector_load %arg14[%swap3A_926, %swap3A_927] {strides = array<i32>} : memref<32x128xf32, #tpu.memory_space<vmem>>, vector<16xf32>,
    tpu.vector_store %arg14[%swap3A_926, %swap3A_927], %gather3A_924 {strides = array<i32>} : memref<32x128xf32, #tpu.memory_space<vmem>>, vector<16xf32>,
    %shift_right_arithmetic3A_929 = arith.constant 7 : i32
    %shift_right_arithmetic3A_930 = arith.shrsi %squeeze3A_95, %shift_right_arithmetic3A_929 : i32
    %mul3A_931 = arith.constant 128 : i32
    %mul3A_932 = arith.muli %shift_right_arithmetic3A_930, %mul3A_931 : i32
    %multiple_of3A_933 = tpu.assume_multiple %mul3A_932, 128 : i32
    %dma_start3A_934 = arith.constant 0 : i32
    %dma_start3A_935 = tpu.memref_slice %arg2[%dma_start3A_934, %multiple_of3A_933] : memref<64x100000xf32, #tpu.memory_space<hbm>> -> memref<64x128xf32, #tpu.memory_space<hbm>>
    %dma_start3A_936 = arith.constant 0 : i32
    %dma_start3A_937 = tpu.memref_slice %arg2[%dma_start3A_936, %multiple_of3A_933] : memref<64x100000xf32, #tpu.memory_space<hbm>> -> memref<64x128xf32, #tpu.memory_space<hbm>>
    tpu.enqueue_dma source(%dma_start3A_937 : memref<64x128xf32, #tpu.memory_space<hbm>>) target(%arg11 : memref<64x128xf32, #tpu.memory_space<vmem>>) target_semaphore(%arg21 : memref<!tpu.dma_semaphore, #tpu.memory_space<semaphore_mem>>)
    %dma_wait3A_938 = arith.constant 0 : i32
    %dma_wait3A_939 = arith.constant 0 : i32
    %dma_wait3A_940 = tpu.memref_slice %arg2[%dma_wait3A_938, %dma_wait3A_939] : memref<64x100000xf32, #tpu.memory_space<hbm>> -> memref<64x128xf32, #tpu.memory_space<hbm>>
    %dma_wait3A_941 = arith.constant 0 : i32
    %dma_wait3A_942 = arith.constant 0 : i32
    %dma_wait3A_943 = tpu.memref_slice %arg2[%dma_wait3A_941, %dma_wait3A_942] : memref<64x100000xf32, #tpu.memory_space<hbm>> -> memref<64x128xf32, #tpu.memory_space<hbm>>
    tpu.wait_dma2 semaphore(%arg22 : memref<!tpu.dma_semaphore, #tpu.memory_space<semaphore_mem>>) src(%dma_wait3A_943 : memref<64x128xf32, #tpu.memory_space<hbm>>) dst(%arg12 : memref<64x128xf32, #tpu.memory_space<vmem>>)
    %and3A_944 = arith.constant 127 : i32
    %and3A_945 = arith.andi %squeeze3A_81, %and3A_944 : i32
    %broadcast_in_dim3A_946 = vector.broadcast %and3A_945 : i32 to vector<16xi32>
    %iota3A_947 = tpu.iota {dimensions = array<i32: 0>} : vector<16xi32>
    %add3A_948 = arith.constant 0 : i32
    %add3A_949 = vector.broadcast %add3A_948 : i32 to vector<16xi32>
    %add3A_950 = arith.addi %iota3A_947, %add3A_949 : vector<16xi32>
    %gather3A_951 = tpu.vector_load_idx %arg12[%add3A_950, %broadcast_in_dim3A_946] : memref<64x128xf32, #tpu.memory_space<vmem>>[vector<16xi32>, vector<16xi32>], vector<16xf32>,
    %swap3A_952 = arith.constant 14 : i32
    %swap3A_953 = arith.index_cast %swap3A_952 : i32 to index
    %swap3A_954 = arith.constant 0 : index
    %swap3A_955 = tpu.vector_load %arg14[%swap3A_953, %swap3A_954] {strides = array<i32>} : memref<32x128xf32, #tpu.memory_space<vmem>>, vector<16xf32>,
    tpu.vector_store %arg14[%swap3A_953, %swap3A_954], %gather3A_951 {strides = array<i32>} : memref<32x128xf32, #tpu.memory_space<vmem>>, vector<16xf32>,
    %iota3A_956 = tpu.iota {dimensions = array<i32: 0>} : vector<16xi32>
    %add3A_957 = arith.constant 16 : i32
    %add3A_958 = vector.broadcast %add3A_957 : i32 to vector<16xi32>
    %add3A_959 = arith.addi %iota3A_956, %add3A_958 : vector<16xi32>
    %gather3A_960 = tpu.vector_load_idx %arg12[%add3A_959, %broadcast_in_dim3A_946] : memref<64x128xf32, #tpu.memory_space<vmem>>[vector<16xi32>, vector<16xi32>], vector<16xf32>,
    %swap3A_961 = arith.constant 14 : i32
    %swap3A_962 = arith.index_cast %swap3A_961 : i32 to index
    %swap3A_963 = arith.constant 16 : index
    %swap3A_964 = tpu.vector_load %arg14[%swap3A_962, %swap3A_963] {strides = array<i32>} : memref<32x128xf32, #tpu.memory_space<vmem>>, vector<16xf32>,
    tpu.vector_store %arg14[%swap3A_962, %swap3A_963], %gather3A_960 {strides = array<i32>} : memref<32x128xf32, #tpu.memory_space<vmem>>, vector<16xf32>,
    %iota3A_965 = tpu.iota {dimensions = array<i32: 0>} : vector<16xi32>
    %add3A_966 = arith.constant 32 : i32
    %add3A_967 = vector.broadcast %add3A_966 : i32 to vector<16xi32>
    %add3A_968 = arith.addi %iota3A_965, %add3A_967 : vector<16xi32>
    %gather3A_969 = tpu.vector_load_idx %arg12[%add3A_968, %broadcast_in_dim3A_946] : memref<64x128xf32, #tpu.memory_space<vmem>>[vector<16xi32>, vector<16xi32>], vector<16xf32>,
    %swap3A_970 = arith.constant 14 : i32
    %swap3A_971 = arith.index_cast %swap3A_970 : i32 to index
    %swap3A_972 = arith.constant 32 : index
    %swap3A_973 = tpu.vector_load %arg14[%swap3A_971, %swap3A_972] {strides = array<i32>} : memref<32x128xf32, #tpu.memory_space<vmem>>, vector<16xf32>,
    tpu.vector_store %arg14[%swap3A_971, %swap3A_972], %gather3A_969 {strides = array<i32>} : memref<32x128xf32, #tpu.memory_space<vmem>>, vector<16xf32>,
    %iota3A_974 = tpu.iota {dimensions = array<i32: 0>} : vector<16xi32>
    %add3A_975 = arith.constant 48 : i32
    %add3A_976 = vector.broadcast %add3A_975 : i32 to vector<16xi32>
    %add3A_977 = arith.addi %iota3A_974, %add3A_976 : vector<16xi32>
    %gather3A_978 = tpu.vector_load_idx %arg12[%add3A_977, %broadcast_in_dim3A_946] : memref<64x128xf32, #tpu.memory_space<vmem>>[vector<16xi32>, vector<16xi32>], vector<16xf32>,
    %swap3A_979 = arith.constant 14 : i32
    %swap3A_980 = arith.index_cast %swap3A_979 : i32 to index
    %swap3A_981 = arith.constant 48 : index
    %swap3A_982 = tpu.vector_load %arg14[%swap3A_980, %swap3A_981] {strides = array<i32>} : memref<32x128xf32, #tpu.memory_space<vmem>>, vector<16xf32>,
    tpu.vector_store %arg14[%swap3A_980, %swap3A_981], %gather3A_978 {strides = array<i32>} : memref<32x128xf32, #tpu.memory_space<vmem>>, vector<16xf32>,
    %shift_right_arithmetic3A_983 = arith.constant 7 : i32
    %shift_right_arithmetic3A_984 = arith.shrsi %squeeze3A_97, %shift_right_arithmetic3A_983 : i32
    %mul3A_985 = arith.constant 128 : i32
    %mul3A_986 = arith.muli %shift_right_arithmetic3A_984, %mul3A_985 : i32
    %multiple_of3A_987 = tpu.assume_multiple %mul3A_986, 128 : i32
    %dma_start3A_988 = arith.constant 0 : i32
    %dma_start3A_989 = tpu.memref_slice %arg2[%dma_start3A_988, %multiple_of3A_987] : memref<64x100000xf32, #tpu.memory_space<hbm>> -> memref<64x128xf32, #tpu.memory_space<hbm>>
    %dma_start3A_990 = arith.constant 0 : i32
    %dma_start3A_991 = tpu.memref_slice %arg2[%dma_start3A_990, %multiple_of3A_987] : memref<64x100000xf32, #tpu.memory_space<hbm>> -> memref<64x128xf32, #tpu.memory_space<hbm>>
    tpu.enqueue_dma source(%dma_start3A_991 : memref<64x128xf32, #tpu.memory_space<hbm>>) target(%arg12 : memref<64x128xf32, #tpu.memory_space<vmem>>) target_semaphore(%arg22 : memref<!tpu.dma_semaphore, #tpu.memory_space<semaphore_mem>>)
    %dma_wait3A_992 = arith.constant 0 : i32
    %dma_wait3A_993 = arith.constant 0 : i32
    %dma_wait3A_994 = tpu.memref_slice %arg2[%dma_wait3A_992, %dma_wait3A_993] : memref<64x100000xf32, #tpu.memory_space<hbm>> -> memref<64x128xf32, #tpu.memory_space<hbm>>
    %dma_wait3A_995 = arith.constant 0 : i32
    %dma_wait3A_996 = arith.constant 0 : i32
    %dma_wait3A_997 = tpu.memref_slice %arg2[%dma_wait3A_995, %dma_wait3A_996] : memref<64x100000xf32, #tpu.memory_space<hbm>> -> memref<64x128xf32, #tpu.memory_space<hbm>>
    tpu.wait_dma2 semaphore(%arg23 : memref<!tpu.dma_semaphore, #tpu.memory_space<semaphore_mem>>) src(%dma_wait3A_997 : memref<64x128xf32, #tpu.memory_space<hbm>>) dst(%arg13 : memref<64x128xf32, #tpu.memory_space<vmem>>)
    %and3A_998 = arith.constant 127 : i32
    %and3A_999 = arith.andi %squeeze3A_83, %and3A_998 : i32
    %broadcast_in_dim3A_1000 = vector.broadcast %and3A_999 : i32 to vector<16xi32>
    %iota3A_1001 = tpu.iota {dimensions = array<i32: 0>} : vector<16xi32>
    %add3A_1002 = arith.constant 0 : i32
    %add3A_1003 = vector.broadcast %add3A_1002 : i32 to vector<16xi32>
    %add3A_1004 = arith.addi %iota3A_1001, %add3A_1003 : vector<16xi32>
    %gather3A_1005 = tpu.vector_load_idx %arg13[%add3A_1004, %broadcast_in_dim3A_1000] : memref<64x128xf32, #tpu.memory_space<vmem>>[vector<16xi32>, vector<16xi32>], vector<16xf32>,
    %swap3A_1006 = arith.constant 15 : i32
    %swap3A_1007 = arith.index_cast %swap3A_1006 : i32 to index
    %swap3A_1008 = arith.constant 0 : index
    %swap3A_1009 = tpu.vector_load %arg14[%swap3A_1007, %swap3A_1008] {strides = array<i32>} : memref<32x128xf32, #tpu.memory_space<vmem>>, vector<16xf32>,
    tpu.vector_store %arg14[%swap3A_1007, %swap3A_1008], %gather3A_1005 {strides = array<i32>} : memref<32x128xf32, #tpu.memory_space<vmem>>, vector<16xf32>,
    %iota3A_1010 = tpu.iota {dimensions = array<i32: 0>} : vector<16xi32>
    %add3A_1011 = arith.constant 16 : i32
    %add3A_1012 = vector.broadcast %add3A_1011 : i32 to vector<16xi32>
    %add3A_1013 = arith.addi %iota3A_1010, %add3A_1012 : vector<16xi32>
    %gather3A_1014 = tpu.vector_load_idx %arg13[%add3A_1013, %broadcast_in_dim3A_1000] : memref<64x128xf32, #tpu.memory_space<vmem>>[vector<16xi32>, vector<16xi32>], vector<16xf32>,
    %swap3A_1015 = arith.constant 15 : i32
    %swap3A_1016 = arith.index_cast %swap3A_1015 : i32 to index
    %swap3A_1017 = arith.constant 16 : index
    %swap3A_1018 = tpu.vector_load %arg14[%swap3A_1016, %swap3A_1017] {strides = array<i32>} : memref<32x128xf32, #tpu.memory_space<vmem>>, vector<16xf32>,
    tpu.vector_store %arg14[%swap3A_1016, %swap3A_1017], %gather3A_1014 {strides = array<i32>} : memref<32x128xf32, #tpu.memory_space<vmem>>, vector<16xf32>,
    %iota3A_1019 = tpu.iota {dimensions = array<i32: 0>} : vector<16xi32>
    %add3A_1020 = arith.constant 32 : i32
    %add3A_1021 = vector.broadcast %add3A_1020 : i32 to vector<16xi32>
    %add3A_1022 = arith.addi %iota3A_1019, %add3A_1021 : vector<16xi32>
    %gather3A_1023 = tpu.vector_load_idx %arg13[%add3A_1022, %broadcast_in_dim3A_1000] : memref<64x128xf32, #tpu.memory_space<vmem>>[vector<16xi32>, vector<16xi32>], vector<16xf32>,
    %swap3A_1024 = arith.constant 15 : i32
    %swap3A_1025 = arith.index_cast %swap3A_1024 : i32 to index
    %swap3A_1026 = arith.constant 32 : index
    %swap3A_1027 = tpu.vector_load %arg14[%swap3A_1025, %swap3A_1026] {strides = array<i32>} : memref<32x128xf32, #tpu.memory_space<vmem>>, vector<16xf32>,
    tpu.vector_store %arg14[%swap3A_1025, %swap3A_1026], %gather3A_1023 {strides = array<i32>} : memref<32x128xf32, #tpu.memory_space<vmem>>, vector<16xf32>,
    %iota3A_1028 = tpu.iota {dimensions = array<i32: 0>} : vector<16xi32>
    %add3A_1029 = arith.constant 48 : i32
    %add3A_1030 = vector.broadcast %add3A_1029 : i32 to vector<16xi32>
    %add3A_1031 = arith.addi %iota3A_1028, %add3A_1030 : vector<16xi32>
    %gather3A_1032 = tpu.vector_load_idx %arg13[%add3A_1031, %broadcast_in_dim3A_1000] : memref<64x128xf32, #tpu.memory_space<vmem>>[vector<16xi32>, vector<16xi32>], vector<16xf32>,
    %swap3A_1033 = arith.constant 15 : i32
    %swap3A_1034 = arith.index_cast %swap3A_1033 : i32 to index
    %swap3A_1035 = arith.constant 48 : index
    %swap3A_1036 = tpu.vector_load %arg14[%swap3A_1034, %swap3A_1035] {strides = array<i32>} : memref<32x128xf32, #tpu.memory_space<vmem>>, vector<16xf32>,
    tpu.vector_store %arg14[%swap3A_1034, %swap3A_1035], %gather3A_1032 {strides = array<i32>} : memref<32x128xf32, #tpu.memory_space<vmem>>, vector<16xf32>,
    %shift_right_arithmetic3A_1037 = arith.constant 7 : i32
    %shift_right_arithmetic3A_1038 = arith.shrsi %squeeze3A_99, %shift_right_arithmetic3A_1037 : i32
    %mul3A_1039 = arith.constant 128 : i32
    %mul3A_1040 = arith.muli %shift_right_arithmetic3A_1038, %mul3A_1039 : i32
    %multiple_of3A_1041 = tpu.assume_multiple %mul3A_1040, 128 : i32
    %dma_start3A_1042 = arith.constant 0 : i32
    %dma_start3A_1043 = tpu.memref_slice %arg2[%dma_start3A_1042, %multiple_of3A_1041] : memref<64x100000xf32, #tpu.memory_space<hbm>> -> memref<64x128xf32, #tpu.memory_space<hbm>>
    %dma_start3A_1044 = arith.constant 0 : i32
    %dma_start3A_1045 = tpu.memref_slice %arg2[%dma_start3A_1044, %multiple_of3A_1041] : memref<64x100000xf32, #tpu.memory_space<hbm>> -> memref<64x128xf32, #tpu.memory_space<hbm>>
    tpu.enqueue_dma source(%dma_start3A_1045 : memref<64x128xf32, #tpu.memory_space<hbm>>) target(%arg13 : memref<64x128xf32, #tpu.memory_space<vmem>>) target_semaphore(%arg23 : memref<!tpu.dma_semaphore, #tpu.memory_space<semaphore_mem>>)
    %dma_wait3A_1046 = arith.constant 0 : i32
    %dma_wait3A_1047 = arith.constant 0 : i32
    %dma_wait3A_1048 = tpu.memref_slice %arg2[%dma_wait3A_1046, %dma_wait3A_1047] : memref<64x100000xf32, #tpu.memory_space<hbm>> -> memref<64x128xf32, #tpu.memory_space<hbm>>
    %dma_wait3A_1049 = arith.constant 0 : i32
    %dma_wait3A_1050 = arith.constant 0 : i32
    %dma_wait3A_1051 = tpu.memref_slice %arg2[%dma_wait3A_1049, %dma_wait3A_1050] : memref<64x100000xf32, #tpu.memory_space<hbm>> -> memref<64x128xf32, #tpu.memory_space<hbm>>
    tpu.wait_dma2 semaphore(%arg16 : memref<!tpu.dma_semaphore, #tpu.memory_space<semaphore_mem>>) src(%dma_wait3A_1051 : memref<64x128xf32, #tpu.memory_space<hbm>>) dst(%arg6 : memref<64x128xf32, #tpu.memory_space<vmem>>)
    %and3A_1052 = arith.constant 127 : i32
    %and3A_1053 = arith.andi %squeeze3A_85, %and3A_1052 : i32
    %broadcast_in_dim3A_1054 = vector.broadcast %and3A_1053 : i32 to vector<16xi32>
    %iota3A_1055 = tpu.iota {dimensions = array<i32: 0>} : vector<16xi32>
    %add3A_1056 = arith.constant 0 : i32
    %add3A_1057 = vector.broadcast %add3A_1056 : i32 to vector<16xi32>
    %add3A_1058 = arith.addi %iota3A_1055, %add3A_1057 : vector<16xi32>
    %gather3A_1059 = tpu.vector_load_idx %arg6[%add3A_1058, %broadcast_in_dim3A_1054] : memref<64x128xf32, #tpu.memory_space<vmem>>[vector<16xi32>, vector<16xi32>], vector<16xf32>,
    %swap3A_1060 = arith.constant 16 : i32
    %swap3A_1061 = arith.index_cast %swap3A_1060 : i32 to index
    %swap3A_1062 = arith.constant 0 : index
    %swap3A_1063 = tpu.vector_load %arg14[%swap3A_1061, %swap3A_1062] {strides = array<i32>} : memref<32x128xf32, #tpu.memory_space<vmem>>, vector<16xf32>,
    tpu.vector_store %arg14[%swap3A_1061, %swap3A_1062], %gather3A_1059 {strides = array<i32>} : memref<32x128xf32, #tpu.memory_space<vmem>>, vector<16xf32>,
    %iota3A_1064 = tpu.iota {dimensions = array<i32: 0>} : vector<16xi32>
    %add3A_1065 = arith.constant 16 : i32
    %add3A_1066 = vector.broadcast %add3A_1065 : i32 to vector<16xi32>
    %add3A_1067 = arith.addi %iota3A_1064, %add3A_1066 : vector<16xi32>
    %gather3A_1068 = tpu.vector_load_idx %arg6[%add3A_1067, %broadcast_in_dim3A_1054] : memref<64x128xf32, #tpu.memory_space<vmem>>[vector<16xi32>, vector<16xi32>], vector<16xf32>,
    %swap3A_1069 = arith.constant 16 : i32
    %swap3A_1070 = arith.index_cast %swap3A_1069 : i32 to index
    %swap3A_1071 = arith.constant 16 : index
    %swap3A_1072 = tpu.vector_load %arg14[%swap3A_1070, %swap3A_1071] {strides = array<i32>} : memref<32x128xf32, #tpu.memory_space<vmem>>, vector<16xf32>,
    tpu.vector_store %arg14[%swap3A_1070, %swap3A_1071], %gather3A_1068 {strides = array<i32>} : memref<32x128xf32, #tpu.memory_space<vmem>>, vector<16xf32>,
    %iota3A_1073 = tpu.iota {dimensions = array<i32: 0>} : vector<16xi32>
    %add3A_1074 = arith.constant 32 : i32
    %add3A_1075 = vector.broadcast %add3A_1074 : i32 to vector<16xi32>
    %add3A_1076 = arith.addi %iota3A_1073, %add3A_1075 : vector<16xi32>
    %gather3A_1077 = tpu.vector_load_idx %arg6[%add3A_1076, %broadcast_in_dim3A_1054] : memref<64x128xf32, #tpu.memory_space<vmem>>[vector<16xi32>, vector<16xi32>], vector<16xf32>,
    %swap3A_1078 = arith.constant 16 : i32
    %swap3A_1079 = arith.index_cast %swap3A_1078 : i32 to index
    %swap3A_1080 = arith.constant 32 : index
    %swap3A_1081 = tpu.vector_load %arg14[%swap3A_1079, %swap3A_1080] {strides = array<i32>} : memref<32x128xf32, #tpu.memory_space<vmem>>, vector<16xf32>,
    tpu.vector_store %arg14[%swap3A_1079, %swap3A_1080], %gather3A_1077 {strides = array<i32>} : memref<32x128xf32, #tpu.memory_space<vmem>>, vector<16xf32>,
    %iota3A_1082 = tpu.iota {dimensions = array<i32: 0>} : vector<16xi32>
    %add3A_1083 = arith.constant 48 : i32
    %add3A_1084 = vector.broadcast %add3A_1083 : i32 to vector<16xi32>
    %add3A_1085 = arith.addi %iota3A_1082, %add3A_1084 : vector<16xi32>
    %gather3A_1086 = tpu.vector_load_idx %arg6[%add3A_1085, %broadcast_in_dim3A_1054] : memref<64x128xf32, #tpu.memory_space<vmem>>[vector<16xi32>, vector<16xi32>], vector<16xf32>,
    %swap3A_1087 = arith.constant 16 : i32
    %swap3A_1088 = arith.index_cast %swap3A_1087 : i32 to index
    %swap3A_1089 = arith.constant 48 : index
    %swap3A_1090 = tpu.vector_load %arg14[%swap3A_1088, %swap3A_1089] {strides = array<i32>} : memref<32x128xf32, #tpu.memory_space<vmem>>, vector<16xf32>,
    tpu.vector_store %arg14[%swap3A_1088, %swap3A_1089], %gather3A_1086 {strides = array<i32>} : memref<32x128xf32, #tpu.memory_space<vmem>>, vector<16xf32>,
    %shift_right_arithmetic3A_1091 = arith.constant 7 : i32
    %shift_right_arithmetic3A_1092 = arith.shrsi %squeeze3A_101, %shift_right_arithmetic3A_1091 : i32
    %mul3A_1093 = arith.constant 128 : i32
    %mul3A_1094 = arith.muli %shift_right_arithmetic3A_1092, %mul3A_1093 : i32
    %multiple_of3A_1095 = tpu.assume_multiple %mul3A_1094, 128 : i32
    %dma_start3A_1096 = arith.constant 0 : i32
    %dma_start3A_1097 = tpu.memref_slice %arg2[%dma_start3A_1096, %multiple_of3A_1095] : memref<64x100000xf32, #tpu.memory_space<hbm>> -> memref<64x128xf32, #tpu.memory_space<hbm>>
    %dma_start3A_1098 = arith.constant 0 : i32
    %dma_start3A_1099 = tpu.memref_slice %arg2[%dma_start3A_1098, %multiple_of3A_1095] : memref<64x100000xf32, #tpu.memory_space<hbm>> -> memref<64x128xf32, #tpu.memory_space<hbm>>
    tpu.enqueue_dma source(%dma_start3A_1099 : memref<64x128xf32, #tpu.memory_space<hbm>>) target(%arg6 : memref<64x128xf32, #tpu.memory_space<vmem>>) target_semaphore(%arg16 : memref<!tpu.dma_semaphore, #tpu.memory_space<semaphore_mem>>)
    %dma_wait3A_1100 = arith.constant 0 : i32
    %dma_wait3A_1101 = arith.constant 0 : i32
    %dma_wait3A_1102 = tpu.memref_slice %arg2[%dma_wait3A_1100, %dma_wait3A_1101] : memref<64x100000xf32, #tpu.memory_space<hbm>> -> memref<64x128xf32, #tpu.memory_space<hbm>>
    %dma_wait3A_1103 = arith.constant 0 : i32
    %dma_wait3A_1104 = arith.constant 0 : i32
    %dma_wait3A_1105 = tpu.memref_slice %arg2[%dma_wait3A_1103, %dma_wait3A_1104] : memref<64x100000xf32, #tpu.memory_space<hbm>> -> memref<64x128xf32, #tpu.memory_space<hbm>>
    tpu.wait_dma2 semaphore(%arg17 : memref<!tpu.dma_semaphore, #tpu.memory_space<semaphore_mem>>) src(%dma_wait3A_1105 : memref<64x128xf32, #tpu.memory_space<hbm>>) dst(%arg7 : memref<64x128xf32, #tpu.memory_space<vmem>>)
    %and3A_1106 = arith.constant 127 : i32
    %and3A_1107 = arith.andi %squeeze3A_87, %and3A_1106 : i32
    %broadcast_in_dim3A_1108 = vector.broadcast %and3A_1107 : i32 to vector<16xi32>
    %iota3A_1109 = tpu.iota {dimensions = array<i32: 0>} : vector<16xi32>
    %add3A_1110 = arith.constant 0 : i32
    %add3A_1111 = vector.broadcast %add3A_1110 : i32 to vector<16xi32>
    %add3A_1112 = arith.addi %iota3A_1109, %add3A_1111 : vector<16xi32>
    %gather3A_1113 = tpu.vector_load_idx %arg7[%add3A_1112, %broadcast_in_dim3A_1108] : memref<64x128xf32, #tpu.memory_space<vmem>>[vector<16xi32>, vector<16xi32>], vector<16xf32>,
    %swap3A_1114 = arith.constant 17 : i32
    %swap3A_1115 = arith.index_cast %swap3A_1114 : i32 to index
    %swap3A_1116 = arith.constant 0 : index
    %swap3A_1117 = tpu.vector_load %arg14[%swap3A_1115, %swap3A_1116] {strides = array<i32>} : memref<32x128xf32, #tpu.memory_space<vmem>>, vector<16xf32>,
    tpu.vector_store %arg14[%swap3A_1115, %swap3A_1116], %gather3A_1113 {strides = array<i32>} : memref<32x128xf32, #tpu.memory_space<vmem>>, vector<16xf32>,
    %iota3A_1118 = tpu.iota {dimensions = array<i32: 0>} : vector<16xi32>
    %add3A_1119 = arith.constant 16 : i32
    %add3A_1120 = vector.broadcast %add3A_1119 : i32 to vector<16xi32>
    %add3A_1121 = arith.addi %iota3A_1118, %add3A_1120 : vector<16xi32>
    %gather3A_1122 = tpu.vector_load_idx %arg7[%add3A_1121, %broadcast_in_dim3A_1108] : memref<64x128xf32, #tpu.memory_space<vmem>>[vector<16xi32>, vector<16xi32>], vector<16xf32>,
    %swap3A_1123 = arith.constant 17 : i32
    %swap3A_1124 = arith.index_cast %swap3A_1123 : i32 to index
    %swap3A_1125 = arith.constant 16 : index
    %swap3A_1126 = tpu.vector_load %arg14[%swap3A_1124, %swap3A_1125] {strides = array<i32>} : memref<32x128xf32, #tpu.memory_space<vmem>>, vector<16xf32>,
    tpu.vector_store %arg14[%swap3A_1124, %swap3A_1125], %gather3A_1122 {strides = array<i32>} : memref<32x128xf32, #tpu.memory_space<vmem>>, vector<16xf32>,
    %iota3A_1127 = tpu.iota {dimensions = array<i32: 0>} : vector<16xi32>
    %add3A_1128 = arith.constant 32 : i32
    %add3A_1129 = vector.broadcast %add3A_1128 : i32 to vector<16xi32>
    %add3A_1130 = arith.addi %iota3A_1127, %add3A_1129 : vector<16xi32>
    %gather3A_1131 = tpu.vector_load_idx %arg7[%add3A_1130, %broadcast_in_dim3A_1108] : memref<64x128xf32, #tpu.memory_space<vmem>>[vector<16xi32>, vector<16xi32>], vector<16xf32>,
    %swap3A_1132 = arith.constant 17 : i32
    %swap3A_1133 = arith.index_cast %swap3A_1132 : i32 to index
    %swap3A_1134 = arith.constant 32 : index
    %swap3A_1135 = tpu.vector_load %arg14[%swap3A_1133, %swap3A_1134] {strides = array<i32>} : memref<32x128xf32, #tpu.memory_space<vmem>>, vector<16xf32>,
    tpu.vector_store %arg14[%swap3A_1133, %swap3A_1134], %gather3A_1131 {strides = array<i32>} : memref<32x128xf32, #tpu.memory_space<vmem>>, vector<16xf32>,
    %iota3A_1136 = tpu.iota {dimensions = array<i32: 0>} : vector<16xi32>
    %add3A_1137 = arith.constant 48 : i32
    %add3A_1138 = vector.broadcast %add3A_1137 : i32 to vector<16xi32>
    %add3A_1139 = arith.addi %iota3A_1136, %add3A_1138 : vector<16xi32>
    %gather3A_1140 = tpu.vector_load_idx %arg7[%add3A_1139, %broadcast_in_dim3A_1108] : memref<64x128xf32, #tpu.memory_space<vmem>>[vector<16xi32>, vector<16xi32>], vector<16xf32>,
    %swap3A_1141 = arith.constant 17 : i32
    %swap3A_1142 = arith.index_cast %swap3A_1141 : i32 to index
    %swap3A_1143 = arith.constant 48 : index
    %swap3A_1144 = tpu.vector_load %arg14[%swap3A_1142, %swap3A_1143] {strides = array<i32>} : memref<32x128xf32, #tpu.memory_space<vmem>>, vector<16xf32>,
    tpu.vector_store %arg14[%swap3A_1142, %swap3A_1143], %gather3A_1140 {strides = array<i32>} : memref<32x128xf32, #tpu.memory_space<vmem>>, vector<16xf32>,
    %shift_right_arithmetic3A_1145 = arith.constant 7 : i32
    %shift_right_arithmetic3A_1146 = arith.shrsi %squeeze3A_103, %shift_right_arithmetic3A_1145 : i32
    %mul3A_1147 = arith.constant 128 : i32
    %mul3A_1148 = arith.muli %shift_right_arithmetic3A_1146, %mul3A_1147 : i32
    %multiple_of3A_1149 = tpu.assume_multiple %mul3A_1148, 128 : i32
    %dma_start3A_1150 = arith.constant 0 : i32
    %dma_start3A_1151 = tpu.memref_slice %arg2[%dma_start3A_1150, %multiple_of3A_1149] : memref<64x100000xf32, #tpu.memory_space<hbm>> -> memref<64x128xf32, #tpu.memory_space<hbm>>
    %dma_start3A_1152 = arith.constant 0 : i32
    %dma_start3A_1153 = tpu.memref_slice %arg2[%dma_start3A_1152, %multiple_of3A_1149] : memref<64x100000xf32, #tpu.memory_space<hbm>> -> memref<64x128xf32, #tpu.memory_space<hbm>>
    tpu.enqueue_dma source(%dma_start3A_1153 : memref<64x128xf32, #tpu.memory_space<hbm>>) target(%arg7 : memref<64x128xf32, #tpu.memory_space<vmem>>) target_semaphore(%arg17 : memref<!tpu.dma_semaphore, #tpu.memory_space<semaphore_mem>>)
    %dma_wait3A_1154 = arith.constant 0 : i32
    %dma_wait3A_1155 = arith.constant 0 : i32
    %dma_wait3A_1156 = tpu.memref_slice %arg2[%dma_wait3A_1154, %dma_wait3A_1155] : memref<64x100000xf32, #tpu.memory_space<hbm>> -> memref<64x128xf32, #tpu.memory_space<hbm>>
    %dma_wait3A_1157 = arith.constant 0 : i32
    %dma_wait3A_1158 = arith.constant 0 : i32
    %dma_wait3A_1159 = tpu.memref_slice %arg2[%dma_wait3A_1157, %dma_wait3A_1158] : memref<64x100000xf32, #tpu.memory_space<hbm>> -> memref<64x128xf32, #tpu.memory_space<hbm>>
    tpu.wait_dma2 semaphore(%arg18 : memref<!tpu.dma_semaphore, #tpu.memory_space<semaphore_mem>>) src(%dma_wait3A_1159 : memref<64x128xf32, #tpu.memory_space<hbm>>) dst(%arg8 : memref<64x128xf32, #tpu.memory_space<vmem>>)
    %and3A_1160 = arith.constant 127 : i32
    %and3A_1161 = arith.andi %squeeze3A_89, %and3A_1160 : i32
    %broadcast_in_dim3A_1162 = vector.broadcast %and3A_1161 : i32 to vector<16xi32>
    %iota3A_1163 = tpu.iota {dimensions = array<i32: 0>} : vector<16xi32>
    %add3A_1164 = arith.constant 0 : i32
    %add3A_1165 = vector.broadcast %add3A_1164 : i32 to vector<16xi32>
    %add3A_1166 = arith.addi %iota3A_1163, %add3A_1165 : vector<16xi32>
    %gather3A_1167 = tpu.vector_load_idx %arg8[%add3A_1166, %broadcast_in_dim3A_1162] : memref<64x128xf32, #tpu.memory_space<vmem>>[vector<16xi32>, vector<16xi32>], vector<16xf32>,
    %swap3A_1168 = arith.constant 18 : i32
    %swap3A_1169 = arith.index_cast %swap3A_1168 : i32 to index
    %swap3A_1170 = arith.constant 0 : index
    %swap3A_1171 = tpu.vector_load %arg14[%swap3A_1169, %swap3A_1170] {strides = array<i32>} : memref<32x128xf32, #tpu.memory_space<vmem>>, vector<16xf32>,
    tpu.vector_store %arg14[%swap3A_1169, %swap3A_1170], %gather3A_1167 {strides = array<i32>} : memref<32x128xf32, #tpu.memory_space<vmem>>, vector<16xf32>,
    %iota3A_1172 = tpu.iota {dimensions = array<i32: 0>} : vector<16xi32>
    %add3A_1173 = arith.constant 16 : i32
    %add3A_1174 = vector.broadcast %add3A_1173 : i32 to vector<16xi32>
    %add3A_1175 = arith.addi %iota3A_1172, %add3A_1174 : vector<16xi32>
    %gather3A_1176 = tpu.vector_load_idx %arg8[%add3A_1175, %broadcast_in_dim3A_1162] : memref<64x128xf32, #tpu.memory_space<vmem>>[vector<16xi32>, vector<16xi32>], vector<16xf32>,
    %swap3A_1177 = arith.constant 18 : i32
    %swap3A_1178 = arith.index_cast %swap3A_1177 : i32 to index
    %swap3A_1179 = arith.constant 16 : index
    %swap3A_1180 = tpu.vector_load %arg14[%swap3A_1178, %swap3A_1179] {strides = array<i32>} : memref<32x128xf32, #tpu.memory_space<vmem>>, vector<16xf32>,
    tpu.vector_store %arg14[%swap3A_1178, %swap3A_1179], %gather3A_1176 {strides = array<i32>} : memref<32x128xf32, #tpu.memory_space<vmem>>, vector<16xf32>,
    %iota3A_1181 = tpu.iota {dimensions = array<i32: 0>} : vector<16xi32>
    %add3A_1182 = arith.constant 32 : i32
    %add3A_1183 = vector.broadcast %add3A_1182 : i32 to vector<16xi32>
    %add3A_1184 = arith.addi %iota3A_1181, %add3A_1183 : vector<16xi32>
    %gather3A_1185 = tpu.vector_load_idx %arg8[%add3A_1184, %broadcast_in_dim3A_1162] : memref<64x128xf32, #tpu.memory_space<vmem>>[vector<16xi32>, vector<16xi32>], vector<16xf32>,
    %swap3A_1186 = arith.constant 18 : i32
    %swap3A_1187 = arith.index_cast %swap3A_1186 : i32 to index
    %swap3A_1188 = arith.constant 32 : index
    %swap3A_1189 = tpu.vector_load %arg14[%swap3A_1187, %swap3A_1188] {strides = array<i32>} : memref<32x128xf32, #tpu.memory_space<vmem>>, vector<16xf32>,
    tpu.vector_store %arg14[%swap3A_1187, %swap3A_1188], %gather3A_1185 {strides = array<i32>} : memref<32x128xf32, #tpu.memory_space<vmem>>, vector<16xf32>,
    %iota3A_1190 = tpu.iota {dimensions = array<i32: 0>} : vector<16xi32>
    %add3A_1191 = arith.constant 48 : i32
    %add3A_1192 = vector.broadcast %add3A_1191 : i32 to vector<16xi32>
    %add3A_1193 = arith.addi %iota3A_1190, %add3A_1192 : vector<16xi32>
    %gather3A_1194 = tpu.vector_load_idx %arg8[%add3A_1193, %broadcast_in_dim3A_1162] : memref<64x128xf32, #tpu.memory_space<vmem>>[vector<16xi32>, vector<16xi32>], vector<16xf32>,
    %swap3A_1195 = arith.constant 18 : i32
    %swap3A_1196 = arith.index_cast %swap3A_1195 : i32 to index
    %swap3A_1197 = arith.constant 48 : index
    %swap3A_1198 = tpu.vector_load %arg14[%swap3A_1196, %swap3A_1197] {strides = array<i32>} : memref<32x128xf32, #tpu.memory_space<vmem>>, vector<16xf32>,
    tpu.vector_store %arg14[%swap3A_1196, %swap3A_1197], %gather3A_1194 {strides = array<i32>} : memref<32x128xf32, #tpu.memory_space<vmem>>, vector<16xf32>,
    %shift_right_arithmetic3A_1199 = arith.constant 7 : i32
    %shift_right_arithmetic3A_1200 = arith.shrsi %squeeze3A_105, %shift_right_arithmetic3A_1199 : i32
    %mul3A_1201 = arith.constant 128 : i32
    %mul3A_1202 = arith.muli %shift_right_arithmetic3A_1200, %mul3A_1201 : i32
    %multiple_of3A_1203 = tpu.assume_multiple %mul3A_1202, 128 : i32
    %dma_start3A_1204 = arith.constant 0 : i32
    %dma_start3A_1205 = tpu.memref_slice %arg2[%dma_start3A_1204, %multiple_of3A_1203] : memref<64x100000xf32, #tpu.memory_space<hbm>> -> memref<64x128xf32, #tpu.memory_space<hbm>>
    %dma_start3A_1206 = arith.constant 0 : i32
    %dma_start3A_1207 = tpu.memref_slice %arg2[%dma_start3A_1206, %multiple_of3A_1203] : memref<64x100000xf32, #tpu.memory_space<hbm>> -> memref<64x128xf32, #tpu.memory_space<hbm>>
    tpu.enqueue_dma source(%dma_start3A_1207 : memref<64x128xf32, #tpu.memory_space<hbm>>) target(%arg8 : memref<64x128xf32, #tpu.memory_space<vmem>>) target_semaphore(%arg18 : memref<!tpu.dma_semaphore, #tpu.memory_space<semaphore_mem>>)
    %dma_wait3A_1208 = arith.constant 0 : i32
    %dma_wait3A_1209 = arith.constant 0 : i32
    %dma_wait3A_1210 = tpu.memref_slice %arg2[%dma_wait3A_1208, %dma_wait3A_1209] : memref<64x100000xf32, #tpu.memory_space<hbm>> -> memref<64x128xf32, #tpu.memory_space<hbm>>
    %dma_wait3A_1211 = arith.constant 0 : i32
    %dma_wait3A_1212 = arith.constant 0 : i32
    %dma_wait3A_1213 = tpu.memref_slice %arg2[%dma_wait3A_1211, %dma_wait3A_1212] : memref<64x100000xf32, #tpu.memory_space<hbm>> -> memref<64x128xf32, #tpu.memory_space<hbm>>
    tpu.wait_dma2 semaphore(%arg19 : memref<!tpu.dma_semaphore, #tpu.memory_space<semaphore_mem>>) src(%dma_wait3A_1213 : memref<64x128xf32, #tpu.memory_space<hbm>>) dst(%arg9 : memref<64x128xf32, #tpu.memory_space<vmem>>)
    %and3A_1214 = arith.constant 127 : i32
    %and3A_1215 = arith.andi %squeeze3A_91, %and3A_1214 : i32
    %broadcast_in_dim3A_1216 = vector.broadcast %and3A_1215 : i32 to vector<16xi32>
    %iota3A_1217 = tpu.iota {dimensions = array<i32: 0>} : vector<16xi32>
    %add3A_1218 = arith.constant 0 : i32
    %add3A_1219 = vector.broadcast %add3A_1218 : i32 to vector<16xi32>
    %add3A_1220 = arith.addi %iota3A_1217, %add3A_1219 : vector<16xi32>
    %gather3A_1221 = tpu.vector_load_idx %arg9[%add3A_1220, %broadcast_in_dim3A_1216] : memref<64x128xf32, #tpu.memory_space<vmem>>[vector<16xi32>, vector<16xi32>], vector<16xf32>,
    %swap3A_1222 = arith.constant 19 : i32
    %swap3A_1223 = arith.index_cast %swap3A_1222 : i32 to index
    %swap3A_1224 = arith.constant 0 : index
    %swap3A_1225 = tpu.vector_load %arg14[%swap3A_1223, %swap3A_1224] {strides = array<i32>} : memref<32x128xf32, #tpu.memory_space<vmem>>, vector<16xf32>,
    tpu.vector_store %arg14[%swap3A_1223, %swap3A_1224], %gather3A_1221 {strides = array<i32>} : memref<32x128xf32, #tpu.memory_space<vmem>>, vector<16xf32>,
    %iota3A_1226 = tpu.iota {dimensions = array<i32: 0>} : vector<16xi32>
    %add3A_1227 = arith.constant 16 : i32
    %add3A_1228 = vector.broadcast %add3A_1227 : i32 to vector<16xi32>
    %add3A_1229 = arith.addi %iota3A_1226, %add3A_1228 : vector<16xi32>
    %gather3A_1230 = tpu.vector_load_idx %arg9[%add3A_1229, %broadcast_in_dim3A_1216] : memref<64x128xf32, #tpu.memory_space<vmem>>[vector<16xi32>, vector<16xi32>], vector<16xf32>,
    %swap3A_1231 = arith.constant 19 : i32
    %swap3A_1232 = arith.index_cast %swap3A_1231 : i32 to index
    %swap3A_1233 = arith.constant 16 : index
    %swap3A_1234 = tpu.vector_load %arg14[%swap3A_1232, %swap3A_1233] {strides = array<i32>} : memref<32x128xf32, #tpu.memory_space<vmem>>, vector<16xf32>,
    tpu.vector_store %arg14[%swap3A_1232, %swap3A_1233], %gather3A_1230 {strides = array<i32>} : memref<32x128xf32, #tpu.memory_space<vmem>>, vector<16xf32>,
    %iota3A_1235 = tpu.iota {dimensions = array<i32: 0>} : vector<16xi32>
    %add3A_1236 = arith.constant 32 : i32
    %add3A_1237 = vector.broadcast %add3A_1236 : i32 to vector<16xi32>
    %add3A_1238 = arith.addi %iota3A_1235, %add3A_1237 : vector<16xi32>
    %gather3A_1239 = tpu.vector_load_idx %arg9[%add3A_1238, %broadcast_in_dim3A_1216] : memref<64x128xf32, #tpu.memory_space<vmem>>[vector<16xi32>, vector<16xi32>], vector<16xf32>,
    %swap3A_1240 = arith.constant 19 : i32
    %swap3A_1241 = arith.index_cast %swap3A_1240 : i32 to index
    %swap3A_1242 = arith.constant 32 : index
    %swap3A_1243 = tpu.vector_load %arg14[%swap3A_1241, %swap3A_1242] {strides = array<i32>} : memref<32x128xf32, #tpu.memory_space<vmem>>, vector<16xf32>,
    tpu.vector_store %arg14[%swap3A_1241, %swap3A_1242], %gather3A_1239 {strides = array<i32>} : memref<32x128xf32, #tpu.memory_space<vmem>>, vector<16xf32>,
    %iota3A_1244 = tpu.iota {dimensions = array<i32: 0>} : vector<16xi32>
    %add3A_1245 = arith.constant 48 : i32
    %add3A_1246 = vector.broadcast %add3A_1245 : i32 to vector<16xi32>
    %add3A_1247 = arith.addi %iota3A_1244, %add3A_1246 : vector<16xi32>
    %gather3A_1248 = tpu.vector_load_idx %arg9[%add3A_1247, %broadcast_in_dim3A_1216] : memref<64x128xf32, #tpu.memory_space<vmem>>[vector<16xi32>, vector<16xi32>], vector<16xf32>,
    %swap3A_1249 = arith.constant 19 : i32
    %swap3A_1250 = arith.index_cast %swap3A_1249 : i32 to index
    %swap3A_1251 = arith.constant 48 : index
    %swap3A_1252 = tpu.vector_load %arg14[%swap3A_1250, %swap3A_1251] {strides = array<i32>} : memref<32x128xf32, #tpu.memory_space<vmem>>, vector<16xf32>,
    tpu.vector_store %arg14[%swap3A_1250, %swap3A_1251], %gather3A_1248 {strides = array<i32>} : memref<32x128xf32, #tpu.memory_space<vmem>>, vector<16xf32>,
    %shift_right_arithmetic3A_1253 = arith.constant 7 : i32
    %shift_right_arithmetic3A_1254 = arith.shrsi %squeeze3A_107, %shift_right_arithmetic3A_1253 : i32
    %mul3A_1255 = arith.constant 128 : i32
    %mul3A_1256 = arith.muli %shift_right_arithmetic3A_1254, %mul3A_1255 : i32
    %multiple_of3A_1257 = tpu.assume_multiple %mul3A_1256, 128 : i32
    %dma_start3A_1258 = arith.constant 0 : i32
    %dma_start3A_1259 = tpu.memref_slice %arg2[%dma_start3A_1258, %multiple_of3A_1257] : memref<64x100000xf32, #tpu.memory_space<hbm>> -> memref<64x128xf32, #tpu.memory_space<hbm>>
    %dma_start3A_1260 = arith.constant 0 : i32
    %dma_start3A_1261 = tpu.memref_slice %arg2[%dma_start3A_1260, %multiple_of3A_1257] : memref<64x100000xf32, #tpu.memory_space<hbm>> -> memref<64x128xf32, #tpu.memory_space<hbm>>
    tpu.enqueue_dma source(%dma_start3A_1261 : memref<64x128xf32, #tpu.memory_space<hbm>>) target(%arg9 : memref<64x128xf32, #tpu.memory_space<vmem>>) target_semaphore(%arg19 : memref<!tpu.dma_semaphore, #tpu.memory_space<semaphore_mem>>)
    %dma_wait3A_1262 = arith.constant 0 : i32
    %dma_wait3A_1263 = arith.constant 0 : i32
    %dma_wait3A_1264 = tpu.memref_slice %arg2[%dma_wait3A_1262, %dma_wait3A_1263] : memref<64x100000xf32, #tpu.memory_space<hbm>> -> memref<64x128xf32, #tpu.memory_space<hbm>>
    %dma_wait3A_1265 = arith.constant 0 : i32
    %dma_wait3A_1266 = arith.constant 0 : i32
    %dma_wait3A_1267 = tpu.memref_slice %arg2[%dma_wait3A_1265, %dma_wait3A_1266] : memref<64x100000xf32, #tpu.memory_space<hbm>> -> memref<64x128xf32, #tpu.memory_space<hbm>>
    tpu.wait_dma2 semaphore(%arg20 : memref<!tpu.dma_semaphore, #tpu.memory_space<semaphore_mem>>) src(%dma_wait3A_1267 : memref<64x128xf32, #tpu.memory_space<hbm>>) dst(%arg10 : memref<64x128xf32, #tpu.memory_space<vmem>>)
    %and3A_1268 = arith.constant 127 : i32
    %and3A_1269 = arith.andi %squeeze3A_93, %and3A_1268 : i32
    %broadcast_in_dim3A_1270 = vector.broadcast %and3A_1269 : i32 to vector<16xi32>
    %iota3A_1271 = tpu.iota {dimensions = array<i32: 0>} : vector<16xi32>
    %add3A_1272 = arith.constant 0 : i32
    %add3A_1273 = vector.broadcast %add3A_1272 : i32 to vector<16xi32>
    %add3A_1274 = arith.addi %iota3A_1271, %add3A_1273 : vector<16xi32>
    %gather3A_1275 = tpu.vector_load_idx %arg10[%add3A_1274, %broadcast_in_dim3A_1270] : memref<64x128xf32, #tpu.memory_space<vmem>>[vector<16xi32>, vector<16xi32>], vector<16xf32>,
    %swap3A_1276 = arith.constant 20 : i32
    %swap3A_1277 = arith.index_cast %swap3A_1276 : i32 to index
    %swap3A_1278 = arith.constant 0 : index
    %swap3A_1279 = tpu.vector_load %arg14[%swap3A_1277, %swap3A_1278] {strides = array<i32>} : memref<32x128xf32, #tpu.memory_space<vmem>>, vector<16xf32>,
    tpu.vector_store %arg14[%swap3A_1277, %swap3A_1278], %gather3A_1275 {strides = array<i32>} : memref<32x128xf32, #tpu.memory_space<vmem>>, vector<16xf32>,
    %iota3A_1280 = tpu.iota {dimensions = array<i32: 0>} : vector<16xi32>
    %add3A_1281 = arith.constant 16 : i32
    %add3A_1282 = vector.broadcast %add3A_1281 : i32 to vector<16xi32>
    %add3A_1283 = arith.addi %iota3A_1280, %add3A_1282 : vector<16xi32>
    %gather3A_1284 = tpu.vector_load_idx %arg10[%add3A_1283, %broadcast_in_dim3A_1270] : memref<64x128xf32, #tpu.memory_space<vmem>>[vector<16xi32>, vector<16xi32>], vector<16xf32>,
    %swap3A_1285 = arith.constant 20 : i32
    %swap3A_1286 = arith.index_cast %swap3A_1285 : i32 to index
    %swap3A_1287 = arith.constant 16 : index
    %swap3A_1288 = tpu.vector_load %arg14[%swap3A_1286, %swap3A_1287] {strides = array<i32>} : memref<32x128xf32, #tpu.memory_space<vmem>>, vector<16xf32>,
    tpu.vector_store %arg14[%swap3A_1286, %swap3A_1287], %gather3A_1284 {strides = array<i32>} : memref<32x128xf32, #tpu.memory_space<vmem>>, vector<16xf32>,
    %iota3A_1289 = tpu.iota {dimensions = array<i32: 0>} : vector<16xi32>
    %add3A_1290 = arith.constant 32 : i32
    %add3A_1291 = vector.broadcast %add3A_1290 : i32 to vector<16xi32>
    %add3A_1292 = arith.addi %iota3A_1289, %add3A_1291 : vector<16xi32>
    %gather3A_1293 = tpu.vector_load_idx %arg10[%add3A_1292, %broadcast_in_dim3A_1270] : memref<64x128xf32, #tpu.memory_space<vmem>>[vector<16xi32>, vector<16xi32>], vector<16xf32>,
    %swap3A_1294 = arith.constant 20 : i32
    %swap3A_1295 = arith.index_cast %swap3A_1294 : i32 to index
    %swap3A_1296 = arith.constant 32 : index
    %swap3A_1297 = tpu.vector_load %arg14[%swap3A_1295, %swap3A_1296] {strides = array<i32>} : memref<32x128xf32, #tpu.memory_space<vmem>>, vector<16xf32>,
    tpu.vector_store %arg14[%swap3A_1295, %swap3A_1296], %gather3A_1293 {strides = array<i32>} : memref<32x128xf32, #tpu.memory_space<vmem>>, vector<16xf32>,
    %iota3A_1298 = tpu.iota {dimensions = array<i32: 0>} : vector<16xi32>
    %add3A_1299 = arith.constant 48 : i32
    %add3A_1300 = vector.broadcast %add3A_1299 : i32 to vector<16xi32>
    %add3A_1301 = arith.addi %iota3A_1298, %add3A_1300 : vector<16xi32>
    %gather3A_1302 = tpu.vector_load_idx %arg10[%add3A_1301, %broadcast_in_dim3A_1270] : memref<64x128xf32, #tpu.memory_space<vmem>>[vector<16xi32>, vector<16xi32>], vector<16xf32>,
    %swap3A_1303 = arith.constant 20 : i32
    %swap3A_1304 = arith.index_cast %swap3A_1303 : i32 to index
    %swap3A_1305 = arith.constant 48 : index
    %swap3A_1306 = tpu.vector_load %arg14[%swap3A_1304, %swap3A_1305] {strides = array<i32>} : memref<32x128xf32, #tpu.memory_space<vmem>>, vector<16xf32>,
    tpu.vector_store %arg14[%swap3A_1304, %swap3A_1305], %gather3A_1302 {strides = array<i32>} : memref<32x128xf32, #tpu.memory_space<vmem>>, vector<16xf32>,
    %shift_right_arithmetic3A_1307 = arith.constant 7 : i32
    %shift_right_arithmetic3A_1308 = arith.shrsi %squeeze3A_109, %shift_right_arithmetic3A_1307 : i32
    %mul3A_1309 = arith.constant 128 : i32
    %mul3A_1310 = arith.muli %shift_right_arithmetic3A_1308, %mul3A_1309 : i32
    %multiple_of3A_1311 = tpu.assume_multiple %mul3A_1310, 128 : i32
    %dma_start3A_1312 = arith.constant 0 : i32
    %dma_start3A_1313 = tpu.memref_slice %arg2[%dma_start3A_1312, %multiple_of3A_1311] : memref<64x100000xf32, #tpu.memory_space<hbm>> -> memref<64x128xf32, #tpu.memory_space<hbm>>
    %dma_start3A_1314 = arith.constant 0 : i32
    %dma_start3A_1315 = tpu.memref_slice %arg2[%dma_start3A_1314, %multiple_of3A_1311] : memref<64x100000xf32, #tpu.memory_space<hbm>> -> memref<64x128xf32, #tpu.memory_space<hbm>>
    tpu.enqueue_dma source(%dma_start3A_1315 : memref<64x128xf32, #tpu.memory_space<hbm>>) target(%arg10 : memref<64x128xf32, #tpu.memory_space<vmem>>) target_semaphore(%arg20 : memref<!tpu.dma_semaphore, #tpu.memory_space<semaphore_mem>>)
    %dma_wait3A_1316 = arith.constant 0 : i32
    %dma_wait3A_1317 = arith.constant 0 : i32
    %dma_wait3A_1318 = tpu.memref_slice %arg2[%dma_wait3A_1316, %dma_wait3A_1317] : memref<64x100000xf32, #tpu.memory_space<hbm>> -> memref<64x128xf32, #tpu.memory_space<hbm>>
    %dma_wait3A_1319 = arith.constant 0 : i32
    %dma_wait3A_1320 = arith.constant 0 : i32
    %dma_wait3A_1321 = tpu.memref_slice %arg2[%dma_wait3A_1319, %dma_wait3A_1320] : memref<64x100000xf32, #tpu.memory_space<hbm>> -> memref<64x128xf32, #tpu.memory_space<hbm>>
    tpu.wait_dma2 semaphore(%arg21 : memref<!tpu.dma_semaphore, #tpu.memory_space<semaphore_mem>>) src(%dma_wait3A_1321 : memref<64x128xf32, #tpu.memory_space<hbm>>) dst(%arg11 : memref<64x128xf32, #tpu.memory_space<vmem>>)
    %and3A_1322 = arith.constant 127 : i32
    %and3A_1323 = arith.andi %squeeze3A_95, %and3A_1322 : i32
    %broadcast_in_dim3A_1324 = vector.broadcast %and3A_1323 : i32 to vector<16xi32>
    %iota3A_1325 = tpu.iota {dimensions = array<i32: 0>} : vector<16xi32>
    %add3A_1326 = arith.constant 0 : i32
    %add3A_1327 = vector.broadcast %add3A_1326 : i32 to vector<16xi32>
    %add3A_1328 = arith.addi %iota3A_1325, %add3A_1327 : vector<16xi32>
    %gather3A_1329 = tpu.vector_load_idx %arg11[%add3A_1328, %broadcast_in_dim3A_1324] : memref<64x128xf32, #tpu.memory_space<vmem>>[vector<16xi32>, vector<16xi32>], vector<16xf32>,
    %swap3A_1330 = arith.constant 21 : i32
    %swap3A_1331 = arith.index_cast %swap3A_1330 : i32 to index
    %swap3A_1332 = arith.constant 0 : index
    %swap3A_1333 = tpu.vector_load %arg14[%swap3A_1331, %swap3A_1332] {strides = array<i32>} : memref<32x128xf32, #tpu.memory_space<vmem>>, vector<16xf32>,
    tpu.vector_store %arg14[%swap3A_1331, %swap3A_1332], %gather3A_1329 {strides = array<i32>} : memref<32x128xf32, #tpu.memory_space<vmem>>, vector<16xf32>,
    %iota3A_1334 = tpu.iota {dimensions = array<i32: 0>} : vector<16xi32>
    %add3A_1335 = arith.constant 16 : i32
    %add3A_1336 = vector.broadcast %add3A_1335 : i32 to vector<16xi32>
    %add3A_1337 = arith.addi %iota3A_1334, %add3A_1336 : vector<16xi32>
    %gather3A_1338 = tpu.vector_load_idx %arg11[%add3A_1337, %broadcast_in_dim3A_1324] : memref<64x128xf32, #tpu.memory_space<vmem>>[vector<16xi32>, vector<16xi32>], vector<16xf32>,
    %swap3A_1339 = arith.constant 21 : i32
    %swap3A_1340 = arith.index_cast %swap3A_1339 : i32 to index
    %swap3A_1341 = arith.constant 16 : index
    %swap3A_1342 = tpu.vector_load %arg14[%swap3A_1340, %swap3A_1341] {strides = array<i32>} : memref<32x128xf32, #tpu.memory_space<vmem>>, vector<16xf32>,
    tpu.vector_store %arg14[%swap3A_1340, %swap3A_1341], %gather3A_1338 {strides = array<i32>} : memref<32x128xf32, #tpu.memory_space<vmem>>, vector<16xf32>,
    %iota3A_1343 = tpu.iota {dimensions = array<i32: 0>} : vector<16xi32>
    %add3A_1344 = arith.constant 32 : i32
    %add3A_1345 = vector.broadcast %add3A_1344 : i32 to vector<16xi32>
    %add3A_1346 = arith.addi %iota3A_1343, %add3A_1345 : vector<16xi32>
    %gather3A_1347 = tpu.vector_load_idx %arg11[%add3A_1346, %broadcast_in_dim3A_1324] : memref<64x128xf32, #tpu.memory_space<vmem>>[vector<16xi32>, vector<16xi32>], vector<16xf32>,
    %swap3A_1348 = arith.constant 21 : i32
    %swap3A_1349 = arith.index_cast %swap3A_1348 : i32 to index
    %swap3A_1350 = arith.constant 32 : index
    %swap3A_1351 = tpu.vector_load %arg14[%swap3A_1349, %swap3A_1350] {strides = array<i32>} : memref<32x128xf32, #tpu.memory_space<vmem>>, vector<16xf32>,
    tpu.vector_store %arg14[%swap3A_1349, %swap3A_1350], %gather3A_1347 {strides = array<i32>} : memref<32x128xf32, #tpu.memory_space<vmem>>, vector<16xf32>,
    %iota3A_1352 = tpu.iota {dimensions = array<i32: 0>} : vector<16xi32>
    %add3A_1353 = arith.constant 48 : i32
    %add3A_1354 = vector.broadcast %add3A_1353 : i32 to vector<16xi32>
    %add3A_1355 = arith.addi %iota3A_1352, %add3A_1354 : vector<16xi32>
    %gather3A_1356 = tpu.vector_load_idx %arg11[%add3A_1355, %broadcast_in_dim3A_1324] : memref<64x128xf32, #tpu.memory_space<vmem>>[vector<16xi32>, vector<16xi32>], vector<16xf32>,
    %swap3A_1357 = arith.constant 21 : i32
    %swap3A_1358 = arith.index_cast %swap3A_1357 : i32 to index
    %swap3A_1359 = arith.constant 48 : index
    %swap3A_1360 = tpu.vector_load %arg14[%swap3A_1358, %swap3A_1359] {strides = array<i32>} : memref<32x128xf32, #tpu.memory_space<vmem>>, vector<16xf32>,
    tpu.vector_store %arg14[%swap3A_1358, %swap3A_1359], %gather3A_1356 {strides = array<i32>} : memref<32x128xf32, #tpu.memory_space<vmem>>, vector<16xf32>,
    %shift_right_arithmetic3A_1361 = arith.constant 7 : i32
    %shift_right_arithmetic3A_1362 = arith.shrsi %squeeze3A_111, %shift_right_arithmetic3A_1361 : i32
    %mul3A_1363 = arith.constant 128 : i32
    %mul3A_1364 = arith.muli %shift_right_arithmetic3A_1362, %mul3A_1363 : i32
    %multiple_of3A_1365 = tpu.assume_multiple %mul3A_1364, 128 : i32
    %dma_start3A_1366 = arith.constant 0 : i32
    %dma_start3A_1367 = tpu.memref_slice %arg2[%dma_start3A_1366, %multiple_of3A_1365] : memref<64x100000xf32, #tpu.memory_space<hbm>> -> memref<64x128xf32, #tpu.memory_space<hbm>>
    %dma_start3A_1368 = arith.constant 0 : i32
    %dma_start3A_1369 = tpu.memref_slice %arg2[%dma_start3A_1368, %multiple_of3A_1365] : memref<64x100000xf32, #tpu.memory_space<hbm>> -> memref<64x128xf32, #tpu.memory_space<hbm>>
    tpu.enqueue_dma source(%dma_start3A_1369 : memref<64x128xf32, #tpu.memory_space<hbm>>) target(%arg11 : memref<64x128xf32, #tpu.memory_space<vmem>>) target_semaphore(%arg21 : memref<!tpu.dma_semaphore, #tpu.memory_space<semaphore_mem>>)
    %dma_wait3A_1370 = arith.constant 0 : i32
    %dma_wait3A_1371 = arith.constant 0 : i32
    %dma_wait3A_1372 = tpu.memref_slice %arg2[%dma_wait3A_1370, %dma_wait3A_1371] : memref<64x100000xf32, #tpu.memory_space<hbm>> -> memref<64x128xf32, #tpu.memory_space<hbm>>
    %dma_wait3A_1373 = arith.constant 0 : i32
    %dma_wait3A_1374 = arith.constant 0 : i32
    %dma_wait3A_1375 = tpu.memref_slice %arg2[%dma_wait3A_1373, %dma_wait3A_1374] : memref<64x100000xf32, #tpu.memory_space<hbm>> -> memref<64x128xf32, #tpu.memory_space<hbm>>
    tpu.wait_dma2 semaphore(%arg22 : memref<!tpu.dma_semaphore, #tpu.memory_space<semaphore_mem>>) src(%dma_wait3A_1375 : memref<64x128xf32, #tpu.memory_space<hbm>>) dst(%arg12 : memref<64x128xf32, #tpu.memory_space<vmem>>)
    %and3A_1376 = arith.constant 127 : i32
    %and3A_1377 = arith.andi %squeeze3A_97, %and3A_1376 : i32
    %broadcast_in_dim3A_1378 = vector.broadcast %and3A_1377 : i32 to vector<16xi32>
    %iota3A_1379 = tpu.iota {dimensions = array<i32: 0>} : vector<16xi32>
    %add3A_1380 = arith.constant 0 : i32
    %add3A_1381 = vector.broadcast %add3A_1380 : i32 to vector<16xi32>
    %add3A_1382 = arith.addi %iota3A_1379, %add3A_1381 : vector<16xi32>
    %gather3A_1383 = tpu.vector_load_idx %arg12[%add3A_1382, %broadcast_in_dim3A_1378] : memref<64x128xf32, #tpu.memory_space<vmem>>[vector<16xi32>, vector<16xi32>], vector<16xf32>,
    %swap3A_1384 = arith.constant 22 : i32
    %swap3A_1385 = arith.index_cast %swap3A_1384 : i32 to index
    %swap3A_1386 = arith.constant 0 : index
    %swap3A_1387 = tpu.vector_load %arg14[%swap3A_1385, %swap3A_1386] {strides = array<i32>} : memref<32x128xf32, #tpu.memory_space<vmem>>, vector<16xf32>,
    tpu.vector_store %arg14[%swap3A_1385, %swap3A_1386], %gather3A_1383 {strides = array<i32>} : memref<32x128xf32, #tpu.memory_space<vmem>>, vector<16xf32>,
    %iota3A_1388 = tpu.iota {dimensions = array<i32: 0>} : vector<16xi32>
    %add3A_1389 = arith.constant 16 : i32
    %add3A_1390 = vector.broadcast %add3A_1389 : i32 to vector<16xi32>
    %add3A_1391 = arith.addi %iota3A_1388, %add3A_1390 : vector<16xi32>
    %gather3A_1392 = tpu.vector_load_idx %arg12[%add3A_1391, %broadcast_in_dim3A_1378] : memref<64x128xf32, #tpu.memory_space<vmem>>[vector<16xi32>, vector<16xi32>], vector<16xf32>,
    %swap3A_1393 = arith.constant 22 : i32
    %swap3A_1394 = arith.index_cast %swap3A_1393 : i32 to index
    %swap3A_1395 = arith.constant 16 : index
    %swap3A_1396 = tpu.vector_load %arg14[%swap3A_1394, %swap3A_1395] {strides = array<i32>} : memref<32x128xf32, #tpu.memory_space<vmem>>, vector<16xf32>,
    tpu.vector_store %arg14[%swap3A_1394, %swap3A_1395], %gather3A_1392 {strides = array<i32>} : memref<32x128xf32, #tpu.memory_space<vmem>>, vector<16xf32>,
    %iota3A_1397 = tpu.iota {dimensions = array<i32: 0>} : vector<16xi32>
    %add3A_1398 = arith.constant 32 : i32
    %add3A_1399 = vector.broadcast %add3A_1398 : i32 to vector<16xi32>
    %add3A_1400 = arith.addi %iota3A_1397, %add3A_1399 : vector<16xi32>
    %gather3A_1401 = tpu.vector_load_idx %arg12[%add3A_1400, %broadcast_in_dim3A_1378] : memref<64x128xf32, #tpu.memory_space<vmem>>[vector<16xi32>, vector<16xi32>], vector<16xf32>,
    %swap3A_1402 = arith.constant 22 : i32
    %swap3A_1403 = arith.index_cast %swap3A_1402 : i32 to index
    %swap3A_1404 = arith.constant 32 : index
    %swap3A_1405 = tpu.vector_load %arg14[%swap3A_1403, %swap3A_1404] {strides = array<i32>} : memref<32x128xf32, #tpu.memory_space<vmem>>, vector<16xf32>,
    tpu.vector_store %arg14[%swap3A_1403, %swap3A_1404], %gather3A_1401 {strides = array<i32>} : memref<32x128xf32, #tpu.memory_space<vmem>>, vector<16xf32>,
    %iota3A_1406 = tpu.iota {dimensions = array<i32: 0>} : vector<16xi32>
    %add3A_1407 = arith.constant 48 : i32
    %add3A_1408 = vector.broadcast %add3A_1407 : i32 to vector<16xi32>
    %add3A_1409 = arith.addi %iota3A_1406, %add3A_1408 : vector<16xi32>
    %gather3A_1410 = tpu.vector_load_idx %arg12[%add3A_1409, %broadcast_in_dim3A_1378] : memref<64x128xf32, #tpu.memory_space<vmem>>[vector<16xi32>, vector<16xi32>], vector<16xf32>,
    %swap3A_1411 = arith.constant 22 : i32
    %swap3A_1412 = arith.index_cast %swap3A_1411 : i32 to index
    %swap3A_1413 = arith.constant 48 : index
    %swap3A_1414 = tpu.vector_load %arg14[%swap3A_1412, %swap3A_1413] {strides = array<i32>} : memref<32x128xf32, #tpu.memory_space<vmem>>, vector<16xf32>,
    tpu.vector_store %arg14[%swap3A_1412, %swap3A_1413], %gather3A_1410 {strides = array<i32>} : memref<32x128xf32, #tpu.memory_space<vmem>>, vector<16xf32>,
    %shift_right_arithmetic3A_1415 = arith.constant 7 : i32
    %shift_right_arithmetic3A_1416 = arith.shrsi %squeeze3A_113, %shift_right_arithmetic3A_1415 : i32
    %mul3A_1417 = arith.constant 128 : i32
    %mul3A_1418 = arith.muli %shift_right_arithmetic3A_1416, %mul3A_1417 : i32
    %multiple_of3A_1419 = tpu.assume_multiple %mul3A_1418, 128 : i32
    %dma_start3A_1420 = arith.constant 0 : i32
    %dma_start3A_1421 = tpu.memref_slice %arg2[%dma_start3A_1420, %multiple_of3A_1419] : memref<64x100000xf32, #tpu.memory_space<hbm>> -> memref<64x128xf32, #tpu.memory_space<hbm>>
    %dma_start3A_1422 = arith.constant 0 : i32
    %dma_start3A_1423 = tpu.memref_slice %arg2[%dma_start3A_1422, %multiple_of3A_1419] : memref<64x100000xf32, #tpu.memory_space<hbm>> -> memref<64x128xf32, #tpu.memory_space<hbm>>
    tpu.enqueue_dma source(%dma_start3A_1423 : memref<64x128xf32, #tpu.memory_space<hbm>>) target(%arg12 : memref<64x128xf32, #tpu.memory_space<vmem>>) target_semaphore(%arg22 : memref<!tpu.dma_semaphore, #tpu.memory_space<semaphore_mem>>)
    %dma_wait3A_1424 = arith.constant 0 : i32
    %dma_wait3A_1425 = arith.constant 0 : i32
    %dma_wait3A_1426 = tpu.memref_slice %arg2[%dma_wait3A_1424, %dma_wait3A_1425] : memref<64x100000xf32, #tpu.memory_space<hbm>> -> memref<64x128xf32, #tpu.memory_space<hbm>>
    %dma_wait3A_1427 = arith.constant 0 : i32
    %dma_wait3A_1428 = arith.constant 0 : i32
    %dma_wait3A_1429 = tpu.memref_slice %arg2[%dma_wait3A_1427, %dma_wait3A_1428] : memref<64x100000xf32, #tpu.memory_space<hbm>> -> memref<64x128xf32, #tpu.memory_space<hbm>>
    tpu.wait_dma2 semaphore(%arg23 : memref<!tpu.dma_semaphore, #tpu.memory_space<semaphore_mem>>) src(%dma_wait3A_1429 : memref<64x128xf32, #tpu.memory_space<hbm>>) dst(%arg13 : memref<64x128xf32, #tpu.memory_space<vmem>>)
    %and3A_1430 = arith.constant 127 : i32
    %and3A_1431 = arith.andi %squeeze3A_99, %and3A_1430 : i32
    %broadcast_in_dim3A_1432 = vector.broadcast %and3A_1431 : i32 to vector<16xi32>
    %iota3A_1433 = tpu.iota {dimensions = array<i32: 0>} : vector<16xi32>
    %add3A_1434 = arith.constant 0 : i32
    %add3A_1435 = vector.broadcast %add3A_1434 : i32 to vector<16xi32>
    %add3A_1436 = arith.addi %iota3A_1433, %add3A_1435 : vector<16xi32>
    %gather3A_1437 = tpu.vector_load_idx %arg13[%add3A_1436, %broadcast_in_dim3A_1432] : memref<64x128xf32, #tpu.memory_space<vmem>>[vector<16xi32>, vector<16xi32>], vector<16xf32>,
    %swap3A_1438 = arith.constant 23 : i32
    %swap3A_1439 = arith.index_cast %swap3A_1438 : i32 to index
    %swap3A_1440 = arith.constant 0 : index
    %swap3A_1441 = tpu.vector_load %arg14[%swap3A_1439, %swap3A_1440] {strides = array<i32>} : memref<32x128xf32, #tpu.memory_space<vmem>>, vector<16xf32>,
    tpu.vector_store %arg14[%swap3A_1439, %swap3A_1440], %gather3A_1437 {strides = array<i32>} : memref<32x128xf32, #tpu.memory_space<vmem>>, vector<16xf32>,
    %iota3A_1442 = tpu.iota {dimensions = array<i32: 0>} : vector<16xi32>
    %add3A_1443 = arith.constant 16 : i32
    %add3A_1444 = vector.broadcast %add3A_1443 : i32 to vector<16xi32>
    %add3A_1445 = arith.addi %iota3A_1442, %add3A_1444 : vector<16xi32>
    %gather3A_1446 = tpu.vector_load_idx %arg13[%add3A_1445, %broadcast_in_dim3A_1432] : memref<64x128xf32, #tpu.memory_space<vmem>>[vector<16xi32>, vector<16xi32>], vector<16xf32>,
    %swap3A_1447 = arith.constant 23 : i32
    %swap3A_1448 = arith.index_cast %swap3A_1447 : i32 to index
    %swap3A_1449 = arith.constant 16 : index
    %swap3A_1450 = tpu.vector_load %arg14[%swap3A_1448, %swap3A_1449] {strides = array<i32>} : memref<32x128xf32, #tpu.memory_space<vmem>>, vector<16xf32>,
    tpu.vector_store %arg14[%swap3A_1448, %swap3A_1449], %gather3A_1446 {strides = array<i32>} : memref<32x128xf32, #tpu.memory_space<vmem>>, vector<16xf32>,
    %iota3A_1451 = tpu.iota {dimensions = array<i32: 0>} : vector<16xi32>
    %add3A_1452 = arith.constant 32 : i32
    %add3A_1453 = vector.broadcast %add3A_1452 : i32 to vector<16xi32>
    %add3A_1454 = arith.addi %iota3A_1451, %add3A_1453 : vector<16xi32>
    %gather3A_1455 = tpu.vector_load_idx %arg13[%add3A_1454, %broadcast_in_dim3A_1432] : memref<64x128xf32, #tpu.memory_space<vmem>>[vector<16xi32>, vector<16xi32>], vector<16xf32>,
    %swap3A_1456 = arith.constant 23 : i32
    %swap3A_1457 = arith.index_cast %swap3A_1456 : i32 to index
    %swap3A_1458 = arith.constant 32 : index
    %swap3A_1459 = tpu.vector_load %arg14[%swap3A_1457, %swap3A_1458] {strides = array<i32>} : memref<32x128xf32, #tpu.memory_space<vmem>>, vector<16xf32>,
    tpu.vector_store %arg14[%swap3A_1457, %swap3A_1458], %gather3A_1455 {strides = array<i32>} : memref<32x128xf32, #tpu.memory_space<vmem>>, vector<16xf32>,
    %iota3A_1460 = tpu.iota {dimensions = array<i32: 0>} : vector<16xi32>
    %add3A_1461 = arith.constant 48 : i32
    %add3A_1462 = vector.broadcast %add3A_1461 : i32 to vector<16xi32>
    %add3A_1463 = arith.addi %iota3A_1460, %add3A_1462 : vector<16xi32>
    %gather3A_1464 = tpu.vector_load_idx %arg13[%add3A_1463, %broadcast_in_dim3A_1432] : memref<64x128xf32, #tpu.memory_space<vmem>>[vector<16xi32>, vector<16xi32>], vector<16xf32>,
    %swap3A_1465 = arith.constant 23 : i32
    %swap3A_1466 = arith.index_cast %swap3A_1465 : i32 to index
    %swap3A_1467 = arith.constant 48 : index
    %swap3A_1468 = tpu.vector_load %arg14[%swap3A_1466, %swap3A_1467] {strides = array<i32>} : memref<32x128xf32, #tpu.memory_space<vmem>>, vector<16xf32>,
    tpu.vector_store %arg14[%swap3A_1466, %swap3A_1467], %gather3A_1464 {strides = array<i32>} : memref<32x128xf32, #tpu.memory_space<vmem>>, vector<16xf32>,
    %shift_right_arithmetic3A_1469 = arith.constant 7 : i32
    %shift_right_arithmetic3A_1470 = arith.shrsi %squeeze3A_115, %shift_right_arithmetic3A_1469 : i32
    %mul3A_1471 = arith.constant 128 : i32
    %mul3A_1472 = arith.muli %shift_right_arithmetic3A_1470, %mul3A_1471 : i32
    %multiple_of3A_1473 = tpu.assume_multiple %mul3A_1472, 128 : i32
    %dma_start3A_1474 = arith.constant 0 : i32
    %dma_start3A_1475 = tpu.memref_slice %arg2[%dma_start3A_1474, %multiple_of3A_1473] : memref<64x100000xf32, #tpu.memory_space<hbm>> -> memref<64x128xf32, #tpu.memory_space<hbm>>
    %dma_start3A_1476 = arith.constant 0 : i32
    %dma_start3A_1477 = tpu.memref_slice %arg2[%dma_start3A_1476, %multiple_of3A_1473] : memref<64x100000xf32, #tpu.memory_space<hbm>> -> memref<64x128xf32, #tpu.memory_space<hbm>>
    tpu.enqueue_dma source(%dma_start3A_1477 : memref<64x128xf32, #tpu.memory_space<hbm>>) target(%arg13 : memref<64x128xf32, #tpu.memory_space<vmem>>) target_semaphore(%arg23 : memref<!tpu.dma_semaphore, #tpu.memory_space<semaphore_mem>>)
    %dma_wait3A_1478 = arith.constant 0 : i32
    %dma_wait3A_1479 = arith.constant 0 : i32
    %dma_wait3A_1480 = tpu.memref_slice %arg2[%dma_wait3A_1478, %dma_wait3A_1479] : memref<64x100000xf32, #tpu.memory_space<hbm>> -> memref<64x128xf32, #tpu.memory_space<hbm>>
    %dma_wait3A_1481 = arith.constant 0 : i32
    %dma_wait3A_1482 = arith.constant 0 : i32
    %dma_wait3A_1483 = tpu.memref_slice %arg2[%dma_wait3A_1481, %dma_wait3A_1482] : memref<64x100000xf32, #tpu.memory_space<hbm>> -> memref<64x128xf32, #tpu.memory_space<hbm>>
    tpu.wait_dma2 semaphore(%arg16 : memref<!tpu.dma_semaphore, #tpu.memory_space<semaphore_mem>>) src(%dma_wait3A_1483 : memref<64x128xf32, #tpu.memory_space<hbm>>) dst(%arg6 : memref<64x128xf32, #tpu.memory_space<vmem>>)
    %and3A_1484 = arith.constant 127 : i32
    %and3A_1485 = arith.andi %squeeze3A_101, %and3A_1484 : i32
    %broadcast_in_dim3A_1486 = vector.broadcast %and3A_1485 : i32 to vector<16xi32>
    %iota3A_1487 = tpu.iota {dimensions = array<i32: 0>} : vector<16xi32>
    %add3A_1488 = arith.constant 0 : i32
    %add3A_1489 = vector.broadcast %add3A_1488 : i32 to vector<16xi32>
    %add3A_1490 = arith.addi %iota3A_1487, %add3A_1489 : vector<16xi32>
    %gather3A_1491 = tpu.vector_load_idx %arg6[%add3A_1490, %broadcast_in_dim3A_1486] : memref<64x128xf32, #tpu.memory_space<vmem>>[vector<16xi32>, vector<16xi32>], vector<16xf32>,
    %swap3A_1492 = arith.constant 24 : i32
    %swap3A_1493 = arith.index_cast %swap3A_1492 : i32 to index
    %swap3A_1494 = arith.constant 0 : index
    %swap3A_1495 = tpu.vector_load %arg14[%swap3A_1493, %swap3A_1494] {strides = array<i32>} : memref<32x128xf32, #tpu.memory_space<vmem>>, vector<16xf32>,
    tpu.vector_store %arg14[%swap3A_1493, %swap3A_1494], %gather3A_1491 {strides = array<i32>} : memref<32x128xf32, #tpu.memory_space<vmem>>, vector<16xf32>,
    %iota3A_1496 = tpu.iota {dimensions = array<i32: 0>} : vector<16xi32>
    %add3A_1497 = arith.constant 16 : i32
    %add3A_1498 = vector.broadcast %add3A_1497 : i32 to vector<16xi32>
    %add3A_1499 = arith.addi %iota3A_1496, %add3A_1498 : vector<16xi32>
    %gather3A_1500 = tpu.vector_load_idx %arg6[%add3A_1499, %broadcast_in_dim3A_1486] : memref<64x128xf32, #tpu.memory_space<vmem>>[vector<16xi32>, vector<16xi32>], vector<16xf32>,
    %swap3A_1501 = arith.constant 24 : i32
    %swap3A_1502 = arith.index_cast %swap3A_1501 : i32 to index
    %swap3A_1503 = arith.constant 16 : index
    %swap3A_1504 = tpu.vector_load %arg14[%swap3A_1502, %swap3A_1503] {strides = array<i32>} : memref<32x128xf32, #tpu.memory_space<vmem>>, vector<16xf32>,
    tpu.vector_store %arg14[%swap3A_1502, %swap3A_1503], %gather3A_1500 {strides = array<i32>} : memref<32x128xf32, #tpu.memory_space<vmem>>, vector<16xf32>,
    %iota3A_1505 = tpu.iota {dimensions = array<i32: 0>} : vector<16xi32>
    %add3A_1506 = arith.constant 32 : i32
    %add3A_1507 = vector.broadcast %add3A_1506 : i32 to vector<16xi32>
    %add3A_1508 = arith.addi %iota3A_1505, %add3A_1507 : vector<16xi32>
    %gather3A_1509 = tpu.vector_load_idx %arg6[%add3A_1508, %broadcast_in_dim3A_1486] : memref<64x128xf32, #tpu.memory_space<vmem>>[vector<16xi32>, vector<16xi32>], vector<16xf32>,
    %swap3A_1510 = arith.constant 24 : i32
    %swap3A_1511 = arith.index_cast %swap3A_1510 : i32 to index
    %swap3A_1512 = arith.constant 32 : index
    %swap3A_1513 = tpu.vector_load %arg14[%swap3A_1511, %swap3A_1512] {strides = array<i32>} : memref<32x128xf32, #tpu.memory_space<vmem>>, vector<16xf32>,
    tpu.vector_store %arg14[%swap3A_1511, %swap3A_1512], %gather3A_1509 {strides = array<i32>} : memref<32x128xf32, #tpu.memory_space<vmem>>, vector<16xf32>,
    %iota3A_1514 = tpu.iota {dimensions = array<i32: 0>} : vector<16xi32>
    %add3A_1515 = arith.constant 48 : i32
    %add3A_1516 = vector.broadcast %add3A_1515 : i32 to vector<16xi32>
    %add3A_1517 = arith.addi %iota3A_1514, %add3A_1516 : vector<16xi32>
    %gather3A_1518 = tpu.vector_load_idx %arg6[%add3A_1517, %broadcast_in_dim3A_1486] : memref<64x128xf32, #tpu.memory_space<vmem>>[vector<16xi32>, vector<16xi32>], vector<16xf32>,
    %swap3A_1519 = arith.constant 24 : i32
    %swap3A_1520 = arith.index_cast %swap3A_1519 : i32 to index
    %swap3A_1521 = arith.constant 48 : index
    %swap3A_1522 = tpu.vector_load %arg14[%swap3A_1520, %swap3A_1521] {strides = array<i32>} : memref<32x128xf32, #tpu.memory_space<vmem>>, vector<16xf32>,
    tpu.vector_store %arg14[%swap3A_1520, %swap3A_1521], %gather3A_1518 {strides = array<i32>} : memref<32x128xf32, #tpu.memory_space<vmem>>, vector<16xf32>,
    %dma_wait3A_1523 = arith.constant 0 : i32
    %dma_wait3A_1524 = arith.constant 0 : i32
    %dma_wait3A_1525 = tpu.memref_slice %arg2[%dma_wait3A_1523, %dma_wait3A_1524] : memref<64x100000xf32, #tpu.memory_space<hbm>> -> memref<64x128xf32, #tpu.memory_space<hbm>>
    %dma_wait3A_1526 = arith.constant 0 : i32
    %dma_wait3A_1527 = arith.constant 0 : i32
    %dma_wait3A_1528 = tpu.memref_slice %arg2[%dma_wait3A_1526, %dma_wait3A_1527] : memref<64x100000xf32, #tpu.memory_space<hbm>> -> memref<64x128xf32, #tpu.memory_space<hbm>>
    tpu.wait_dma2 semaphore(%arg17 : memref<!tpu.dma_semaphore, #tpu.memory_space<semaphore_mem>>) src(%dma_wait3A_1528 : memref<64x128xf32, #tpu.memory_space<hbm>>) dst(%arg7 : memref<64x128xf32, #tpu.memory_space<vmem>>)
    %and3A_1529 = arith.constant 127 : i32
    %and3A_1530 = arith.andi %squeeze3A_103, %and3A_1529 : i32
    %broadcast_in_dim3A_1531 = vector.broadcast %and3A_1530 : i32 to vector<16xi32>
    %iota3A_1532 = tpu.iota {dimensions = array<i32: 0>} : vector<16xi32>
    %add3A_1533 = arith.constant 0 : i32
    %add3A_1534 = vector.broadcast %add3A_1533 : i32 to vector<16xi32>
    %add3A_1535 = arith.addi %iota3A_1532, %add3A_1534 : vector<16xi32>
    %gather3A_1536 = tpu.vector_load_idx %arg7[%add3A_1535, %broadcast_in_dim3A_1531] : memref<64x128xf32, #tpu.memory_space<vmem>>[vector<16xi32>, vector<16xi32>], vector<16xf32>,
    %swap3A_1537 = arith.constant 25 : i32
    %swap3A_1538 = arith.index_cast %swap3A_1537 : i32 to index
    %swap3A_1539 = arith.constant 0 : index
    %swap3A_1540 = tpu.vector_load %arg14[%swap3A_1538, %swap3A_1539] {strides = array<i32>} : memref<32x128xf32, #tpu.memory_space<vmem>>, vector<16xf32>,
    tpu.vector_store %arg14[%swap3A_1538, %swap3A_1539], %gather3A_1536 {strides = array<i32>} : memref<32x128xf32, #tpu.memory_space<vmem>>, vector<16xf32>,
    %iota3A_1541 = tpu.iota {dimensions = array<i32: 0>} : vector<16xi32>
    %add3A_1542 = arith.constant 16 : i32
    %add3A_1543 = vector.broadcast %add3A_1542 : i32 to vector<16xi32>
    %add3A_1544 = arith.addi %iota3A_1541, %add3A_1543 : vector<16xi32>
    %gather3A_1545 = tpu.vector_load_idx %arg7[%add3A_1544, %broadcast_in_dim3A_1531] : memref<64x128xf32, #tpu.memory_space<vmem>>[vector<16xi32>, vector<16xi32>], vector<16xf32>,
    %swap3A_1546 = arith.constant 25 : i32
    %swap3A_1547 = arith.index_cast %swap3A_1546 : i32 to index
    %swap3A_1548 = arith.constant 16 : index
    %swap3A_1549 = tpu.vector_load %arg14[%swap3A_1547, %swap3A_1548] {strides = array<i32>} : memref<32x128xf32, #tpu.memory_space<vmem>>, vector<16xf32>,
    tpu.vector_store %arg14[%swap3A_1547, %swap3A_1548], %gather3A_1545 {strides = array<i32>} : memref<32x128xf32, #tpu.memory_space<vmem>>, vector<16xf32>,
    %iota3A_1550 = tpu.iota {dimensions = array<i32: 0>} : vector<16xi32>
    %add3A_1551 = arith.constant 32 : i32
    %add3A_1552 = vector.broadcast %add3A_1551 : i32 to vector<16xi32>
    %add3A_1553 = arith.addi %iota3A_1550, %add3A_1552 : vector<16xi32>
    %gather3A_1554 = tpu.vector_load_idx %arg7[%add3A_1553, %broadcast_in_dim3A_1531] : memref<64x128xf32, #tpu.memory_space<vmem>>[vector<16xi32>, vector<16xi32>], vector<16xf32>,
    %swap3A_1555 = arith.constant 25 : i32
    %swap3A_1556 = arith.index_cast %swap3A_1555 : i32 to index
    %swap3A_1557 = arith.constant 32 : index
    %swap3A_1558 = tpu.vector_load %arg14[%swap3A_1556, %swap3A_1557] {strides = array<i32>} : memref<32x128xf32, #tpu.memory_space<vmem>>, vector<16xf32>,
    tpu.vector_store %arg14[%swap3A_1556, %swap3A_1557], %gather3A_1554 {strides = array<i32>} : memref<32x128xf32, #tpu.memory_space<vmem>>, vector<16xf32>,
    %iota3A_1559 = tpu.iota {dimensions = array<i32: 0>} : vector<16xi32>
    %add3A_1560 = arith.constant 48 : i32
    %add3A_1561 = vector.broadcast %add3A_1560 : i32 to vector<16xi32>
    %add3A_1562 = arith.addi %iota3A_1559, %add3A_1561 : vector<16xi32>
    %gather3A_1563 = tpu.vector_load_idx %arg7[%add3A_1562, %broadcast_in_dim3A_1531] : memref<64x128xf32, #tpu.memory_space<vmem>>[vector<16xi32>, vector<16xi32>], vector<16xf32>,
    %swap3A_1564 = arith.constant 25 : i32
    %swap3A_1565 = arith.index_cast %swap3A_1564 : i32 to index
    %swap3A_1566 = arith.constant 48 : index
    %swap3A_1567 = tpu.vector_load %arg14[%swap3A_1565, %swap3A_1566] {strides = array<i32>} : memref<32x128xf32, #tpu.memory_space<vmem>>, vector<16xf32>,
    tpu.vector_store %arg14[%swap3A_1565, %swap3A_1566], %gather3A_1563 {strides = array<i32>} : memref<32x128xf32, #tpu.memory_space<vmem>>, vector<16xf32>,
    %dma_wait3A_1568 = arith.constant 0 : i32
    %dma_wait3A_1569 = arith.constant 0 : i32
    %dma_wait3A_1570 = tpu.memref_slice %arg2[%dma_wait3A_1568, %dma_wait3A_1569] : memref<64x100000xf32, #tpu.memory_space<hbm>> -> memref<64x128xf32, #tpu.memory_space<hbm>>
    %dma_wait3A_1571 = arith.constant 0 : i32
    %dma_wait3A_1572 = arith.constant 0 : i32
    %dma_wait3A_1573 = tpu.memref_slice %arg2[%dma_wait3A_1571, %dma_wait3A_1572] : memref<64x100000xf32, #tpu.memory_space<hbm>> -> memref<64x128xf32, #tpu.memory_space<hbm>>
    tpu.wait_dma2 semaphore(%arg18 : memref<!tpu.dma_semaphore, #tpu.memory_space<semaphore_mem>>) src(%dma_wait3A_1573 : memref<64x128xf32, #tpu.memory_space<hbm>>) dst(%arg8 : memref<64x128xf32, #tpu.memory_space<vmem>>)
    %and3A_1574 = arith.constant 127 : i32
    %and3A_1575 = arith.andi %squeeze3A_105, %and3A_1574 : i32
    %broadcast_in_dim3A_1576 = vector.broadcast %and3A_1575 : i32 to vector<16xi32>
    %iota3A_1577 = tpu.iota {dimensions = array<i32: 0>} : vector<16xi32>
    %add3A_1578 = arith.constant 0 : i32
    %add3A_1579 = vector.broadcast %add3A_1578 : i32 to vector<16xi32>
    %add3A_1580 = arith.addi %iota3A_1577, %add3A_1579 : vector<16xi32>
    %gather3A_1581 = tpu.vector_load_idx %arg8[%add3A_1580, %broadcast_in_dim3A_1576] : memref<64x128xf32, #tpu.memory_space<vmem>>[vector<16xi32>, vector<16xi32>], vector<16xf32>,
    %swap3A_1582 = arith.constant 26 : i32
    %swap3A_1583 = arith.index_cast %swap3A_1582 : i32 to index
    %swap3A_1584 = arith.constant 0 : index
    %swap3A_1585 = tpu.vector_load %arg14[%swap3A_1583, %swap3A_1584] {strides = array<i32>} : memref<32x128xf32, #tpu.memory_space<vmem>>, vector<16xf32>,
    tpu.vector_store %arg14[%swap3A_1583, %swap3A_1584], %gather3A_1581 {strides = array<i32>} : memref<32x128xf32, #tpu.memory_space<vmem>>, vector<16xf32>,
    %iota3A_1586 = tpu.iota {dimensions = array<i32: 0>} : vector<16xi32>
    %add3A_1587 = arith.constant 16 : i32
    %add3A_1588 = vector.broadcast %add3A_1587 : i32 to vector<16xi32>
    %add3A_1589 = arith.addi %iota3A_1586, %add3A_1588 : vector<16xi32>
    %gather3A_1590 = tpu.vector_load_idx %arg8[%add3A_1589, %broadcast_in_dim3A_1576] : memref<64x128xf32, #tpu.memory_space<vmem>>[vector<16xi32>, vector<16xi32>], vector<16xf32>,
    %swap3A_1591 = arith.constant 26 : i32
    %swap3A_1592 = arith.index_cast %swap3A_1591 : i32 to index
    %swap3A_1593 = arith.constant 16 : index
    %swap3A_1594 = tpu.vector_load %arg14[%swap3A_1592, %swap3A_1593] {strides = array<i32>} : memref<32x128xf32, #tpu.memory_space<vmem>>, vector<16xf32>,
    tpu.vector_store %arg14[%swap3A_1592, %swap3A_1593], %gather3A_1590 {strides = array<i32>} : memref<32x128xf32, #tpu.memory_space<vmem>>, vector<16xf32>,
    %iota3A_1595 = tpu.iota {dimensions = array<i32: 0>} : vector<16xi32>
    %add3A_1596 = arith.constant 32 : i32
    %add3A_1597 = vector.broadcast %add3A_1596 : i32 to vector<16xi32>
    %add3A_1598 = arith.addi %iota3A_1595, %add3A_1597 : vector<16xi32>
    %gather3A_1599 = tpu.vector_load_idx %arg8[%add3A_1598, %broadcast_in_dim3A_1576] : memref<64x128xf32, #tpu.memory_space<vmem>>[vector<16xi32>, vector<16xi32>], vector<16xf32>,
    %swap3A_1600 = arith.constant 26 : i32
    %swap3A_1601 = arith.index_cast %swap3A_1600 : i32 to index
    %swap3A_1602 = arith.constant 32 : index
    %swap3A_1603 = tpu.vector_load %arg14[%swap3A_1601, %swap3A_1602] {strides = array<i32>} : memref<32x128xf32, #tpu.memory_space<vmem>>, vector<16xf32>,
    tpu.vector_store %arg14[%swap3A_1601, %swap3A_1602], %gather3A_1599 {strides = array<i32>} : memref<32x128xf32, #tpu.memory_space<vmem>>, vector<16xf32>,
    %iota3A_1604 = tpu.iota {dimensions = array<i32: 0>} : vector<16xi32>
    %add3A_1605 = arith.constant 48 : i32
    %add3A_1606 = vector.broadcast %add3A_1605 : i32 to vector<16xi32>
    %add3A_1607 = arith.addi %iota3A_1604, %add3A_1606 : vector<16xi32>
    %gather3A_1608 = tpu.vector_load_idx %arg8[%add3A_1607, %broadcast_in_dim3A_1576] : memref<64x128xf32, #tpu.memory_space<vmem>>[vector<16xi32>, vector<16xi32>], vector<16xf32>,
    %swap3A_1609 = arith.constant 26 : i32
    %swap3A_1610 = arith.index_cast %swap3A_1609 : i32 to index
    %swap3A_1611 = arith.constant 48 : index
    %swap3A_1612 = tpu.vector_load %arg14[%swap3A_1610, %swap3A_1611] {strides = array<i32>} : memref<32x128xf32, #tpu.memory_space<vmem>>, vector<16xf32>,
    tpu.vector_store %arg14[%swap3A_1610, %swap3A_1611], %gather3A_1608 {strides = array<i32>} : memref<32x128xf32, #tpu.memory_space<vmem>>, vector<16xf32>,
    %dma_wait3A_1613 = arith.constant 0 : i32
    %dma_wait3A_1614 = arith.constant 0 : i32
    %dma_wait3A_1615 = tpu.memref_slice %arg2[%dma_wait3A_1613, %dma_wait3A_1614] : memref<64x100000xf32, #tpu.memory_space<hbm>> -> memref<64x128xf32, #tpu.memory_space<hbm>>
    %dma_wait3A_1616 = arith.constant 0 : i32
    %dma_wait3A_1617 = arith.constant 0 : i32
    %dma_wait3A_1618 = tpu.memref_slice %arg2[%dma_wait3A_1616, %dma_wait3A_1617] : memref<64x100000xf32, #tpu.memory_space<hbm>> -> memref<64x128xf32, #tpu.memory_space<hbm>>
    tpu.wait_dma2 semaphore(%arg19 : memref<!tpu.dma_semaphore, #tpu.memory_space<semaphore_mem>>) src(%dma_wait3A_1618 : memref<64x128xf32, #tpu.memory_space<hbm>>) dst(%arg9 : memref<64x128xf32, #tpu.memory_space<vmem>>)
    %and3A_1619 = arith.constant 127 : i32
    %and3A_1620 = arith.andi %squeeze3A_107, %and3A_1619 : i32
    %broadcast_in_dim3A_1621 = vector.broadcast %and3A_1620 : i32 to vector<16xi32>
    %iota3A_1622 = tpu.iota {dimensions = array<i32: 0>} : vector<16xi32>
    %add3A_1623 = arith.constant 0 : i32
    %add3A_1624 = vector.broadcast %add3A_1623 : i32 to vector<16xi32>
    %add3A_1625 = arith.addi %iota3A_1622, %add3A_1624 : vector<16xi32>
    %gather3A_1626 = tpu.vector_load_idx %arg9[%add3A_1625, %broadcast_in_dim3A_1621] : memref<64x128xf32, #tpu.memory_space<vmem>>[vector<16xi32>, vector<16xi32>], vector<16xf32>,
    %swap3A_1627 = arith.constant 27 : i32
    %swap3A_1628 = arith.index_cast %swap3A_1627 : i32 to index
    %swap3A_1629 = arith.constant 0 : index
    %swap3A_1630 = tpu.vector_load %arg14[%swap3A_1628, %swap3A_1629] {strides = array<i32>} : memref<32x128xf32, #tpu.memory_space<vmem>>, vector<16xf32>,
    tpu.vector_store %arg14[%swap3A_1628, %swap3A_1629], %gather3A_1626 {strides = array<i32>} : memref<32x128xf32, #tpu.memory_space<vmem>>, vector<16xf32>,
    %iota3A_1631 = tpu.iota {dimensions = array<i32: 0>} : vector<16xi32>
    %add3A_1632 = arith.constant 16 : i32
    %add3A_1633 = vector.broadcast %add3A_1632 : i32 to vector<16xi32>
    %add3A_1634 = arith.addi %iota3A_1631, %add3A_1633 : vector<16xi32>
    %gather3A_1635 = tpu.vector_load_idx %arg9[%add3A_1634, %broadcast_in_dim3A_1621] : memref<64x128xf32, #tpu.memory_space<vmem>>[vector<16xi32>, vector<16xi32>], vector<16xf32>,
    %swap3A_1636 = arith.constant 27 : i32
    %swap3A_1637 = arith.index_cast %swap3A_1636 : i32 to index
    %swap3A_1638 = arith.constant 16 : index
    %swap3A_1639 = tpu.vector_load %arg14[%swap3A_1637, %swap3A_1638] {strides = array<i32>} : memref<32x128xf32, #tpu.memory_space<vmem>>, vector<16xf32>,
    tpu.vector_store %arg14[%swap3A_1637, %swap3A_1638], %gather3A_1635 {strides = array<i32>} : memref<32x128xf32, #tpu.memory_space<vmem>>, vector<16xf32>,
    %iota3A_1640 = tpu.iota {dimensions = array<i32: 0>} : vector<16xi32>
    %add3A_1641 = arith.constant 32 : i32
    %add3A_1642 = vector.broadcast %add3A_1641 : i32 to vector<16xi32>
    %add3A_1643 = arith.addi %iota3A_1640, %add3A_1642 : vector<16xi32>
    %gather3A_1644 = tpu.vector_load_idx %arg9[%add3A_1643, %broadcast_in_dim3A_1621] : memref<64x128xf32, #tpu.memory_space<vmem>>[vector<16xi32>, vector<16xi32>], vector<16xf32>,
    %swap3A_1645 = arith.constant 27 : i32
    %swap3A_1646 = arith.index_cast %swap3A_1645 : i32 to index
    %swap3A_1647 = arith.constant 32 : index
    %swap3A_1648 = tpu.vector_load %arg14[%swap3A_1646, %swap3A_1647] {strides = array<i32>} : memref<32x128xf32, #tpu.memory_space<vmem>>, vector<16xf32>,
    tpu.vector_store %arg14[%swap3A_1646, %swap3A_1647], %gather3A_1644 {strides = array<i32>} : memref<32x128xf32, #tpu.memory_space<vmem>>, vector<16xf32>,
    %iota3A_1649 = tpu.iota {dimensions = array<i32: 0>} : vector<16xi32>
    %add3A_1650 = arith.constant 48 : i32
    %add3A_1651 = vector.broadcast %add3A_1650 : i32 to vector<16xi32>
    %add3A_1652 = arith.addi %iota3A_1649, %add3A_1651 : vector<16xi32>
    %gather3A_1653 = tpu.vector_load_idx %arg9[%add3A_1652, %broadcast_in_dim3A_1621] : memref<64x128xf32, #tpu.memory_space<vmem>>[vector<16xi32>, vector<16xi32>], vector<16xf32>,
    %swap3A_1654 = arith.constant 27 : i32
    %swap3A_1655 = arith.index_cast %swap3A_1654 : i32 to index
    %swap3A_1656 = arith.constant 48 : index
    %swap3A_1657 = tpu.vector_load %arg14[%swap3A_1655, %swap3A_1656] {strides = array<i32>} : memref<32x128xf32, #tpu.memory_space<vmem>>, vector<16xf32>,
    tpu.vector_store %arg14[%swap3A_1655, %swap3A_1656], %gather3A_1653 {strides = array<i32>} : memref<32x128xf32, #tpu.memory_space<vmem>>, vector<16xf32>,
    %dma_wait3A_1658 = arith.constant 0 : i32
    %dma_wait3A_1659 = arith.constant 0 : i32
    %dma_wait3A_1660 = tpu.memref_slice %arg2[%dma_wait3A_1658, %dma_wait3A_1659] : memref<64x100000xf32, #tpu.memory_space<hbm>> -> memref<64x128xf32, #tpu.memory_space<hbm>>
    %dma_wait3A_1661 = arith.constant 0 : i32
    %dma_wait3A_1662 = arith.constant 0 : i32
    %dma_wait3A_1663 = tpu.memref_slice %arg2[%dma_wait3A_1661, %dma_wait3A_1662] : memref<64x100000xf32, #tpu.memory_space<hbm>> -> memref<64x128xf32, #tpu.memory_space<hbm>>
    tpu.wait_dma2 semaphore(%arg20 : memref<!tpu.dma_semaphore, #tpu.memory_space<semaphore_mem>>) src(%dma_wait3A_1663 : memref<64x128xf32, #tpu.memory_space<hbm>>) dst(%arg10 : memref<64x128xf32, #tpu.memory_space<vmem>>)
    %and3A_1664 = arith.constant 127 : i32
    %and3A_1665 = arith.andi %squeeze3A_109, %and3A_1664 : i32
    %broadcast_in_dim3A_1666 = vector.broadcast %and3A_1665 : i32 to vector<16xi32>
    %iota3A_1667 = tpu.iota {dimensions = array<i32: 0>} : vector<16xi32>
    %add3A_1668 = arith.constant 0 : i32
    %add3A_1669 = vector.broadcast %add3A_1668 : i32 to vector<16xi32>
    %add3A_1670 = arith.addi %iota3A_1667, %add3A_1669 : vector<16xi32>
    %gather3A_1671 = tpu.vector_load_idx %arg10[%add3A_1670, %broadcast_in_dim3A_1666] : memref<64x128xf32, #tpu.memory_space<vmem>>[vector<16xi32>, vector<16xi32>], vector<16xf32>,
    %swap3A_1672 = arith.constant 28 : i32
    %swap3A_1673 = arith.index_cast %swap3A_1672 : i32 to index
    %swap3A_1674 = arith.constant 0 : index
    %swap3A_1675 = tpu.vector_load %arg14[%swap3A_1673, %swap3A_1674] {strides = array<i32>} : memref<32x128xf32, #tpu.memory_space<vmem>>, vector<16xf32>,
    tpu.vector_store %arg14[%swap3A_1673, %swap3A_1674], %gather3A_1671 {strides = array<i32>} : memref<32x128xf32, #tpu.memory_space<vmem>>, vector<16xf32>,
    %iota3A_1676 = tpu.iota {dimensions = array<i32: 0>} : vector<16xi32>
    %add3A_1677 = arith.constant 16 : i32
    %add3A_1678 = vector.broadcast %add3A_1677 : i32 to vector<16xi32>
    %add3A_1679 = arith.addi %iota3A_1676, %add3A_1678 : vector<16xi32>
    %gather3A_1680 = tpu.vector_load_idx %arg10[%add3A_1679, %broadcast_in_dim3A_1666] : memref<64x128xf32, #tpu.memory_space<vmem>>[vector<16xi32>, vector<16xi32>], vector<16xf32>,
    %swap3A_1681 = arith.constant 28 : i32
    %swap3A_1682 = arith.index_cast %swap3A_1681 : i32 to index
    %swap3A_1683 = arith.constant 16 : index
    %swap3A_1684 = tpu.vector_load %arg14[%swap3A_1682, %swap3A_1683] {strides = array<i32>} : memref<32x128xf32, #tpu.memory_space<vmem>>, vector<16xf32>,
    tpu.vector_store %arg14[%swap3A_1682, %swap3A_1683], %gather3A_1680 {strides = array<i32>} : memref<32x128xf32, #tpu.memory_space<vmem>>, vector<16xf32>,
    %iota3A_1685 = tpu.iota {dimensions = array<i32: 0>} : vector<16xi32>
    %add3A_1686 = arith.constant 32 : i32
    %add3A_1687 = vector.broadcast %add3A_1686 : i32 to vector<16xi32>
    %add3A_1688 = arith.addi %iota3A_1685, %add3A_1687 : vector<16xi32>
    %gather3A_1689 = tpu.vector_load_idx %arg10[%add3A_1688, %broadcast_in_dim3A_1666] : memref<64x128xf32, #tpu.memory_space<vmem>>[vector<16xi32>, vector<16xi32>], vector<16xf32>,
    %swap3A_1690 = arith.constant 28 : i32
    %swap3A_1691 = arith.index_cast %swap3A_1690 : i32 to index
    %swap3A_1692 = arith.constant 32 : index
    %swap3A_1693 = tpu.vector_load %arg14[%swap3A_1691, %swap3A_1692] {strides = array<i32>} : memref<32x128xf32, #tpu.memory_space<vmem>>, vector<16xf32>,
    tpu.vector_store %arg14[%swap3A_1691, %swap3A_1692], %gather3A_1689 {strides = array<i32>} : memref<32x128xf32, #tpu.memory_space<vmem>>, vector<16xf32>,
    %iota3A_1694 = tpu.iota {dimensions = array<i32: 0>} : vector<16xi32>
    %add3A_1695 = arith.constant 48 : i32
    %add3A_1696 = vector.broadcast %add3A_1695 : i32 to vector<16xi32>
    %add3A_1697 = arith.addi %iota3A_1694, %add3A_1696 : vector<16xi32>
    %gather3A_1698 = tpu.vector_load_idx %arg10[%add3A_1697, %broadcast_in_dim3A_1666] : memref<64x128xf32, #tpu.memory_space<vmem>>[vector<16xi32>, vector<16xi32>], vector<16xf32>,
    %swap3A_1699 = arith.constant 28 : i32
    %swap3A_1700 = arith.index_cast %swap3A_1699 : i32 to index
    %swap3A_1701 = arith.constant 48 : index
    %swap3A_1702 = tpu.vector_load %arg14[%swap3A_1700, %swap3A_1701] {strides = array<i32>} : memref<32x128xf32, #tpu.memory_space<vmem>>, vector<16xf32>,
    tpu.vector_store %arg14[%swap3A_1700, %swap3A_1701], %gather3A_1698 {strides = array<i32>} : memref<32x128xf32, #tpu.memory_space<vmem>>, vector<16xf32>,
    %dma_wait3A_1703 = arith.constant 0 : i32
    %dma_wait3A_1704 = arith.constant 0 : i32
    %dma_wait3A_1705 = tpu.memref_slice %arg2[%dma_wait3A_1703, %dma_wait3A_1704] : memref<64x100000xf32, #tpu.memory_space<hbm>> -> memref<64x128xf32, #tpu.memory_space<hbm>>
    %dma_wait3A_1706 = arith.constant 0 : i32
    %dma_wait3A_1707 = arith.constant 0 : i32
    %dma_wait3A_1708 = tpu.memref_slice %arg2[%dma_wait3A_1706, %dma_wait3A_1707] : memref<64x100000xf32, #tpu.memory_space<hbm>> -> memref<64x128xf32, #tpu.memory_space<hbm>>
    tpu.wait_dma2 semaphore(%arg21 : memref<!tpu.dma_semaphore, #tpu.memory_space<semaphore_mem>>) src(%dma_wait3A_1708 : memref<64x128xf32, #tpu.memory_space<hbm>>) dst(%arg11 : memref<64x128xf32, #tpu.memory_space<vmem>>)
    %and3A_1709 = arith.constant 127 : i32
    %and3A_1710 = arith.andi %squeeze3A_111, %and3A_1709 : i32
    %broadcast_in_dim3A_1711 = vector.broadcast %and3A_1710 : i32 to vector<16xi32>
    %iota3A_1712 = tpu.iota {dimensions = array<i32: 0>} : vector<16xi32>
    %add3A_1713 = arith.constant 0 : i32
    %add3A_1714 = vector.broadcast %add3A_1713 : i32 to vector<16xi32>
    %add3A_1715 = arith.addi %iota3A_1712, %add3A_1714 : vector<16xi32>
    %gather3A_1716 = tpu.vector_load_idx %arg11[%add3A_1715, %broadcast_in_dim3A_1711] : memref<64x128xf32, #tpu.memory_space<vmem>>[vector<16xi32>, vector<16xi32>], vector<16xf32>,
    %swap3A_1717 = arith.constant 29 : i32
    %swap3A_1718 = arith.index_cast %swap3A_1717 : i32 to index
    %swap3A_1719 = arith.constant 0 : index
    %swap3A_1720 = tpu.vector_load %arg14[%swap3A_1718, %swap3A_1719] {strides = array<i32>} : memref<32x128xf32, #tpu.memory_space<vmem>>, vector<16xf32>,
    tpu.vector_store %arg14[%swap3A_1718, %swap3A_1719], %gather3A_1716 {strides = array<i32>} : memref<32x128xf32, #tpu.memory_space<vmem>>, vector<16xf32>,
    %iota3A_1721 = tpu.iota {dimensions = array<i32: 0>} : vector<16xi32>
    %add3A_1722 = arith.constant 16 : i32
    %add3A_1723 = vector.broadcast %add3A_1722 : i32 to vector<16xi32>
    %add3A_1724 = arith.addi %iota3A_1721, %add3A_1723 : vector<16xi32>
    %gather3A_1725 = tpu.vector_load_idx %arg11[%add3A_1724, %broadcast_in_dim3A_1711] : memref<64x128xf32, #tpu.memory_space<vmem>>[vector<16xi32>, vector<16xi32>], vector<16xf32>,
    %swap3A_1726 = arith.constant 29 : i32
    %swap3A_1727 = arith.index_cast %swap3A_1726 : i32 to index
    %swap3A_1728 = arith.constant 16 : index
    %swap3A_1729 = tpu.vector_load %arg14[%swap3A_1727, %swap3A_1728] {strides = array<i32>} : memref<32x128xf32, #tpu.memory_space<vmem>>, vector<16xf32>,
    tpu.vector_store %arg14[%swap3A_1727, %swap3A_1728], %gather3A_1725 {strides = array<i32>} : memref<32x128xf32, #tpu.memory_space<vmem>>, vector<16xf32>,
    %iota3A_1730 = tpu.iota {dimensions = array<i32: 0>} : vector<16xi32>
    %add3A_1731 = arith.constant 32 : i32
    %add3A_1732 = vector.broadcast %add3A_1731 : i32 to vector<16xi32>
    %add3A_1733 = arith.addi %iota3A_1730, %add3A_1732 : vector<16xi32>
    %gather3A_1734 = tpu.vector_load_idx %arg11[%add3A_1733, %broadcast_in_dim3A_1711] : memref<64x128xf32, #tpu.memory_space<vmem>>[vector<16xi32>, vector<16xi32>], vector<16xf32>,
    %swap3A_1735 = arith.constant 29 : i32
    %swap3A_1736 = arith.index_cast %swap3A_1735 : i32 to index
    %swap3A_1737 = arith.constant 32 : index
    %swap3A_1738 = tpu.vector_load %arg14[%swap3A_1736, %swap3A_1737] {strides = array<i32>} : memref<32x128xf32, #tpu.memory_space<vmem>>, vector<16xf32>,
    tpu.vector_store %arg14[%swap3A_1736, %swap3A_1737], %gather3A_1734 {strides = array<i32>} : memref<32x128xf32, #tpu.memory_space<vmem>>, vector<16xf32>,
    %iota3A_1739 = tpu.iota {dimensions = array<i32: 0>} : vector<16xi32>
    %add3A_1740 = arith.constant 48 : i32
    %add3A_1741 = vector.broadcast %add3A_1740 : i32 to vector<16xi32>
    %add3A_1742 = arith.addi %iota3A_1739, %add3A_1741 : vector<16xi32>
    %gather3A_1743 = tpu.vector_load_idx %arg11[%add3A_1742, %broadcast_in_dim3A_1711] : memref<64x128xf32, #tpu.memory_space<vmem>>[vector<16xi32>, vector<16xi32>], vector<16xf32>,
    %swap3A_1744 = arith.constant 29 : i32
    %swap3A_1745 = arith.index_cast %swap3A_1744 : i32 to index
    %swap3A_1746 = arith.constant 48 : index
    %swap3A_1747 = tpu.vector_load %arg14[%swap3A_1745, %swap3A_1746] {strides = array<i32>} : memref<32x128xf32, #tpu.memory_space<vmem>>, vector<16xf32>,
    tpu.vector_store %arg14[%swap3A_1745, %swap3A_1746], %gather3A_1743 {strides = array<i32>} : memref<32x128xf32, #tpu.memory_space<vmem>>, vector<16xf32>,
    %dma_wait3A_1748 = arith.constant 0 : i32
    %dma_wait3A_1749 = arith.constant 0 : i32
    %dma_wait3A_1750 = tpu.memref_slice %arg2[%dma_wait3A_1748, %dma_wait3A_1749] : memref<64x100000xf32, #tpu.memory_space<hbm>> -> memref<64x128xf32, #tpu.memory_space<hbm>>
    %dma_wait3A_1751 = arith.constant 0 : i32
    %dma_wait3A_1752 = arith.constant 0 : i32
    %dma_wait3A_1753 = tpu.memref_slice %arg2[%dma_wait3A_1751, %dma_wait3A_1752] : memref<64x100000xf32, #tpu.memory_space<hbm>> -> memref<64x128xf32, #tpu.memory_space<hbm>>
    tpu.wait_dma2 semaphore(%arg22 : memref<!tpu.dma_semaphore, #tpu.memory_space<semaphore_mem>>) src(%dma_wait3A_1753 : memref<64x128xf32, #tpu.memory_space<hbm>>) dst(%arg12 : memref<64x128xf32, #tpu.memory_space<vmem>>)
    %and3A_1754 = arith.constant 127 : i32
    %and3A_1755 = arith.andi %squeeze3A_113, %and3A_1754 : i32
    %broadcast_in_dim3A_1756 = vector.broadcast %and3A_1755 : i32 to vector<16xi32>
    %iota3A_1757 = tpu.iota {dimensions = array<i32: 0>} : vector<16xi32>
    %add3A_1758 = arith.constant 0 : i32
    %add3A_1759 = vector.broadcast %add3A_1758 : i32 to vector<16xi32>
    %add3A_1760 = arith.addi %iota3A_1757, %add3A_1759 : vector<16xi32>
    %gather3A_1761 = tpu.vector_load_idx %arg12[%add3A_1760, %broadcast_in_dim3A_1756] : memref<64x128xf32, #tpu.memory_space<vmem>>[vector<16xi32>, vector<16xi32>], vector<16xf32>,
    %swap3A_1762 = arith.constant 30 : i32
    %swap3A_1763 = arith.index_cast %swap3A_1762 : i32 to index
    %swap3A_1764 = arith.constant 0 : index
    %swap3A_1765 = tpu.vector_load %arg14[%swap3A_1763, %swap3A_1764] {strides = array<i32>} : memref<32x128xf32, #tpu.memory_space<vmem>>, vector<16xf32>,
    tpu.vector_store %arg14[%swap3A_1763, %swap3A_1764], %gather3A_1761 {strides = array<i32>} : memref<32x128xf32, #tpu.memory_space<vmem>>, vector<16xf32>,
    %iota3A_1766 = tpu.iota {dimensions = array<i32: 0>} : vector<16xi32>
    %add3A_1767 = arith.constant 16 : i32
    %add3A_1768 = vector.broadcast %add3A_1767 : i32 to vector<16xi32>
    %add3A_1769 = arith.addi %iota3A_1766, %add3A_1768 : vector<16xi32>
    %gather3A_1770 = tpu.vector_load_idx %arg12[%add3A_1769, %broadcast_in_dim3A_1756] : memref<64x128xf32, #tpu.memory_space<vmem>>[vector<16xi32>, vector<16xi32>], vector<16xf32>,
    %swap3A_1771 = arith.constant 30 : i32
    %swap3A_1772 = arith.index_cast %swap3A_1771 : i32 to index
    %swap3A_1773 = arith.constant 16 : index
    %swap3A_1774 = tpu.vector_load %arg14[%swap3A_1772, %swap3A_1773] {strides = array<i32>} : memref<32x128xf32, #tpu.memory_space<vmem>>, vector<16xf32>,
    tpu.vector_store %arg14[%swap3A_1772, %swap3A_1773], %gather3A_1770 {strides = array<i32>} : memref<32x128xf32, #tpu.memory_space<vmem>>, vector<16xf32>,
    %iota3A_1775 = tpu.iota {dimensions = array<i32: 0>} : vector<16xi32>
    %add3A_1776 = arith.constant 32 : i32
    %add3A_1777 = vector.broadcast %add3A_1776 : i32 to vector<16xi32>
    %add3A_1778 = arith.addi %iota3A_1775, %add3A_1777 : vector<16xi32>
    %gather3A_1779 = tpu.vector_load_idx %arg12[%add3A_1778, %broadcast_in_dim3A_1756] : memref<64x128xf32, #tpu.memory_space<vmem>>[vector<16xi32>, vector<16xi32>], vector<16xf32>,
    %swap3A_1780 = arith.constant 30 : i32
    %swap3A_1781 = arith.index_cast %swap3A_1780 : i32 to index
    %swap3A_1782 = arith.constant 32 : index
    %swap3A_1783 = tpu.vector_load %arg14[%swap3A_1781, %swap3A_1782] {strides = array<i32>} : memref<32x128xf32, #tpu.memory_space<vmem>>, vector<16xf32>,
    tpu.vector_store %arg14[%swap3A_1781, %swap3A_1782], %gather3A_1779 {strides = array<i32>} : memref<32x128xf32, #tpu.memory_space<vmem>>, vector<16xf32>,
    %iota3A_1784 = tpu.iota {dimensions = array<i32: 0>} : vector<16xi32>
    %add3A_1785 = arith.constant 48 : i32
    %add3A_1786 = vector.broadcast %add3A_1785 : i32 to vector<16xi32>
    %add3A_1787 = arith.addi %iota3A_1784, %add3A_1786 : vector<16xi32>
    %gather3A_1788 = tpu.vector_load_idx %arg12[%add3A_1787, %broadcast_in_dim3A_1756] : memref<64x128xf32, #tpu.memory_space<vmem>>[vector<16xi32>, vector<16xi32>], vector<16xf32>,
    %swap3A_1789 = arith.constant 30 : i32
    %swap3A_1790 = arith.index_cast %swap3A_1789 : i32 to index
    %swap3A_1791 = arith.constant 48 : index
    %swap3A_1792 = tpu.vector_load %arg14[%swap3A_1790, %swap3A_1791] {strides = array<i32>} : memref<32x128xf32, #tpu.memory_space<vmem>>, vector<16xf32>,
    tpu.vector_store %arg14[%swap3A_1790, %swap3A_1791], %gather3A_1788 {strides = array<i32>} : memref<32x128xf32, #tpu.memory_space<vmem>>, vector<16xf32>,
    %dma_wait3A_1793 = arith.constant 0 : i32
    %dma_wait3A_1794 = arith.constant 0 : i32
    %dma_wait3A_1795 = tpu.memref_slice %arg2[%dma_wait3A_1793, %dma_wait3A_1794] : memref<64x100000xf32, #tpu.memory_space<hbm>> -> memref<64x128xf32, #tpu.memory_space<hbm>>
    %dma_wait3A_1796 = arith.constant 0 : i32
    %dma_wait3A_1797 = arith.constant 0 : i32
    %dma_wait3A_1798 = tpu.memref_slice %arg2[%dma_wait3A_1796, %dma_wait3A_1797] : memref<64x100000xf32, #tpu.memory_space<hbm>> -> memref<64x128xf32, #tpu.memory_space<hbm>>
    tpu.wait_dma2 semaphore(%arg23 : memref<!tpu.dma_semaphore, #tpu.memory_space<semaphore_mem>>) src(%dma_wait3A_1798 : memref<64x128xf32, #tpu.memory_space<hbm>>) dst(%arg13 : memref<64x128xf32, #tpu.memory_space<vmem>>)
    %and3A_1799 = arith.constant 127 : i32
    %and3A_1800 = arith.andi %squeeze3A_115, %and3A_1799 : i32
    %broadcast_in_dim3A_1801 = vector.broadcast %and3A_1800 : i32 to vector<16xi32>
    %iota3A_1802 = tpu.iota {dimensions = array<i32: 0>} : vector<16xi32>
    %add3A_1803 = arith.constant 0 : i32
    %add3A_1804 = vector.broadcast %add3A_1803 : i32 to vector<16xi32>
    %add3A_1805 = arith.addi %iota3A_1802, %add3A_1804 : vector<16xi32>
    %gather3A_1806 = tpu.vector_load_idx %arg13[%add3A_1805, %broadcast_in_dim3A_1801] : memref<64x128xf32, #tpu.memory_space<vmem>>[vector<16xi32>, vector<16xi32>], vector<16xf32>,
    %swap3A_1807 = arith.constant 31 : i32
    %swap3A_1808 = arith.index_cast %swap3A_1807 : i32 to index
    %swap3A_1809 = arith.constant 0 : index
    %swap3A_1810 = tpu.vector_load %arg14[%swap3A_1808, %swap3A_1809] {strides = array<i32>} : memref<32x128xf32, #tpu.memory_space<vmem>>, vector<16xf32>,
    tpu.vector_store %arg14[%swap3A_1808, %swap3A_1809], %gather3A_1806 {strides = array<i32>} : memref<32x128xf32, #tpu.memory_space<vmem>>, vector<16xf32>,
    %iota3A_1811 = tpu.iota {dimensions = array<i32: 0>} : vector<16xi32>
    %add3A_1812 = arith.constant 16 : i32
    %add3A_1813 = vector.broadcast %add3A_1812 : i32 to vector<16xi32>
    %add3A_1814 = arith.addi %iota3A_1811, %add3A_1813 : vector<16xi32>
    %gather3A_1815 = tpu.vector_load_idx %arg13[%add3A_1814, %broadcast_in_dim3A_1801] : memref<64x128xf32, #tpu.memory_space<vmem>>[vector<16xi32>, vector<16xi32>], vector<16xf32>,
    %swap3A_1816 = arith.constant 31 : i32
    %swap3A_1817 = arith.index_cast %swap3A_1816 : i32 to index
    %swap3A_1818 = arith.constant 16 : index
    %swap3A_1819 = tpu.vector_load %arg14[%swap3A_1817, %swap3A_1818] {strides = array<i32>} : memref<32x128xf32, #tpu.memory_space<vmem>>, vector<16xf32>,
    tpu.vector_store %arg14[%swap3A_1817, %swap3A_1818], %gather3A_1815 {strides = array<i32>} : memref<32x128xf32, #tpu.memory_space<vmem>>, vector<16xf32>,
    %iota3A_1820 = tpu.iota {dimensions = array<i32: 0>} : vector<16xi32>
    %add3A_1821 = arith.constant 32 : i32
    %add3A_1822 = vector.broadcast %add3A_1821 : i32 to vector<16xi32>
    %add3A_1823 = arith.addi %iota3A_1820, %add3A_1822 : vector<16xi32>
    %gather3A_1824 = tpu.vector_load_idx %arg13[%add3A_1823, %broadcast_in_dim3A_1801] : memref<64x128xf32, #tpu.memory_space<vmem>>[vector<16xi32>, vector<16xi32>], vector<16xf32>,
    %swap3A_1825 = arith.constant 31 : i32
    %swap3A_1826 = arith.index_cast %swap3A_1825 : i32 to index
    %swap3A_1827 = arith.constant 32 : index
    %swap3A_1828 = tpu.vector_load %arg14[%swap3A_1826, %swap3A_1827] {strides = array<i32>} : memref<32x128xf32, #tpu.memory_space<vmem>>, vector<16xf32>,
    tpu.vector_store %arg14[%swap3A_1826, %swap3A_1827], %gather3A_1824 {strides = array<i32>} : memref<32x128xf32, #tpu.memory_space<vmem>>, vector<16xf32>,
    %iota3A_1829 = tpu.iota {dimensions = array<i32: 0>} : vector<16xi32>
    %add3A_1830 = arith.constant 48 : i32
    %add3A_1831 = vector.broadcast %add3A_1830 : i32 to vector<16xi32>
    %add3A_1832 = arith.addi %iota3A_1829, %add3A_1831 : vector<16xi32>
    %gather3A_1833 = tpu.vector_load_idx %arg13[%add3A_1832, %broadcast_in_dim3A_1801] : memref<64x128xf32, #tpu.memory_space<vmem>>[vector<16xi32>, vector<16xi32>], vector<16xf32>,
    %swap3A_1834 = arith.constant 31 : i32
    %swap3A_1835 = arith.index_cast %swap3A_1834 : i32 to index
    %swap3A_1836 = arith.constant 48 : index
    %swap3A_1837 = tpu.vector_load %arg14[%swap3A_1835, %swap3A_1836] {strides = array<i32>} : memref<32x128xf32, #tpu.memory_space<vmem>>, vector<16xf32>,
    tpu.vector_store %arg14[%swap3A_1835, %swap3A_1836], %gather3A_1833 {strides = array<i32>} : memref<32x128xf32, #tpu.memory_space<vmem>>, vector<16xf32>,
    %dma_start3A_1838 = arith.constant 0 : i32
    %dma_start3A_1839 = tpu.memref_slice %arg4[%mul3A_2, %dma_start3A_1838] : memref<1024x128xf32, #tpu.memory_space<hbm>> -> memref<32x128xf32, #tpu.memory_space<hbm>>
    %dma_start3A_1840 = arith.constant 0 : i32
    %dma_start3A_1841 = tpu.memref_slice %arg4[%mul3A_2, %dma_start3A_1840] : memref<1024x128xf32, #tpu.memory_space<hbm>> -> memref<32x128xf32, #tpu.memory_space<hbm>>
    tpu.enqueue_dma source(%arg14 : memref<32x128xf32, #tpu.memory_space<vmem>>) target(%dma_start3A_1841 : memref<32x128xf32, #tpu.memory_space<hbm>>) target_semaphore(%arg24 : memref<!tpu.dma_semaphore, #tpu.memory_space<semaphore_mem>>)
    %dma_wait3A_1842 = arith.constant 0 : i32
    %dma_wait3A_1843 = tpu.memref_slice %arg4[%mul3A_2, %dma_wait3A_1842] : memref<1024x128xf32, #tpu.memory_space<hbm>> -> memref<32x128xf32, #tpu.memory_space<hbm>>
    %dma_wait3A_1844 = arith.constant 0 : i32
    %dma_wait3A_1845 = tpu.memref_slice %arg4[%mul3A_2, %dma_wait3A_1844] : memref<1024x128xf32, #tpu.memory_space<hbm>> -> memref<32x128xf32, #tpu.memory_space<hbm>>
    tpu.wait_dma2 semaphore(%arg24 : memref<!tpu.dma_semaphore, #tpu.memory_space<semaphore_mem>>) src(%arg14 : memref<32x128xf32, #tpu.memory_space<vmem>>) dst(%dma_wait3A_1845 : memref<32x128xf32, #tpu.memory_space<hbm>>)
    return
  }
}

module attributes {stable_mosaic.version = 14 : i64} {
  func.func @body(%arg0: i32, %arg1: memref<1024x128xf32, #tpu.memory_space<vmem>>, %arg2: memref<64x5120xf32, #tpu.memory_space<vmem>>, %arg3: memref<1x5120xf32, #tpu.memory_space<vmem>>, %arg4: memref<5120x1024xf32, #tpu.memory_space<vmem>>, %arg5: memref<1024x65xf32, #tpu.memory_space<vmem>>, %arg6: memref<65x5120xf32, #tpu.memory_space<vmem>>) attributes {dimension_semantics = [#tpu.dimension_semantics<parallel>], iteration_bounds = array<i64: 20>, scalar_prefetch = 0 : i64, scratch_operands = 2 : i64, tpu.core_type = #tpu.core_type<tc>, window_params = [{pipeline_mode = #tpu.pipeline_mode<synchronous>, transform_indices = @transform_0, window_bounds = array<i64: 1024, 128>}, {transform_indices = @transform_1, window_bounds = array<i64: 64, 5120>}, {transform_indices = @transform_2, window_bounds = array<i64: 1, 5120>}, {transform_indices = @transform_3, window_bounds = array<i64: 5120, 1024>}]} {
    %get3A = arith.constant 0 : index
    %get3A_0 = arith.constant 0 : index
    %get3A_1 = vector.load %arg1[%get3A, %get3A_0] : memref<1024x128xf32, #tpu.memory_space<vmem>>, vector<1024x64xf32>
    %swap3A = arith.constant 0 : index
    %swap3A_2 = arith.constant 0 : index
    %swap3A_3 = vector.load %arg5[%swap3A, %swap3A_2] : memref<1024x65xf32, #tpu.memory_space<vmem>>, vector<1024x64xf32>
    tpu.vector_store %arg5[%swap3A, %swap3A_2], %get3A_1 {strides = array<i32>} : memref<1024x65xf32, #tpu.memory_space<vmem>>, vector<1024x64xf32>,
    %broadcast_in_dim3A = arith.constant 1.000000e+00 : f32
    %broadcast_in_dim3A_4 = vector.broadcast %broadcast_in_dim3A : f32 to vector<1024x1xf32>
    %swap3A_5 = arith.constant 0 : index
    %swap3A_6 = arith.constant 64 : index
    %swap3A_7 = vector.load %arg5[%swap3A_5, %swap3A_6] : memref<1024x65xf32, #tpu.memory_space<vmem>>, vector<1024x1xf32>
    tpu.vector_store %arg5[%swap3A_5, %swap3A_6], %broadcast_in_dim3A_4 {strides = array<i32>} : memref<1024x65xf32, #tpu.memory_space<vmem>>, vector<1024x1xf32>,
    %get3A_8 = arith.constant 0 : index
    %get3A_9 = arith.constant 0 : index
    %get3A_10 = vector.load %arg2[%get3A_8, %get3A_9] : memref<64x5120xf32, #tpu.memory_space<vmem>>, vector<64x5120xf32>
    %swap3A_11 = arith.constant 0 : index
    %swap3A_12 = arith.constant 0 : index
    %swap3A_13 = vector.load %arg6[%swap3A_11, %swap3A_12] : memref<65x5120xf32, #tpu.memory_space<vmem>>, vector<64x5120xf32>
    tpu.vector_store %arg6[%swap3A_11, %swap3A_12], %get3A_10 {strides = array<i32>} : memref<65x5120xf32, #tpu.memory_space<vmem>>, vector<64x5120xf32>,
    %get3A_14 = arith.constant 0 : index
    %get3A_15 = arith.constant 0 : index
    %get3A_16 = vector.load %arg3[%get3A_14, %get3A_15] : memref<1x5120xf32, #tpu.memory_space<vmem>>, vector<1x5120xf32>
    %swap3A_17 = arith.constant 64 : index
    %swap3A_18 = arith.constant 0 : index
    %swap3A_19 = vector.load %arg6[%swap3A_17, %swap3A_18] : memref<65x5120xf32, #tpu.memory_space<vmem>>, vector<1x5120xf32>
    tpu.vector_store %arg6[%swap3A_17, %swap3A_18], %get3A_16 {strides = array<i32>} : memref<65x5120xf32, #tpu.memory_space<vmem>>, vector<1x5120xf32>,
    %get3A_20 = arith.constant 0 : index
    %get3A_21 = arith.constant 0 : index
    %get3A_22 = vector.load %arg6[%get3A_20, %get3A_21] : memref<65x5120xf32, #tpu.memory_space<vmem>>, vector<65x5120xf32>
    %get3A_23 = arith.constant 0 : index
    %get3A_24 = arith.constant 0 : index
    %get3A_25 = vector.load %arg5[%get3A_23, %get3A_24] : memref<1024x65xf32, #tpu.memory_space<vmem>>, vector<1024x65xf32>
    %dot_general3A = arith.constant dense<0.000000e+00> : vector<5120x1024xf32>
    %dot_general3A_26 = tpu.matmul %get3A_22, %get3A_25, %dot_general3A {dimension_numbers = #tpu.dot_dimension_numbers<[0], [1], [1], [0], [0, 1, 1, 0], [], []>, transpose_lhs_hint = false} : vector<65x5120xf32>, vector<1024x65xf32>, vector<5120x1024xf32> -> vector<5120x1024xf32>
    %swap3A_27 = arith.constant 0 : index
    %swap3A_28 = arith.constant 0 : index
    %swap3A_29 = vector.load %arg4[%swap3A_27, %swap3A_28] : memref<5120x1024xf32, #tpu.memory_space<vmem>>, vector<5120x1024xf32>
    tpu.vector_store %arg4[%swap3A_27, %swap3A_28], %dot_general3A_26 {strides = array<i32>} : memref<5120x1024xf32, #tpu.memory_space<vmem>>, vector<5120x1024xf32>,
    return
  }
  func.func @transform_0(%arg0: i32) -> (i32, i32) {
    %c0_i32 = arith.constant 0 : i32
    %c0_i32_0 = arith.constant 0 : i32
    %c0_i32_1 = arith.constant 0 : i32
    return %c0_i32, %c0_i32_0 : i32, i32
  }
  func.func @transform_1(%arg0: i32) -> (i32, i32) {
    %c0_i32 = arith.constant 0 : i32
    %c0_i32_0 = arith.constant 0 : i32
    return %c0_i32, %arg0 : i32, i32
  }
  func.func @transform_2(%arg0: i32) -> (i32, i32) {
    %c0_i32 = arith.constant 0 : i32
    %c0_i32_0 = arith.constant 0 : i32
    return %c0_i32, %arg0 : i32, i32
  }
  func.func @transform_3(%arg0: i32) -> (i32, i32) {
    %c0_i32 = arith.constant 0 : i32
    %c0_i32_0 = arith.constant 0 : i32
    return %arg0, %c0_i32 : i32, i32
  }
}

</mosaic_0001>

<sc_bundles>
// kernel: kernel.4.cloned.1.call-start
scs
__scs_entry_jumppad:
0x0: {  	(pc) =	sbr.rel $0x88, $3  }
0x1: {  	(tag) =	ssettag $0x0;
	lr =	simm.s32 $0x1  }
0x2: {  	[smem:$0x3F9D] =	sst lr;
	_ =	strace $0xD0000000  }
0x3: {  	_ = 	snop  }
0x4: {  	_ = 	snop  }
0x5: {  	_ = 	snop  }
0x6: {  	_ = 	snop  }
0x7: {  	_ = 	snop  }
__scs_overlays_trampoline_lowered:
0x8: {  	[smem:$0x3FAC] =	sst s0  }
0x9: {  	[smem:$0x3FAD] =	sst s1  }
0xa: {  	[smem:$0x3FAE] =	sst s2  }
0xb: {  	[smem:$0x3FAF] =	sst s3  }
0xc: {  	[smem:$0x3FB0] =	sst s4  }
0xd: {  	[smem:$0x3FB1] =	sst s5  }
0xe: {  	[smem:$0x3FB2] =	sst s6  }
0xf: {  	[smem:$0x3FB3] =	sst s7  }
0x10: {  	[smem:$0x3FB4] =	sst s8  }
0x11: {  	[smem:$0x3FB5] =	sst s9;
	s0 =	simm.s32 @!p0 $0x0  }
0x12: {  	s1 =	sld [smem:$0x3F9B];
	s0 =	simm.s32 @p0 $0x1  }
0x13: {  	[smem:$0x3FB6] =	sst s0;
	s0 =	simm.s32 @!p1 $0x0  }
0x14: {  	s2 =	sld [smem:$0x3F9A];
	s0 =	simm.s32 @p1 $0x1  }
0x15: {  	[smem:$0x3FB7] =	sst s0;
	s0 =	simm.s32 @!p2 $0x0  }
0x16: {  	s3 =	sld [smem:$0x3FDB];
	s0 =	simm.s32 @p2 $0x1  }
0x17: {  	s4 =	simm.s32 $0x1BF5;
	[smem:$0x3FB9] =	sst s0  }
0x18: {  	s0 =	sld [smem:$0x3F9C];
	_ =	swait.ge [sflag:s4], $0x0  }
0x19: {  	s7 =	sld [smem:$0x3F9D]  }
0x1a: {  	s8 =	sadd.s32 $0xFFFFE003, lr  }
0x1b: {  	s9 =	sadd.s32 $0xFFFFFEF7, lr;
	s5 =	simm.s32 $0xFFFFFFFF;
	p2 =	slt.u32 s8, $0xFFFFF086  }
0x1c: {  	p1 =	slt.u32 s9, $0xF7A;
	s5 =	simm.s32 @!p2 $0x0  }
0x1d: {  	s5 =	simm.s32 @p1 $0x1;
	p0 =	seq.s32 s7, s2  }
0x1e: {  	s7 =	smul.u32 @!p0 $0xF7A, s2;
	p2 =	seq.s32 @!p0 s5, $0x0  }
0x1f: {  	s9 =	smul.u32 $0xF7A, s1;
	s8 =	simm.s32 @!p0 $0x1BF5;
	p2 =	por !p2, p0  }
0x20: {  	[sflag:s8] =	ssyncset.s32 @!p0 $0xFFFFF086;
	s6 =	sadd.s32 @!p0 s3, s7;
	s7 =	simm.s32 @!p0 $0x108  }
0x21: {  	s3 =	sadd.s32 s3, s9;
	s6 =	sadd.s32 @!p0 $0x88, s6;
	s7 =	simm.s32 @p2 $0x1082  }
0x22: {  	[simem:s7], [sflag:s8] =	dma.local @!p0 [hbm:s6], $0xF7A  }
0x23: {  	s9 =	sor.u32 $0xD0000000, s2;
	s6 =	simm.s32 $0x108;
	_ =	swait.ge @!p0 [sflag:s8], $0x0  }
0x24: {  	s3 =	sadd.s32 $0x88, s3;
	s6 =	simm.s32 @!p1 $0x1082;
	[sflag:s4] =	ssyncset.s32 $0xFFFFF086  }
0x25: {  	[simem:s6], [sflag:s4] =	dma.local [hbm:s3], $0xF7A  }
0x26: {  	[smem:$0x3F9D] =	sst s1;
	(tag) =	ssettag s2;
	_ =	strace s9  }
0x27: {  	s1 =	sld [smem:$0x3FAD]  }
0x28: {  	s2 =	sld [smem:$0x3FAE]  }
0x29: {  	s4 =	sld [smem:$0x3FB0]  }
0x2a: {  	p0 =	seq.s32 s5, $0x0;
	s5 =	sld [smem:$0x3FB1]  }
0x2b: {  	s6 =	sld [smem:$0x3FB2]  }
0x2c: {  	s7 =	sld [smem:$0x3FB3]  }
0x2d: {  	s3 =	simm.s32 $0x108;
	s8 =	sld [smem:$0x3FB4]  }
0x2e: {  	s3 =	simm.s32 @!p0 $0x1082;
	s9 =	sld [smem:$0x3FB5]  }
0x2f: {  	lr =	sadd.s32 s0, s3;
	s0 =	sld [smem:$0x3FAC]  }
0x30: {  	s3 =	sld [smem:$0x3FAF]  }
0x31: {  	[smem:$0x3FB8] =	sst s10  }
0x32: {  	s10 =	sld [smem:$0x3FB6];
	_ =	sdelay $0x3  }
0x33: {  	p0 =	seq.s32 s10, $0x1;
	s10 =	sld [smem:$0x3FB8];
	_ =	sdelay $0x3  }
0x34: {  	[smem:$0x3FB8] =	sst s10  }
0x35: {  	s10 =	sld [smem:$0x3FB7];
	_ =	sdelay $0x3  }
0x36: {  	p1 =	seq.s32 s10, $0x1;
	s10 =	sld [smem:$0x3FB8];
	_ =	sdelay $0x3  }
0x37: {  	[smem:$0x3FB8] =	sst s10  }
0x38: {  	s10 =	sld [smem:$0x3FB9]  }
0x39: {  	_ = 	snop;
	(pc) =	sbr.ind lr, $3  }
0x3a: {  	_ = 	snop  }
0x3b: {  	_ = 	snop  }
0x3c: {  	p2 =	seq.s32 s10, $0x1;
	s10 =	sld [smem:$0x3FB8]  }
0x3d: {  	_ =	shalt  }
0x3e: {  	_ =	shalt  }
0x3f: {  	_ =	shalt  }
0x40: {  	_ =	shalt  }
0x41: {  	_ =	shalt  }
0x42: {  	_ =	shalt  }
0x43: {  	_ =	shalt  }
0x44: {  	_ =	shalt  }
0x45: {  	_ =	shalt  }
0x46: {  	_ =	shalt  }
0x47: {  	_ =	shalt  }
0x48: {  	_ =	shalt  }
0x49: {  	_ =	shalt  }
0x4a: {  	_ =	shalt  }
0x4b: {  	_ =	shalt  }
0x4c: {  	_ =	shalt  }
0x4d: {  	_ =	shalt  }
0x4e: {  	_ =	shalt  }
0x4f: {  	_ =	shalt  }
0x50: {  	_ =	shalt  }
0x51: {  	_ =	shalt  }
0x52: {  	_ =	shalt  }
0x53: {  	_ =	shalt  }
0x54: {  	_ =	shalt  }
0x55: {  	_ =	shalt  }
0x56: {  	_ =	shalt  }
0x57: {  	_ =	shalt  }
0x58: {  	_ =	shalt  }
0x59: {  	_ =	shalt  }
0x5a: {  	_ =	shalt  }
0x5b: {  	_ =	shalt  }
0x5c: {  	_ =	shalt  }
0x5d: {  	_ =	shalt  }
0x5e: {  	_ =	shalt  }
0x5f: {  	_ =	shalt  }
0x60: {  	_ =	shalt  }
0x61: {  	_ =	shalt  }
0x62: {  	_ =	shalt  }
0x63: {  	_ =	shalt  }
0x64: {  	_ =	shalt  }
0x65: {  	_ =	shalt  }
0x66: {  	_ =	shalt  }
0x67: {  	_ =	shalt  }
0x68: {  	_ =	shalt  }
0x69: {  	_ =	shalt  }
0x6a: {  	_ =	shalt  }
0x6b: {  	_ =	shalt  }
0x6c: {  	_ =	shalt  }
0x6d: {  	_ =	shalt  }
0x6e: {  	_ =	shalt  }
0x6f: {  	_ =	shalt  }
0x70: {  	_ =	shalt  }
0x71: {  	_ =	shalt  }
0x72: {  	_ =	shalt  }
0x73: {  	_ =	shalt  }
0x74: {  	_ =	shalt  }
0x75: {  	_ =	shalt  }
0x76: {  	_ =	shalt  }
0x77: {  	_ =	shalt  }
0x78: {  	_ =	shalt  }
0x79: {  	_ =	shalt  }
0x7a: {  	_ =	shalt  }
0x7b: {  	_ =	shalt  }
0x7c: {  	_ =	shalt  }
0x7d: {  	_ =	shalt  }
0x7e: {  	_ =	shalt  }
0x7f: {  	_ =	shalt  }
0x80: {  	_ =	shalt  }
0x81: {  	_ =	shalt  }
0x82: {  	_ =	shalt  }
0x83: {  	_ =	shalt  }
0x84: {  	_ =	shalt  }
0x85: {  	_ =	shalt  }
0x86: {  	_ =	shalt  }
0x87: {  	_ =	shalt  }
.Lfunc_end0:
.L_simem_size_0:
called_computation_lowered:
.L_overlay_start_0:
0x88: {  	s2 =	sld [smem:$0x3FD9]  }
0x89: {  	s3 =	sld [smem:$0x3FFE];
	_ =	sdelay $0x1  }
0x8a: {  	s1 =	srdreg.scid  }
0x8b: {  	s0 =	sand.u32 $0x1, s1  }
0x8c: {  	s17 =	sshll.u32 s0, $0xA;
	s2 =	sadd.s32 s3, s2  }
0x8d: {  	s2 =	sadd.s32 s2, s17  }
0x8e: {  	[smem:$0x3FC4] =	sst s2  }
0x8f: {  	_ = 	snop  }
0x90: {  	s2 =	sld [smem:$0x3FC9]  }
0x91: {  	s18 =	sld [smem:$0x3FC8];
	(tm) =	ssettm $0x1  }
0x92: {  	s4 =	sld [smem:$0x3FFB];
	_ =	sdelay $0x3  }
0x93: {  	_ =	strace s4  }
0x94: {  	s4 =	sld [smem:$0x3FFC];
	_ =	sdelay $0x3  }
0x95: {  	_ =	strace s4  }
0x96: {  	s4 =	sld [smem:$0x3FFD];
	_ =	sdelay $0x3  }
0x97: {  	_ =	strace s4  }
0x98: {  	_ =	strace $0x8FFFFFFF  }
0x99: {  	s19 =	sld [smem:$0x3FDB];
	_ =	sdelay $0x1  }
0x9a: {  	s5 =	simm.s32 $_scs_section_size  }
0x9b: {  	s6 =	simm.s32 $_size__tile_overlayer_lowered;
	s7 =	simm.s32 $_tile_overlayer_lowered  }
0x9c: {  	s22 =	simm.s32 $0x1BFF;
	s21 =	sshll.u32 s7, $0x1;
	s4 =	sadd.s32 s5, s19  }
0x9d: {  	s8 =	simm.s32 $0x0;
	s20 =	sshll.u32 s6, $0x1;
	s6 =	sadd.s32 s21, s4  }
0x9e: {  	[timem:s8], [sflag:s22] =	dma.local [hbm:s6], s20  }
0x9f: {  	_ =	swait.ge [sflag:s22], s20  }
0xa0: {  	s5 =	ssub.s32 $0x0, s20;
	[sflag:s22] =	ssyncset.done $0x0  }
0xa1: {  	[sflag:s22] =	ssyncadd.s32 s5;
	_ =	sdelay $0x1  }
0xa2: {  	s23 =	simm.s32 $0x1B8B  }
0xa3: {  	_ =	swait.ge [sflag:s23], $0x1  }
0xa4: {  	[sflag:s23] =	ssyncset.done $0x0  }
0xa5: {  	s25 =	simm.s32 $0x1B8E;
	s24 =	sld [smem:$0x3FFE];
	[sflag:s23] =	ssyncadd.s32 $0xFFFFFFFF  }
0xa6: {  	s26 =	simm.s32 $execute0_lowered;
	[smem:$0x3FD2] =	sst s25  }
0xa7: {  	s6 =	sshll.u32 s26, $0x1;
	_ =	strace $0x80000046;
	[dreg:$0x1] =	wrdreg $0xFFFFFFFF  }
0xa8: {  	s28 =	simm.s32 $_size_execute0_lowered;
	s4 =	sadd.s32 s4, s6;
	[dreg:$0x0] =	wrdreg $0x0  }
0xa9: {  	s6 =	sshll.u32 s28, $0x1;
	[dreg:$0x2] =	wrdreg s4  }
0xaa: {  	[dreg:$0x3] =	wrdreg s6  }
0xab: {  	[dreg:$0x4] =	wrdreg $0xC0  }
0xac: {  	_ =	task [dreg:s8], $0x5FFFF  }
0xad: {  	[dreg:$0x1] =	wrdreg $0xFFFFFFFF  }
0xae: {  	[dreg:$0x0] =	wrdreg $0x60  }
0xaf: {  	[dreg:$0x2] =	wrdreg s18  }
0xb0: {  	[dreg:$0x3] =	wrdreg s2  }
0xb1: {  	[dreg:$0x4] =	wrdreg s24  }
0xb2: {  	[dreg:$0x5] =	wrdreg $0x9  }
0xb3: {  	_ =	task.clear_ibuf [dreg:s8], $0x6FFFF;
	_ =	strace $0x90000046  }
0xb4: {  	s29 =	simm.s32 $0x9;
	_ =	strace $0x80000048  }
0xb5: {  	_ =	swait.ge [sflag:s29], $0x1  }
0xb6: {  	[sflag:s29] =	ssyncadd.s32 $0xFFFFFFFF  }
0xb7: {  	_ =	strace $0x90000048  }
0xb8: {  	_ =	sfence  }
0xb9: {  	s30 =	sld [smem:$0x0];
	_ =	sdelay $0x2  }
0xba: {  	s31 =	sshll.u32 s1, $0xD;
	s1 =	sshrl.u32 s1, $0x2  }
0xbb: {  	s3 =	sand.u32 $0x4000, s31;
	s1 =	sadd.s32 s1, s30  }
0xbc: {  	s0 =	sor.u32 s3, s0;
	s1 =	sshll.u32 s1, $0x11  }
0xbd: {  	s0 =	sor.u32 s1, s0  }
0xbe: {  	s0 =	sadd.s32 $0x8F2B, s0  }
0xbf: {  	[sflag:s0] =	ssyncadd.remote.s32 $0x1  }
0xc0: {  	_ =	sfence.sel $0xFFFF  }
0xc1: {  	[dreg:$0x0] =	wrdreg $0xFFFFFFFF;
	(pc) =	sbr.abs _section_cstart, $3  }
0xc2: {  	[dreg:$0x1] =	wrdreg $0xFFFFFFFF  }
0xc3: {  	_ =	task.clear_ibuf [dreg:s8], $0x2FFFF;
	_ =	strace $0x9FFFFFFF  }
0xc4: {  	(tm) =	ssettm $0x7FFFFFFF  }
0xc5: {  	_ =	shalt  }
tec
execute0_lowered:
.L_overlay_start_1:
0x0: {  	(tag) =	ssettag $0x1  }
0x1: {  	s1 =	rddreg [dreg:$0x0]  }
0x2: {  	s0 =	rddreg [dreg:$0x1]  }
0x3: {  	s2 =	rddreg [dreg:$0x2];
	s4 =	simm.s32 $0x0;
	s3 =	srdreg.scid  }
0x4: {  	s6 =	stileid.u32;
	s7 =	simm.s32 $0x400;
	s8 =	simm.s32 $0xC3800  }
0x5: {  	s31 =	simm.s32 $0x10080;
	s10 =	simm.s32 $0x80;
	s11 =	simm.s32 $0x2080  }
0x6: {  	s12 =	simm.s32 $0x4080;
	s13 =	simm.s32 $0x6080;
	s14 =	simm.s32 $0x8080  }
0x7: {  	s15 =	simm.s32 $0xA080;
	s16 =	simm.s32 $0xC080;
	[smem:$0x7FF] =	sst s4  }
0x8: {  	s3 =	sand.u32 $0x1, s3;
	s28 =	sshll.u32 s6, $0x1;
	s6 =	sshll.u32 s6, $0x3  }
0x9: {  	_ =	strace $0x80000047;
	s4 =	sor.u32 s3, s28;
	s3 =	ssub.s32 $0x2, s3  }
0xa: {  	s6 =	sand.u32 $0x70, s6;
	[dreg:$0x6] =	wrdreg s31;
	s5 =	sshll.u32 s4, $0x9  }
0xb: {  	v0 =	vlaneseq.u32;
	s29 =	sshrl.u32 s3, $0x1;
	s4 =	sshll.u32 s4, $0x5;
	s0 =	sadd.s32 s0, s6  }
0xc: {  	v0 =	vmul.u32 $0x80, v0;
	s2 =	sadd.s32 s5, s2;
	s4 =	sand.u32 $0x60, s4;
	[dreg:$0x4] =	wrdreg s0  }
0xd: {  	s3 =	ssub.s32 s3, s29;
	[dreg:$0x7] =	wrdreg s4;
	s30 =	sadd.s32 $0x600, s2  }
0xe: {  	s23 =	simm.s32 $0x7;
	v1 =	vor.u32 $0x800, v0;
	v2 =	vor.u32 $0x1000, v0;
	v3 =	vor.u32 $0x1800, v0;
	s2 =	smax.u32 s3, $0x1;
	[dreg:$0x5] =	wrdreg s30  }
.LBB2_1:
0xf: {  	[dreg:$0xd] =	wrdreg s2  }
0x10: {  	s0 =	rddreg [dreg:$0x4];
	s24 =	simm.s32 $0x0;
	s25 =	simm.s32 $0x1  }
0x11: {  	[tilespmem:s24], [sflag:$0x1] =	stream.linear.gather [hbm4b:s0+s24], $0x80, $0x38;
	[tilespmem:$0x11080] =	vst v63  }
0x12: {  	_ =	swait.ge [sflag:s25], $0x80  }
0x13: {  	[sflag:s25] =	ssyncset.done $0x0  }
0x14: {  	s26 =	rddreg [dreg:$0x7];
	[sflag:s25] =	ssyncadd.s32 $0xFFFFFF80  }
0x15: {  	v4 =	vld [tilespmem:s26+$0x0];
	_ =	sdelay $0x4  }
0x16: {  	(v2sf) =	vpush v4, $0x0  }
0x17: {  	(v2sf) =	vpush v4, $0x1  }
0x18: {  	(v2sf) =	vpush v4, $0x2  }
0x19: {  	(v2sf) =	vpush v4, $0x3;
	_ =	sdelay $0x1  }
0x1a: {  	(v2sf) =	vpush v4, $0x4  }
0x1b: {  	(v2sf) =	vpush v4, $0x5;
	_ =	sdelay $0x1  }
0x1c: {  	(v2sf) =	vpush v4, $0x6  }
0x1d: {  	(v2sf) =	vpush v4, $0x7;
	_ =	sdelay $0x1  }
0x1e: {  	(v2sf) =	vpush v4, $0x8  }
0x1f: {  	(v2sf) =	vpush v4, $0x9;
	_ =	sdelay $0x1  }
0x20: {  	(v2sf) =	vpush v4, $0xA  }
0x21: {  	(v2sf) =	vpush v4, $0xB;
	s21 =	spop (v2sf)  }
0x22: {  	v5 =	vld [tilespmem:s26+$0x10];
	(v2sf) =	vpush v4, $0xC;
	s20 =	spop (v2sf)  }
0x23: {  	(v2sf) =	vpush v4, $0xD;
	s17 =	sand.u32 $0xFFFFF80, s21;
	s0 =	spop (v2sf)  }
0x24: {  	(v2sf) =	vpush v4, $0xE;
	s17 =	sadd.s32 s1, s17;
	s19 =	spop (v2sf)  }
0x25: {  	[tilespmem:s10], [sflag:$0x2] =	stream.strided.gather [hbm4b:s17+s7], $0x2000, s8, s7, $0x38;
	[tilespmem:$0x11080] =	vst v63  }
0x26: {  	(v2sf) =	vpush v4, $0xF;
	s28 =	sand.u32 $0xFFFFF80, s20;
	s18 =	spop (v2sf)  }
0x27: {  	(v2sf) =	vpush v5, $0x0;
	s17 =	sadd.s32 s1, s28;
	s2 =	spop (v2sf)  }
0x28: {  	(v2sf) =	vpush v5, $0x1;
	[tilespmem:s11], [sflag:$0x3] =	stream.strided.gather [hbm4b:s17+s7], $0x2000, s8, s7, $0x38;
	[tilespmem:$0x11080] =	vst v63  }
0x29: {  	s3 =	sand.u32 $0xFFFFF80, s0;
	(v2sf) =	vpush v5, $0x2;
	s6 =	spop (v2sf)  }
0x2a: {  	s17 =	sadd.s32 s1, s3;
	(v2sf) =	vpush v5, $0x3;
	s24 =	spop (v2sf)  }
0x2b: {  	[tilespmem:s12], [sflag:$0x4] =	stream.strided.gather [hbm4b:s17+s7], $0x2000, s8, s7, $0x38;
	[tilespmem:$0x11080] =	vst v63  }
0x2c: {  	s22 =	sand.u32 $0xFFFFF80, s19;
	(v2sf) =	vpush v5, $0x4;
	s31 =	spop (v2sf)  }
0x2d: {  	s22 =	sadd.s32 s1, s22;
	s30 =	spop (v2sf)  }
0x2e: {  	(v2sf) =	vpush v5, $0x5;
	[tilespmem:s13], [sflag:$0x5] =	stream.strided.gather [hbm4b:s22+s7], $0x2000, s8, s7, $0x38;
	[tilespmem:$0x11080] =	vst v63  }
0x2f: {  	s29 =	spop (v2sf)  }
0x30: {  	(v2sf) =	vpush v5, $0x6;
	s26 =	spop (v2sf)  }
0x31: {  	s25 =	spop (v2sf)  }
0x32: {  	s22 =	sand.u32 $0xFFFFF80, s18;
	s4 =	spop (v2sf);
	(v2sf) =	vpush v5, $0x7  }
0x33: {  	s22 =	sadd.s32 s1, s22;
	s9 =	spop (v2sf);
	(v2sf) =	vpush v5, $0x8  }
0x34: {  	[tilespmem:s14], [sflag:$0x6] =	stream.strided.gather [hbm4b:s22+s7], $0x2000, s8, s7, $0x38;
	[tilespmem:$0x11080] =	vst v63  }
0x35: {  	s28 =	spop (v2sf)  }
0x36: {  	(v2sf) =	vpush v5, $0x9;
	s17 =	spop (v2sf)  }
0x37: {  	(v2sf) =	vpush v5, $0xA;
	s3 =	spop (v2sf)  }
0x38: {  	(v2sf) =	vpush v5, $0xB;
	s5 =	spop (v2sf)  }
0x39: {  	(v2sf) =	vpush v5, $0xC;
	s22 =	spop (v2sf)  }
0x3a: {  	(v2sf) =	vpush v5, $0xD;
	[dreg:$0x15] =	wrdreg s22;
	s22 =	sand.u32 $0xFFFFF80, s2  }
0x3b: {  	[dreg:$0x16] =	wrdreg s5;
	(v2sf) =	vpush v5, $0xE;
	s5 =	spop (v2sf);
	s22 =	sadd.s32 s1, s22  }
0x3c: {  	(v2sf) =	vpush v5, $0xF;
	[tilespmem:s15], [sflag:$0x7] =	stream.strided.gather [hbm4b:s22+s7], $0x2000, s8, s7, $0x38;
	[tilespmem:$0x11080] =	vst v63  }
0x3d: {  	s22 =	spop (v2sf)  }
0x3e: {  	[dreg:$0x13] =	wrdreg s22;
	s22 =	sand.u32 $0xFFFFF80, s6  }
0x3f: {  	[dreg:$0x14] =	wrdreg s5;
	s5 =	spop (v2sf);
	s22 =	sadd.s32 s1, s22  }
0x40: {  	[tilespmem:s16], [sflag:$0x8] =	stream.strided.gather [hbm4b:s22+s7], $0x2000, s8, s7, $0x38;
	[tilespmem:$0x11080] =	vst v63  }
0x41: {  	[dreg:$0x12] =	wrdreg s5;
	s5 =	spop (v2sf)  }
0x42: {  	[dreg:$0x17] =	wrdreg s3;
	s22 =	sand.u32 $0xFFFFF80, s24;
	s3 =	spop (v2sf)  }
0x43: {  	s22 =	sadd.s32 s1, s22;
	[dreg:$0x10] =	wrdreg s3;
	s3 =	simm.s32 $0xE080  }
0x44: {  	[tilespmem:s3], [sflag:$0x9] =	stream.strided.gather [hbm4b:s22+s7], $0x2000, s8, s7, $0x38;
	[tilespmem:$0x11080] =	vst v63  }
0x45: {  	[dreg:$0x11] =	wrdreg s5;
	s22 =	spop (v2sf)  }
0x46: {  	[dreg:$0xf] =	wrdreg s22;
	s22 =	spop (v2sf)  }
0x47: {  	[dreg:$0xe] =	wrdreg s22;
	s22 =	spop (v2sf)  }
0x48: {  	[dreg:$0xc] =	wrdreg s22;
	s22 =	spop (v2sf)  }
0x49: {  	[dreg:$0xb] =	wrdreg s22;
	s5 =	spop (v2sf)  }
0x4a: {  	s21 =	sand.u32 $0x7F, s21;
	[dreg:$0xa] =	wrdreg s5;
	s5 =	spop (v2sf)  }
0x4b: {  	v4 =	vor.u32 s21, v0;
	[dreg:$0x9] =	wrdreg s5;
	s5 =	spop (v2sf)  }
0x4c: {  	s22 =	simm.s32 $0x2;
	[dreg:$0x8] =	wrdreg s5  }
0x4d: {  	_ =	swait.ge [sflag:s22], $0x2000  }
0x4e: {  	[sflag:s22] =	ssyncset.done $0x0  }
0x4f: {  	[sflag:s22] =	ssyncadd.s32 $0xFFFFE000  }
0x50: {  	v4 =	vld.idx.msk [tilespmem:v4+s10+$0x0], $0xffff  }
0x51: {  	v5 =	vor.u32 s21, v1;
	_ =	sdelay $0x3  }
0x52: {  	[tilespmem:$0x10080] =	vst v4  }
0x53: {  	v4 =	vld.idx.msk [tilespmem:v5+s10+$0x0], $0xffff  }
0x54: {  	v5 =	vor.u32 s21, v2;
	_ =	sdelay $0x3  }
0x55: {  	[tilespmem:$0x10090] =	vst v4  }
0x56: {  	v4 =	vld.idx.msk [tilespmem:v5+s10+$0x0], $0xffff  }
0x57: {  	v5 =	vor.u32 s21, v3;
	_ =	sdelay $0x3  }
0x58: {  	[tilespmem:$0x100A0] =	vst v4  }
0x59: {  	v4 =	vld.idx.msk [tilespmem:v5+s10+$0x0], $0xffff;
	_ =	sdelay $0x3  }
0x5a: {  	s20 =	sand.u32 $0x7F, s20;
	s5 =	sand.u32 $0xFFFFF80, s31  }
0x5b: {  	s22 =	simm.s32 $0x3;
	s21 =	sadd.s32 s1, s5;
	[tilespmem:$0x100B0] =	vst v4;
	v4 =	vor.u32 s20, v0  }
0x5c: {  	[tilespmem:s10], [sflag:$0x2] =	stream.strided.gather [hbm4b:s21+s7], $0x2000, s8, s7, $0x38;
	[tilespmem:$0x11080] =	vst v63  }
0x5d: {  	_ =	swait.ge [sflag:s22], $0x2000  }
0x5e: {  	[sflag:s22] =	ssyncset.done $0x0  }
0x5f: {  	[sflag:s22] =	ssyncadd.s32 $0xFFFFE000  }
0x60: {  	v4 =	vld.idx.msk [tilespmem:v4+s11+$0x0], $0xffff  }
0x61: {  	v5 =	vor.u32 s20, v1;
	_ =	sdelay $0x3  }
0x62: {  	[tilespmem:$0x10100] =	vst v4  }
0x63: {  	v4 =	vld.idx.msk [tilespmem:v5+s11+$0x0], $0xffff  }
0x64: {  	v5 =	vor.u32 s20, v2;
	_ =	sdelay $0x3  }
0x65: {  	[tilespmem:$0x10110] =	vst v4  }
0x66: {  	v4 =	vld.idx.msk [tilespmem:v5+s11+$0x0], $0xffff  }
0x67: {  	v5 =	vor.u32 s20, v3;
	_ =	sdelay $0x3  }
0x68: {  	[tilespmem:$0x10120] =	vst v4  }
0x69: {  	v4 =	vld.idx.msk [tilespmem:v5+s11+$0x0], $0xffff;
	_ =	sdelay $0x3  }
0x6a: {  	s0 =	sand.u32 $0x7F, s0;
	s21 =	sand.u32 $0xFFFFF80, s30  }
0x6b: {  	s20 =	sadd.s32 s1, s21;
	s21 =	simm.s32 $0x4;
	[tilespmem:$0x10130] =	vst v4;
	v4 =	vor.u32 s0, v0  }
0x6c: {  	[tilespmem:s11], [sflag:$0x3] =	stream.strided.gather [hbm4b:s20+s7], $0x2000, s8, s7, $0x38;
	[tilespmem:$0x11080] =	vst v63  }
0x6d: {  	_ =	swait.ge [sflag:s21], $0x2000  }
0x6e: {  	[sflag:s21] =	ssyncset.done $0x0  }
0x6f: {  	[sflag:s21] =	ssyncadd.s32 $0xFFFFE000  }
0x70: {  	v4 =	vld.idx.msk [tilespmem:v4+s12+$0x0], $0xffff  }
0x71: {  	v5 =	vor.u32 s0, v1;
	_ =	sdelay $0x3  }
0x72: {  	[tilespmem:$0x10180] =	vst v4  }
0x73: {  	v4 =	vld.idx.msk [tilespmem:v5+s12+$0x0], $0xffff  }
0x74: {  	v5 =	vor.u32 s0, v2;
	_ =	sdelay $0x3  }
0x75: {  	[tilespmem:$0x10190] =	vst v4  }
0x76: {  	v4 =	vld.idx.msk [tilespmem:v5+s12+$0x0], $0xffff  }
0x77: {  	v5 =	vor.u32 s0, v3;
	_ =	sdelay $0x3  }
0x78: {  	[tilespmem:$0x101A0] =	vst v4  }
0x79: {  	v4 =	vld.idx.msk [tilespmem:v5+s12+$0x0], $0xffff;
	_ =	sdelay $0x3  }
0x7a: {  	s5 =	sand.u32 $0x7F, s19;
	s20 =	sand.u32 $0xFFFFF80, s29  }
0x7b: {  	s19 =	sadd.s32 s1, s20;
	s20 =	simm.s32 $0x5;
	[tilespmem:$0x101B0] =	vst v4;
	v4 =	vor.u32 s5, v0  }
0x7c: {  	[tilespmem:s12], [sflag:$0x4] =	stream.strided.gather [hbm4b:s19+s7], $0x2000, s8, s7, $0x38;
	[tilespmem:$0x11080] =	vst v63  }
0x7d: {  	_ =	swait.ge [sflag:s20], $0x2000  }
0x7e: {  	[sflag:s20] =	ssyncset.done $0x0  }
0x7f: {  	[sflag:s20] =	ssyncadd.s32 $0xFFFFE000  }
0x80: {  	v4 =	vld.idx.msk [tilespmem:v4+s13+$0x0], $0xffff  }
0x81: {  	v5 =	vor.u32 s5, v1;
	_ =	sdelay $0x3  }
0x82: {  	[tilespmem:$0x10200] =	vst v4  }
0x83: {  	v4 =	vld.idx.msk [tilespmem:v5+s13+$0x0], $0xffff  }
0x84: {  	v5 =	vor.u32 s5, v2;
	_ =	sdelay $0x3  }
0x85: {  	[tilespmem:$0x10210] =	vst v4  }
0x86: {  	v4 =	vld.idx.msk [tilespmem:v5+s13+$0x0], $0xffff  }
0x87: {  	v5 =	vor.u32 s5, v3;
	_ =	sdelay $0x3  }
0x88: {  	[tilespmem:$0x10220] =	vst v4  }
0x89: {  	v4 =	vld.idx.msk [tilespmem:v5+s13+$0x0], $0xffff;
	_ =	sdelay $0x3  }
0x8a: {  	s19 =	sand.u32 $0xFFFFF80, s26;
	s5 =	sand.u32 $0x7F, s18  }
0x8b: {  	s18 =	sadd.s32 s1, s19;
	s19 =	simm.s32 $0x6;
	[tilespmem:$0x10230] =	vst v4;
	v4 =	vor.u32 s5, v0  }
0x8c: {  	[tilespmem:s13], [sflag:$0x5] =	stream.strided.gather [hbm4b:s18+s7], $0x2000, s8, s7, $0x38;
	[tilespmem:$0x11080] =	vst v63  }
0x8d: {  	_ =	swait.ge [sflag:s19], $0x2000  }
0x8e: {  	[sflag:s19] =	ssyncset.done $0x0  }
0x8f: {  	[sflag:s19] =	ssyncadd.s32 $0xFFFFE000  }
0x90: {  	v4 =	vld.idx.msk [tilespmem:v4+s14+$0x0], $0xffff  }
0x91: {  	v5 =	vor.u32 s5, v1;
	_ =	sdelay $0x3  }
0x92: {  	[tilespmem:$0x10280] =	vst v4  }
0x93: {  	v4 =	vld.idx.msk [tilespmem:v5+s14+$0x0], $0xffff  }
0x94: {  	v5 =	vor.u32 s5, v2;
	_ =	sdelay $0x3  }
0x95: {  	[tilespmem:$0x10290] =	vst v4  }
0x96: {  	v4 =	vld.idx.msk [tilespmem:v5+s14+$0x0], $0xffff  }
0x97: {  	v5 =	vor.u32 s5, v3;
	_ =	sdelay $0x3  }
0x98: {  	[tilespmem:$0x102A0] =	vst v4  }
0x99: {  	v4 =	vld.idx.msk [tilespmem:v5+s14+$0x0], $0xffff;
	_ =	sdelay $0x3  }
0x9a: {  	s18 =	sand.u32 $0xFFFFF80, s25;
	s5 =	sand.u32 $0x7F, s2  }
0x9b: {  	s2 =	sadd.s32 s1, s18;
	[tilespmem:$0x102B0] =	vst v4;
	v4 =	vor.u32 s5, v0  }
0x9c: {  	[tilespmem:s14], [sflag:$0x6] =	stream.strided.gather [hbm4b:s2+s7], $0x2000, s8, s7, $0x38;
	[tilespmem:$0x11080] =	vst v63  }
0x9d: {  	_ =	swait.ge [sflag:s23], $0x2000  }
0x9e: {  	[sflag:s23] =	ssyncset.done $0x0  }
0x9f: {  	[sflag:s23] =	ssyncadd.s32 $0xFFFFE000  }
0xa0: {  	v4 =	vld.idx.msk [tilespmem:v4+s15+$0x0], $0xffff  }
0xa1: {  	v5 =	vor.u32 s5, v1;
	_ =	sdelay $0x3  }
0xa2: {  	[tilespmem:$0x10300] =	vst v4  }
0xa3: {  	v4 =	vld.idx.msk [tilespmem:v5+s15+$0x0], $0xffff  }
0xa4: {  	v5 =	vor.u32 s5, v2;
	_ =	sdelay $0x3  }
0xa5: {  	[tilespmem:$0x10310] =	vst v4  }
0xa6: {  	v4 =	vld.idx.msk [tilespmem:v5+s15+$0x0], $0xffff  }
0xa7: {  	v5 =	vor.u32 s5, v3;
	_ =	sdelay $0x3  }
0xa8: {  	[tilespmem:$0x10320] =	vst v4  }
0xa9: {  	v4 =	vld.idx.msk [tilespmem:v5+s15+$0x0], $0xffff;
	_ =	sdelay $0x3  }
0xaa: {  	s18 =	sand.u32 $0xFFFFF80, s4;
	s5 =	sand.u32 $0x7F, s6  }
0xab: {  	s2 =	sadd.s32 s1, s18;
	s18 =	simm.s32 $0x8;
	[tilespmem:$0x10330] =	vst v4;
	v4 =	vor.u32 s5, v0  }
0xac: {  	[tilespmem:s15], [sflag:$0x7] =	stream.strided.gather [hbm4b:s2+s7], $0x2000, s8, s7, $0x38;
	[tilespmem:$0x11080] =	vst v63  }
0xad: {  	_ =	swait.ge [sflag:s18], $0x2000  }
0xae: {  	[sflag:s18] =	ssyncset.done $0x0  }
0xaf: {  	[sflag:s18] =	ssyncadd.s32 $0xFFFFE000  }
0xb0: {  	v4 =	vld.idx.msk [tilespmem:v4+s16+$0x0], $0xffff  }
0xb1: {  	v5 =	vor.u32 s5, v1;
	_ =	sdelay $0x3  }
0xb2: {  	[tilespmem:$0x10380] =	vst v4  }
0xb3: {  	v4 =	vld.idx.msk [tilespmem:v5+s16+$0x0], $0xffff  }
0xb4: {  	v5 =	vor.u32 s5, v2;
	_ =	sdelay $0x3  }
0xb5: {  	[tilespmem:$0x10390] =	vst v4  }
0xb6: {  	v4 =	vld.idx.msk [tilespmem:v5+s16+$0x0], $0xffff  }
0xb7: {  	v5 =	vor.u32 s5, v3;
	_ =	sdelay $0x3  }
0xb8: {  	[tilespmem:$0x103A0] =	vst v4  }
0xb9: {  	v4 =	vld.idx.msk [tilespmem:v5+s16+$0x0], $0xffff;
	_ =	sdelay $0x3  }
0xba: {  	s6 =	smov.u32 s4;
	s4 =	sand.u32 $0x7F, s24;
	s2 =	sand.u32 $0xFFFFF80, s9  }
0xbb: {  	s0 =	sadd.s32 s1, s2;
	s5 =	simm.s32 $0x9;
	[tilespmem:$0x103B0] =	vst v4;
	v4 =	vor.u32 s4, v0  }
0xbc: {  	[tilespmem:s16], [sflag:$0x8] =	stream.strided.gather [hbm4b:s0+s7], $0x2000, s8, s7, $0x38;
	[tilespmem:$0x11080] =	vst v63  }
0xbd: {  	_ =	swait.ge [sflag:s5], $0x2000  }
0xbe: {  	[sflag:s5] =	ssyncset.done $0x0  }
0xbf: {  	[sflag:s5] =	ssyncadd.s32 $0xFFFFE000  }
0xc0: {  	v4 =	vld.idx.msk [tilespmem:v4+s3+$0x0], $0xffff  }
0xc1: {  	v5 =	vor.u32 s4, v1;
	_ =	sdelay $0x3  }
0xc2: {  	[tilespmem:$0x10400] =	vst v4  }
0xc3: {  	v4 =	vld.idx.msk [tilespmem:v5+s3+$0x0], $0xffff  }
0xc4: {  	v5 =	vor.u32 s4, v2;
	_ =	sdelay $0x3  }
0xc5: {  	[tilespmem:$0x10410] =	vst v4  }
0xc6: {  	v4 =	vld.idx.msk [tilespmem:v5+s3+$0x0], $0xffff  }
0xc7: {  	v5 =	vor.u32 s4, v3;
	_ =	sdelay $0x3  }
0xc8: {  	[tilespmem:$0x10420] =	vst v4  }
0xc9: {  	v4 =	vld.idx.msk [tilespmem:v5+s3+$0x0], $0xffff;
	_ =	sdelay $0x3  }
0xca: {  	s31 =	sand.u32 $0x7F, s31;
	s24 =	sand.u32 $0xFFFFF80, s28  }
0xcb: {  	s0 =	sadd.s32 s1, s24;
	s4 =	simm.s32 $0x2;
	[tilespmem:$0x10430] =	vst v4;
	v4 =	vor.u32 s31, v0  }
0xcc: {  	[tilespmem:s3], [sflag:$0x9] =	stream.strided.gather [hbm4b:s0+s7], $0x2000, s8, s7, $0x38;
	[tilespmem:$0x11080] =	vst v63  }
0xcd: {  	_ =	swait.ge [sflag:s4], $0x2000  }
0xce: {  	[sflag:s4] =	ssyncset.done $0x0  }
0xcf: {  	[sflag:s4] =	ssyncadd.s32 $0xFFFFE000  }
0xd0: {  	v4 =	vld.idx.msk [tilespmem:v4+s10+$0x0], $0xffff  }
0xd1: {  	v5 =	vor.u32 s31, v1;
	_ =	sdelay $0x3  }
0xd2: {  	[tilespmem:$0x10480] =	vst v4  }
0xd3: {  	v4 =	vld.idx.msk [tilespmem:v5+s10+$0x0], $0xffff  }
0xd4: {  	v5 =	vor.u32 s31, v2;
	_ =	sdelay $0x3  }
0xd5: {  	[tilespmem:$0x10490] =	vst v4  }
0xd6: {  	v4 =	vld.idx.msk [tilespmem:v5+s10+$0x0], $0xffff  }
0xd7: {  	v5 =	vor.u32 s31, v3;
	_ =	sdelay $0x3  }
0xd8: {  	[tilespmem:$0x104A0] =	vst v4  }
0xd9: {  	v4 =	vld.idx.msk [tilespmem:v5+s10+$0x0], $0xffff;
	_ =	sdelay $0x3  }
0xda: {  	s24 =	sand.u32 $0xFFFFF80, s17;
	s31 =	sand.u32 $0x7F, s30  }
0xdb: {  	s0 =	sadd.s32 s1, s24;
	[tilespmem:$0x104B0] =	vst v4;
	v4 =	vor.u32 s31, v0  }
0xdc: {  	[tilespmem:s10], [sflag:$0x2] =	stream.strided.gather [hbm4b:s0+s7], $0x2000, s8, s7, $0x38;
	[tilespmem:$0x11080] =	vst v63  }
0xdd: {  	_ =	swait.ge [sflag:s22], $0x2000  }
0xde: {  	[sflag:s22] =	ssyncset.done $0x0  }
0xdf: {  	[sflag:s22] =	ssyncadd.s32 $0xFFFFE000  }
0xe0: {  	v4 =	vld.idx.msk [tilespmem:v4+s11+$0x0], $0xffff  }
0xe1: {  	v5 =	vor.u32 s31, v1;
	_ =	sdelay $0x3  }
0xe2: {  	[tilespmem:$0x10500] =	vst v4  }
0xe3: {  	v4 =	vld.idx.msk [tilespmem:v5+s11+$0x0], $0xffff  }
0xe4: {  	v5 =	vor.u32 s31, v2;
	_ =	sdelay $0x3  }
0xe5: {  	[tilespmem:$0x10510] =	vst v4  }
0xe6: {  	v4 =	vld.idx.msk [tilespmem:v5+s11+$0x0], $0xffff  }
0xe7: {  	v5 =	vor.u32 s31, v3;
	_ =	sdelay $0x3  }
0xe8: {  	[tilespmem:$0x10520] =	vst v4  }
0xe9: {  	v4 =	vld.idx.msk [tilespmem:v5+s11+$0x0], $0xffff;
	_ =	sdelay $0x2  }
0xea: {  	s2 =	rddreg [dreg:$0x17]  }
0xeb: {  	s4 =	sand.u32 $0x7F, s29;
	s0 =	sand.u32 $0xFFFFF80, s2  }
0xec: {  	s0 =	sadd.s32 s1, s0;
	[tilespmem:$0x10530] =	vst v4;
	v4 =	vor.u32 s4, v0  }
0xed: {  	[tilespmem:s11], [sflag:$0x3] =	stream.strided.gather [hbm4b:s0+s7], $0x2000, s8, s7, $0x38;
	[tilespmem:$0x11080] =	vst v63  }
0xee: {  	_ =	swait.ge [sflag:s21], $0x2000  }
0xef: {  	[sflag:s21] =	ssyncset.done $0x0  }
0xf0: {  	[sflag:s21] =	ssyncadd.s32 $0xFFFFE000  }
0xf1: {  	v4 =	vld.idx.msk [tilespmem:v4+s12+$0x0], $0xffff  }
0xf2: {  	v5 =	vor.u32 s4, v1;
	_ =	sdelay $0x3  }
0xf3: {  	[tilespmem:$0x10580] =	vst v4  }
0xf4: {  	v4 =	vld.idx.msk [tilespmem:v5+s12+$0x0], $0xffff  }
0xf5: {  	v5 =	vor.u32 s4, v2;
	_ =	sdelay $0x3  }
0xf6: {  	[tilespmem:$0x10590] =	vst v4  }
0xf7: {  	v4 =	vld.idx.msk [tilespmem:v5+s12+$0x0], $0xffff  }
0xf8: {  	v5 =	vor.u32 s4, v3;
	_ =	sdelay $0x3  }
0xf9: {  	[tilespmem:$0x105A0] =	vst v4  }
0xfa: {  	v4 =	vld.idx.msk [tilespmem:v5+s12+$0x0], $0xffff;
	_ =	sdelay $0x2  }
0xfb: {  	s31 =	rddreg [dreg:$0x16]  }
0xfc: {  	s26 =	sand.u32 $0x7F, s26;
	s24 =	sand.u32 $0xFFFFF80, s31  }
0xfd: {  	s0 =	sadd.s32 s1, s24;
	[tilespmem:$0x105B0] =	vst v4;
	v4 =	vor.u32 s26, v0  }
0xfe: {  	[tilespmem:s12], [sflag:$0x4] =	stream.strided.gather [hbm4b:s0+s7], $0x2000, s8, s7, $0x38;
	[tilespmem:$0x11080] =	vst v63  }
0xff: {  	_ =	swait.ge [sflag:s20], $0x2000  }
0x100: {  	[sflag:s20] =	ssyncset.done $0x0  }
0x101: {  	[sflag:s20] =	ssyncadd.s32 $0xFFFFE000  }
0x102: {  	v4 =	vld.idx.msk [tilespmem:v4+s13+$0x0], $0xffff  }
0x103: {  	v5 =	vor.u32 s26, v1;
	_ =	sdelay $0x3  }
0x104: {  	[tilespmem:$0x10600] =	vst v4  }
0x105: {  	v4 =	vld.idx.msk [tilespmem:v5+s13+$0x0], $0xffff  }
0x106: {  	v5 =	vor.u32 s26, v2;
	_ =	sdelay $0x3  }
0x107: {  	[tilespmem:$0x10610] =	vst v4  }
0x108: {  	v4 =	vld.idx.msk [tilespmem:v5+s13+$0x0], $0xffff  }
0x109: {  	v5 =	vor.u32 s26, v3;
	_ =	sdelay $0x3  }
0x10a: {  	[tilespmem:$0x10620] =	vst v4  }
0x10b: {  	v4 =	vld.idx.msk [tilespmem:v5+s13+$0x0], $0xffff;
	_ =	sdelay $0x2  }
0x10c: {  	s26 =	rddreg [dreg:$0x15]  }
0x10d: {  	s30 =	sand.u32 $0x7F, s25;
	s29 =	sand.u32 $0xFFFFF80, s26  }
0x10e: {  	s0 =	sadd.s32 s1, s29;
	[tilespmem:$0x10630] =	vst v4;
	v4 =	vor.u32 s30, v0  }
0x10f: {  	[tilespmem:s13], [sflag:$0x5] =	stream.strided.gather [hbm4b:s0+s7], $0x2000, s8, s7, $0x38;
	[tilespmem:$0x11080] =	vst v63  }
0x110: {  	_ =	swait.ge [sflag:s19], $0x2000  }
0x111: {  	[sflag:s19] =	ssyncset.done $0x0  }
0x112: {  	[sflag:s19] =	ssyncadd.s32 $0xFFFFE000  }
0x113: {  	v4 =	vld.idx.msk [tilespmem:v4+s14+$0x0], $0xffff  }
0x114: {  	v5 =	vor.u32 s30, v1;
	_ =	sdelay $0x3  }
0x115: {  	[tilespmem:$0x10680] =	vst v4  }
0x116: {  	v4 =	vld.idx.msk [tilespmem:v5+s14+$0x0], $0xffff  }
0x117: {  	v5 =	vor.u32 s30, v2;
	_ =	sdelay $0x3  }
0x118: {  	[tilespmem:$0x10690] =	vst v4  }
0x119: {  	v4 =	vld.idx.msk [tilespmem:v5+s14+$0x0], $0xffff  }
0x11a: {  	v5 =	vor.u32 s30, v3;
	_ =	sdelay $0x3  }
0x11b: {  	[tilespmem:$0x106A0] =	vst v4  }
0x11c: {  	v4 =	vld.idx.msk [tilespmem:v5+s14+$0x0], $0xffff;
	_ =	sdelay $0x2  }
0x11d: {  	s25 =	rddreg [dreg:$0x14]  }
0x11e: {  	s24 =	sand.u32 $0x7F, s6;
	s4 =	sand.u32 $0xFFFFF80, s25  }
0x11f: {  	s0 =	sadd.s32 s1, s4;
	[tilespmem:$0x106B0] =	vst v4;
	v4 =	vor.u32 s24, v0  }
0x120: {  	[tilespmem:s14], [sflag:$0x6] =	stream.strided.gather [hbm4b:s0+s7], $0x2000, s8, s7, $0x38;
	[tilespmem:$0x11080] =	vst v63  }
0x121: {  	_ =	swait.ge [sflag:s23], $0x2000  }
0x122: {  	[sflag:s23] =	ssyncset.done $0x0  }
0x123: {  	[sflag:s23] =	ssyncadd.s32 $0xFFFFE000  }
0x124: {  	v4 =	vld.idx.msk [tilespmem:v4+s15+$0x0], $0xffff  }
0x125: {  	v5 =	vor.u32 s24, v1;
	_ =	sdelay $0x3  }
0x126: {  	[tilespmem:$0x10700] =	vst v4  }
0x127: {  	v4 =	vld.idx.msk [tilespmem:v5+s15+$0x0], $0xffff  }
0x128: {  	v5 =	vor.u32 s24, v2;
	_ =	sdelay $0x3  }
0x129: {  	[tilespmem:$0x10710] =	vst v4  }
0x12a: {  	v4 =	vld.idx.msk [tilespmem:v5+s15+$0x0], $0xffff  }
0x12b: {  	v5 =	vor.u32 s24, v3;
	_ =	sdelay $0x3  }
0x12c: {  	[tilespmem:$0x10720] =	vst v4  }
0x12d: {  	v4 =	vld.idx.msk [tilespmem:v5+s15+$0x0], $0xffff;
	_ =	sdelay $0x2  }
0x12e: {  	s24 =	rddreg [dreg:$0x13]  }
0x12f: {  	s30 =	sand.u32 $0x7F, s9;
	s29 =	sand.u32 $0xFFFFF80, s24  }
0x130: {  	s0 =	sadd.s32 s1, s29;
	[tilespmem:$0x10730] =	vst v4;
	v4 =	vor.u32 s30, v0  }
0x131: {  	[tilespmem:s15], [sflag:$0x7] =	stream.strided.gather [hbm4b:s0+s7], $0x2000, s8, s7, $0x38;
	[tilespmem:$0x11080] =	vst v63  }
0x132: {  	_ =	swait.ge [sflag:s18], $0x2000  }
0x133: {  	[sflag:s18] =	ssyncset.done $0x0  }
0x134: {  	[sflag:s18] =	ssyncadd.s32 $0xFFFFE000  }
0x135: {  	v4 =	vld.idx.msk [tilespmem:v4+s16+$0x0], $0xffff  }
0x136: {  	v5 =	vor.u32 s30, v1;
	_ =	sdelay $0x3  }
0x137: {  	[tilespmem:$0x10780] =	vst v4  }
0x138: {  	v4 =	vld.idx.msk [tilespmem:v5+s16+$0x0], $0xffff  }
0x139: {  	v5 =	vor.u32 s30, v2;
	_ =	sdelay $0x3  }
0x13a: {  	[tilespmem:$0x10790] =	vst v4  }
0x13b: {  	v4 =	vld.idx.msk [tilespmem:v5+s16+$0x0], $0xffff  }
0x13c: {  	v5 =	vor.u32 s30, v3;
	_ =	sdelay $0x3  }
0x13d: {  	[tilespmem:$0x107A0] =	vst v4  }
0x13e: {  	v4 =	vld.idx.msk [tilespmem:v5+s16+$0x0], $0xffff;
	_ =	sdelay $0x2  }
0x13f: {  	s6 =	rddreg [dreg:$0x12]  }
0x140: {  	s4 =	sand.u32 $0x7F, s28;
	s2 =	sand.u32 $0xFFFFF80, s6  }
0x141: {  	s0 =	sadd.s32 s1, s2;
	[tilespmem:$0x107B0] =	vst v4;
	v4 =	vor.u32 s4, v0  }
0x142: {  	[tilespmem:s16], [sflag:$0x8] =	stream.strided.gather [hbm4b:s0+s7], $0x2000, s8, s7, $0x38;
	[tilespmem:$0x11080] =	vst v63  }
0x143: {  	_ =	swait.ge [sflag:s5], $0x2000  }
0x144: {  	[sflag:s5] =	ssyncset.done $0x0  }
0x145: {  	[sflag:s5] =	ssyncadd.s32 $0xFFFFE000  }
0x146: {  	v4 =	vld.idx.msk [tilespmem:v4+s3+$0x0], $0xffff  }
0x147: {  	v5 =	vor.u32 s4, v1;
	_ =	sdelay $0x3  }
0x148: {  	[tilespmem:$0x10800] =	vst v4  }
0x149: {  	v4 =	vld.idx.msk [tilespmem:v5+s3+$0x0], $0xffff  }
0x14a: {  	v5 =	vor.u32 s4, v2;
	_ =	sdelay $0x3  }
0x14b: {  	[tilespmem:$0x10810] =	vst v4  }
0x14c: {  	v4 =	vld.idx.msk [tilespmem:v5+s3+$0x0], $0xffff  }
0x14d: {  	v5 =	vor.u32 s4, v3;
	_ =	sdelay $0x3  }
0x14e: {  	[tilespmem:$0x10820] =	vst v4  }
0x14f: {  	v4 =	vld.idx.msk [tilespmem:v5+s3+$0x0], $0xffff;
	_ =	sdelay $0x2  }
0x150: {  	s4 =	rddreg [dreg:$0x11]  }
0x151: {  	s17 =	sand.u32 $0x7F, s17;
	s9 =	sand.u32 $0xFFFFF80, s4  }
0x152: {  	s28 =	simm.s32 $0x2;
	s0 =	sadd.s32 s1, s9;
	[tilespmem:$0x10830] =	vst v4;
	v4 =	vor.u32 s17, v0  }
0x153: {  	[tilespmem:s3], [sflag:$0x9] =	stream.strided.gather [hbm4b:s0+s7], $0x2000, s8, s7, $0x38;
	[tilespmem:$0x11080] =	vst v63  }
0x154: {  	_ =	swait.ge [sflag:s28], $0x2000  }
0x155: {  	[sflag:s28] =	ssyncset.done $0x0  }
0x156: {  	[sflag:s28] =	ssyncadd.s32 $0xFFFFE000  }
0x157: {  	v4 =	vld.idx.msk [tilespmem:v4+s10+$0x0], $0xffff  }
0x158: {  	v5 =	vor.u32 s17, v1;
	_ =	sdelay $0x3  }
0x159: {  	[tilespmem:$0x10880] =	vst v4  }
0x15a: {  	v4 =	vld.idx.msk [tilespmem:v5+s10+$0x0], $0xffff  }
0x15b: {  	v5 =	vor.u32 s17, v2;
	_ =	sdelay $0x3  }
0x15c: {  	[tilespmem:$0x10890] =	vst v4  }
0x15d: {  	v4 =	vld.idx.msk [tilespmem:v5+s10+$0x0], $0xffff  }
0x15e: {  	v5 =	vor.u32 s17, v3;
	_ =	sdelay $0x3  }
0x15f: {  	[tilespmem:$0x108A0] =	vst v4  }
0x160: {  	v4 =	vld.idx.msk [tilespmem:v5+s10+$0x0], $0xffff;
	_ =	sdelay $0x1  }
0x161: {  	s30 =	rddreg [dreg:$0x10]  }
0x162: {  	s17 =	rddreg [dreg:$0x17]  }
0x163: {  	s29 =	sand.u32 $0xFFFFF80, s30;
	s2 =	sand.u32 $0x7F, s17  }
0x164: {  	s0 =	sadd.s32 s1, s29;
	[tilespmem:$0x108B0] =	vst v4;
	v4 =	vor.u32 s2, v0  }
0x165: {  	[tilespmem:s10], [sflag:$0x2] =	stream.strided.gather [hbm4b:s0+s7], $0x2000, s8, s7, $0x38;
	[tilespmem:$0x11080] =	vst v63  }
0x166: {  	_ =	swait.ge [sflag:s22], $0x2000  }
0x167: {  	[sflag:s22] =	ssyncset.done $0x0  }
0x168: {  	[sflag:s22] =	ssyncadd.s32 $0xFFFFE000  }
0x169: {  	v4 =	vld.idx.msk [tilespmem:v4+s11+$0x0], $0xffff  }
0x16a: {  	v5 =	vor.u32 s2, v1;
	_ =	sdelay $0x3  }
0x16b: {  	[tilespmem:$0x10900] =	vst v4  }
0x16c: {  	v4 =	vld.idx.msk [tilespmem:v5+s11+$0x0], $0xffff  }
0x16d: {  	v5 =	vor.u32 s2, v2;
	_ =	sdelay $0x3  }
0x16e: {  	[tilespmem:$0x10910] =	vst v4  }
0x16f: {  	v4 =	vld.idx.msk [tilespmem:v5+s11+$0x0], $0xffff  }
0x170: {  	v5 =	vor.u32 s2, v3;
	_ =	sdelay $0x3  }
0x171: {  	[tilespmem:$0x10920] =	vst v4  }
0x172: {  	v4 =	vld.idx.msk [tilespmem:v5+s11+$0x0], $0xffff;
	_ =	sdelay $0x2  }
0x173: {  	s29 =	rddreg [dreg:$0xf]  }
0x174: {  	s31 =	sand.u32 $0x7F, s31;
	s28 =	sand.u32 $0xFFFFF80, s29  }
0x175: {  	s0 =	sadd.s32 s1, s28;
	[tilespmem:$0x10930] =	vst v4;
	v4 =	vor.u32 s31, v0  }
0x176: {  	[tilespmem:s11], [sflag:$0x3] =	stream.strided.gather [hbm4b:s0+s7], $0x2000, s8, s7, $0x38;
	[tilespmem:$0x11080] =	vst v63  }
0x177: {  	_ =	swait.ge [sflag:s21], $0x2000  }
0x178: {  	[sflag:s21] =	ssyncset.done $0x0  }
0x179: {  	[sflag:s21] =	ssyncadd.s32 $0xFFFFE000  }
0x17a: {  	v4 =	vld.idx.msk [tilespmem:v4+s12+$0x0], $0xffff  }
0x17b: {  	v5 =	vor.u32 s31, v1;
	_ =	sdelay $0x3  }
0x17c: {  	[tilespmem:$0x10980] =	vst v4  }
0x17d: {  	v4 =	vld.idx.msk [tilespmem:v5+s12+$0x0], $0xffff  }
0x17e: {  	v5 =	vor.u32 s31, v2;
	_ =	sdelay $0x3  }
0x17f: {  	[tilespmem:$0x10990] =	vst v4  }
0x180: {  	v4 =	vld.idx.msk [tilespmem:v5+s12+$0x0], $0xffff  }
0x181: {  	v5 =	vor.u32 s31, v3;
	_ =	sdelay $0x3  }
0x182: {  	[tilespmem:$0x109A0] =	vst v4  }
0x183: {  	v4 =	vld.idx.msk [tilespmem:v5+s12+$0x0], $0xffff;
	_ =	sdelay $0x2  }
0x184: {  	s28 =	rddreg [dreg:$0xe]  }
0x185: {  	s17 =	sand.u32 $0xFFFFF80, s28;
	s31 =	sand.u32 $0x7F, s26  }
0x186: {  	s0 =	sadd.s32 s1, s17;
	[tilespmem:$0x109B0] =	vst v4;
	v4 =	vor.u32 s31, v0  }
0x187: {  	[tilespmem:s12], [sflag:$0x4] =	stream.strided.gather [hbm4b:s0+s7], $0x2000, s8, s7, $0x38;
	[tilespmem:$0x11080] =	vst v63  }
0x188: {  	_ =	swait.ge [sflag:s20], $0x2000  }
0x189: {  	[sflag:s20] =	ssyncset.done $0x0  }
0x18a: {  	[sflag:s20] =	ssyncadd.s32 $0xFFFFE000  }
0x18b: {  	v4 =	vld.idx.msk [tilespmem:v4+s13+$0x0], $0xffff  }
0x18c: {  	v5 =	vor.u32 s31, v1;
	_ =	sdelay $0x3  }
0x18d: {  	[tilespmem:$0x10A00] =	vst v4  }
0x18e: {  	v4 =	vld.idx.msk [tilespmem:v5+s13+$0x0], $0xffff  }
0x18f: {  	v5 =	vor.u32 s31, v2;
	_ =	sdelay $0x3  }
0x190: {  	[tilespmem:$0x10A10] =	vst v4  }
0x191: {  	v4 =	vld.idx.msk [tilespmem:v5+s13+$0x0], $0xffff  }
0x192: {  	v5 =	vor.u32 s31, v3;
	_ =	sdelay $0x3  }
0x193: {  	[tilespmem:$0x10A20] =	vst v4  }
0x194: {  	v4 =	vld.idx.msk [tilespmem:v5+s13+$0x0], $0xffff;
	_ =	sdelay $0x2  }
0x195: {  	s26 =	rddreg [dreg:$0xc]  }
0x196: {  	s17 =	sand.u32 $0xFFFFF80, s26;
	s31 =	sand.u32 $0x7F, s25  }
0x197: {  	s0 =	sadd.s32 s1, s17;
	[tilespmem:$0x10A30] =	vst v4;
	v4 =	vor.u32 s31, v0  }
0x198: {  	[tilespmem:s13], [sflag:$0x5] =	stream.strided.gather [hbm4b:s0+s7], $0x2000, s8, s7, $0x38;
	[tilespmem:$0x11080] =	vst v63  }
0x199: {  	_ =	swait.ge [sflag:s19], $0x2000  }
0x19a: {  	[sflag:s19] =	ssyncset.done $0x0  }
0x19b: {  	[sflag:s19] =	ssyncadd.s32 $0xFFFFE000  }
0x19c: {  	v4 =	vld.idx.msk [tilespmem:v4+s14+$0x0], $0xffff  }
0x19d: {  	v5 =	vor.u32 s31, v1;
	_ =	sdelay $0x3  }
0x19e: {  	[tilespmem:$0x10A80] =	vst v4  }
0x19f: {  	v4 =	vld.idx.msk [tilespmem:v5+s14+$0x0], $0xffff  }
0x1a0: {  	v5 =	vor.u32 s31, v2;
	_ =	sdelay $0x3  }
0x1a1: {  	[tilespmem:$0x10A90] =	vst v4  }
0x1a2: {  	v4 =	vld.idx.msk [tilespmem:v5+s14+$0x0], $0xffff  }
0x1a3: {  	v5 =	vor.u32 s31, v3;
	_ =	sdelay $0x3  }
0x1a4: {  	[tilespmem:$0x10AA0] =	vst v4  }
0x1a5: {  	v4 =	vld.idx.msk [tilespmem:v5+s14+$0x0], $0xffff;
	_ =	sdelay $0x2  }
0x1a6: {  	s25 =	rddreg [dreg:$0xb]  }
0x1a7: {  	s17 =	sand.u32 $0x7F, s24;
	s2 =	sand.u32 $0xFFFFF80, s25  }
0x1a8: {  	s0 =	sadd.s32 s1, s2;
	[tilespmem:$0x10AB0] =	vst v4;
	v4 =	vor.u32 s17, v0  }
0x1a9: {  	[tilespmem:s14], [sflag:$0x6] =	stream.strided.gather [hbm4b:s0+s7], $0x2000, s8, s7, $0x38;
	[tilespmem:$0x11080] =	vst v63  }
0x1aa: {  	_ =	swait.ge [sflag:s23], $0x2000  }
0x1ab: {  	[sflag:s23] =	ssyncset.done $0x0  }
0x1ac: {  	[sflag:s23] =	ssyncadd.s32 $0xFFFFE000  }
0x1ad: {  	v4 =	vld.idx.msk [tilespmem:v4+s15+$0x0], $0xffff  }
0x1ae: {  	v5 =	vor.u32 s17, v1;
	_ =	sdelay $0x3  }
0x1af: {  	[tilespmem:$0x10B00] =	vst v4  }
0x1b0: {  	v4 =	vld.idx.msk [tilespmem:v5+s15+$0x0], $0xffff  }
0x1b1: {  	v5 =	vor.u32 s17, v2;
	_ =	sdelay $0x3  }
0x1b2: {  	[tilespmem:$0x10B10] =	vst v4  }
0x1b3: {  	v4 =	vld.idx.msk [tilespmem:v5+s15+$0x0], $0xffff  }
0x1b4: {  	v5 =	vor.u32 s17, v3;
	_ =	sdelay $0x3  }
0x1b5: {  	[tilespmem:$0x10B20] =	vst v4  }
0x1b6: {  	v4 =	vld.idx.msk [tilespmem:v5+s15+$0x0], $0xffff;
	_ =	sdelay $0x2  }
0x1b7: {  	s17 =	rddreg [dreg:$0xa]  }
0x1b8: {  	s31 =	sand.u32 $0x7F, s6;
	s24 =	sand.u32 $0xFFFFF80, s17  }
0x1b9: {  	s0 =	sadd.s32 s1, s24;
	[tilespmem:$0x10B30] =	vst v4;
	v4 =	vor.u32 s31, v0  }
0x1ba: {  	[tilespmem:s15], [sflag:$0x7] =	stream.strided.gather [hbm4b:s0+s7], $0x2000, s8, s7, $0x38;
	[tilespmem:$0x11080] =	vst v63  }
0x1bb: {  	_ =	swait.ge [sflag:s18], $0x2000  }
0x1bc: {  	[sflag:s18] =	ssyncset.done $0x0  }
0x1bd: {  	[sflag:s18] =	ssyncadd.s32 $0xFFFFE000  }
0x1be: {  	v4 =	vld.idx.msk [tilespmem:v4+s16+$0x0], $0xffff  }
0x1bf: {  	v5 =	vor.u32 s31, v1;
	_ =	sdelay $0x3  }
0x1c0: {  	[tilespmem:$0x10B80] =	vst v4  }
0x1c1: {  	v4 =	vld.idx.msk [tilespmem:v5+s16+$0x0], $0xffff  }
0x1c2: {  	v5 =	vor.u32 s31, v2;
	_ =	sdelay $0x3  }
0x1c3: {  	[tilespmem:$0x10B90] =	vst v4  }
0x1c4: {  	v4 =	vld.idx.msk [tilespmem:v5+s16+$0x0], $0xffff  }
0x1c5: {  	v5 =	vor.u32 s31, v3;
	_ =	sdelay $0x3  }
0x1c6: {  	[tilespmem:$0x10BA0] =	vst v4  }
0x1c7: {  	v4 =	vld.idx.msk [tilespmem:v5+s16+$0x0], $0xffff;
	_ =	sdelay $0x2  }
0x1c8: {  	s6 =	rddreg [dreg:$0x9]  }
0x1c9: {  	s4 =	sand.u32 $0x7F, s4;
	s2 =	sand.u32 $0xFFFFF80, s6  }
0x1ca: {  	s0 =	sadd.s32 s1, s2;
	[tilespmem:$0x10BB0] =	vst v4;
	v4 =	vor.u32 s4, v0  }
0x1cb: {  	[tilespmem:s16], [sflag:$0x8] =	stream.strided.gather [hbm4b:s0+s7], $0x2000, s8, s7, $0x38;
	[tilespmem:$0x11080] =	vst v63  }
0x1cc: {  	_ =	swait.ge [sflag:s5], $0x2000  }
0x1cd: {  	[sflag:s5] =	ssyncset.done $0x0  }
0x1ce: {  	[sflag:s5] =	ssyncadd.s32 $0xFFFFE000  }
0x1cf: {  	v4 =	vld.idx.msk [tilespmem:v4+s3+$0x0], $0xffff  }
0x1d0: {  	v5 =	vor.u32 s4, v1;
	_ =	sdelay $0x3  }
0x1d1: {  	[tilespmem:$0x10C00] =	vst v4  }
0x1d2: {  	v4 =	vld.idx.msk [tilespmem:v5+s3+$0x0], $0xffff  }
0x1d3: {  	v5 =	vor.u32 s4, v2;
	_ =	sdelay $0x3  }
0x1d4: {  	[tilespmem:$0x10C10] =	vst v4  }
0x1d5: {  	v4 =	vld.idx.msk [tilespmem:v5+s3+$0x0], $0xffff  }
0x1d6: {  	v5 =	vor.u32 s4, v3;
	_ =	sdelay $0x3  }
0x1d7: {  	[tilespmem:$0x10C20] =	vst v4  }
0x1d8: {  	v4 =	vld.idx.msk [tilespmem:v5+s3+$0x0], $0xffff;
	_ =	sdelay $0x2  }
0x1d9: {  	s4 =	rddreg [dreg:$0x8]  }
0x1da: {  	s30 =	sand.u32 $0x7F, s30;
	s24 =	sand.u32 $0xFFFFF80, s4  }
0x1db: {  	s9 =	simm.s32 $0x2;
	s0 =	sadd.s32 s1, s24;
	[tilespmem:$0x10C30] =	vst v4;
	v4 =	vor.u32 s30, v0  }
0x1dc: {  	[tilespmem:s3], [sflag:$0x9] =	stream.strided.gather [hbm4b:s0+s7], $0x2000, s8, s7, $0x38;
	[tilespmem:$0x11080] =	vst v63  }
0x1dd: {  	_ =	swait.ge [sflag:s9], $0x2000  }
0x1de: {  	[sflag:s9] =	ssyncset.done $0x0  }
0x1df: {  	[sflag:s9] =	ssyncadd.s32 $0xFFFFE000  }
0x1e0: {  	v4 =	vld.idx.msk [tilespmem:v4+s10+$0x0], $0xffff  }
0x1e1: {  	v5 =	vor.u32 s30, v1;
	_ =	sdelay $0x3  }
0x1e2: {  	[tilespmem:$0x10C80] =	vst v4  }
0x1e3: {  	v4 =	vld.idx.msk [tilespmem:v5+s10+$0x0], $0xffff  }
0x1e4: {  	v5 =	vor.u32 s30, v2;
	_ =	sdelay $0x3  }
0x1e5: {  	[tilespmem:$0x10C90] =	vst v4  }
0x1e6: {  	v4 =	vld.idx.msk [tilespmem:v5+s10+$0x0], $0xffff  }
0x1e7: {  	v5 =	vor.u32 s30, v3;
	_ =	sdelay $0x3  }
0x1e8: {  	[tilespmem:$0x10CA0] =	vst v4  }
0x1e9: {  	v4 =	vld.idx.msk [tilespmem:v5+s10+$0x0], $0xffff;
	_ =	sdelay $0x2  }
0x1ea: {  	s31 =	sand.u32 $0x7F, s29  }
0x1eb: {  	v5 =	vor.u32 s31, v0  }
0x1ec: {  	[tilespmem:$0x10CB0] =	vst v4  }
0x1ed: {  	_ =	swait.ge [sflag:s22], $0x2000  }
0x1ee: {  	[sflag:s22] =	ssyncset.done $0x0  }
0x1ef: {  	[sflag:s22] =	ssyncadd.s32 $0xFFFFE000  }
0x1f0: {  	v4 =	vld.idx.msk [tilespmem:v5+s11+$0x0], $0xffff  }
0x1f1: {  	v5 =	vor.u32 s31, v1;
	_ =	sdelay $0x3  }
0x1f2: {  	[tilespmem:$0x10D00] =	vst v4  }
0x1f3: {  	v4 =	vld.idx.msk [tilespmem:v5+s11+$0x0], $0xffff  }
0x1f4: {  	v5 =	vor.u32 s31, v2;
	_ =	sdelay $0x3  }
0x1f5: {  	[tilespmem:$0x10D10] =	vst v4  }
0x1f6: {  	v4 =	vld.idx.msk [tilespmem:v5+s11+$0x0], $0xffff  }
0x1f7: {  	v5 =	vor.u32 s31, v3;
	_ =	sdelay $0x3  }
0x1f8: {  	[tilespmem:$0x10D20] =	vst v4  }
0x1f9: {  	v4 =	vld.idx.msk [tilespmem:v5+s11+$0x0], $0xffff;
	_ =	sdelay $0x2  }
0x1fa: {  	s2 =	sand.u32 $0x7F, s28  }
0x1fb: {  	v5 =	vor.u32 s2, v0  }
0x1fc: {  	[tilespmem:$0x10D30] =	vst v4  }
0x1fd: {  	_ =	swait.ge [sflag:s21], $0x2000  }
0x1fe: {  	[sflag:s21] =	ssyncset.done $0x0  }
0x1ff: {  	[sflag:s21] =	ssyncadd.s32 $0xFFFFE000  }
0x200: {  	v4 =	vld.idx.msk [tilespmem:v5+s12+$0x0], $0xffff  }
0x201: {  	v5 =	vor.u32 s2, v1;
	_ =	sdelay $0x3  }
0x202: {  	[tilespmem:$0x10D80] =	vst v4  }
0x203: {  	v4 =	vld.idx.msk [tilespmem:v5+s12+$0x0], $0xffff  }
0x204: {  	v5 =	vor.u32 s2, v2;
	_ =	sdelay $0x3  }
0x205: {  	[tilespmem:$0x10D90] =	vst v4  }
0x206: {  	v4 =	vld.idx.msk [tilespmem:v5+s12+$0x0], $0xffff  }
0x207: {  	v5 =	vor.u32 s2, v3;
	_ =	sdelay $0x3  }
0x208: {  	[tilespmem:$0x10DA0] =	vst v4  }
0x209: {  	v4 =	vld.idx.msk [tilespmem:v5+s12+$0x0], $0xffff;
	_ =	sdelay $0x2  }
0x20a: {  	s9 =	sand.u32 $0x7F, s26  }
0x20b: {  	v5 =	vor.u32 s9, v0  }
0x20c: {  	[tilespmem:$0x10DB0] =	vst v4  }
0x20d: {  	_ =	swait.ge [sflag:s20], $0x2000  }
0x20e: {  	[sflag:s20] =	ssyncset.done $0x0  }
0x20f: {  	[sflag:s20] =	ssyncadd.s32 $0xFFFFE000  }
0x210: {  	v4 =	vld.idx.msk [tilespmem:v5+s13+$0x0], $0xffff  }
0x211: {  	v5 =	vor.u32 s9, v1;
	_ =	sdelay $0x3  }
0x212: {  	[tilespmem:$0x10E00] =	vst v4  }
0x213: {  	v4 =	vld.idx.msk [tilespmem:v5+s13+$0x0], $0xffff  }
0x214: {  	v5 =	vor.u32 s9, v2;
	_ =	sdelay $0x3  }
0x215: {  	[tilespmem:$0x10E10] =	vst v4  }
0x216: {  	v4 =	vld.idx.msk [tilespmem:v5+s13+$0x0], $0xffff  }
0x217: {  	v5 =	vor.u32 s9, v3;
	_ =	sdelay $0x3  }
0x218: {  	[tilespmem:$0x10E20] =	vst v4  }
0x219: {  	v4 =	vld.idx.msk [tilespmem:v5+s13+$0x0], $0xffff;
	_ =	sdelay $0x2  }
0x21a: {  	s21 =	sand.u32 $0x7F, s25  }
0x21b: {  	v5 =	vor.u32 s21, v0  }
0x21c: {  	[tilespmem:$0x10E30] =	vst v4  }
0x21d: {  	_ =	swait.ge [sflag:s19], $0x2000  }
0x21e: {  	[sflag:s19] =	ssyncset.done $0x0  }
0x21f: {  	[sflag:s19] =	ssyncadd.s32 $0xFFFFE000  }
0x220: {  	v4 =	vld.idx.msk [tilespmem:v5+s14+$0x0], $0xffff  }
0x221: {  	v5 =	vor.u32 s21, v1;
	_ =	sdelay $0x3  }
0x222: {  	[tilespmem:$0x10E80] =	vst v4  }
0x223: {  	v4 =	vld.idx.msk [tilespmem:v5+s14+$0x0], $0xffff  }
0x224: {  	v5 =	vor.u32 s21, v2;
	_ =	sdelay $0x3  }
0x225: {  	[tilespmem:$0x10E90] =	vst v4  }
0x226: {  	v4 =	vld.idx.msk [tilespmem:v5+s14+$0x0], $0xffff  }
0x227: {  	v5 =	vor.u32 s21, v3;
	_ =	sdelay $0x3  }
0x228: {  	[tilespmem:$0x10EA0] =	vst v4  }
0x229: {  	v4 =	vld.idx.msk [tilespmem:v5+s14+$0x0], $0xffff;
	_ =	sdelay $0x2  }
0x22a: {  	s22 =	sand.u32 $0x7F, s17  }
0x22b: {  	v5 =	vor.u32 s22, v0  }
0x22c: {  	[tilespmem:$0x10EB0] =	vst v4  }
0x22d: {  	_ =	swait.ge [sflag:s23], $0x2000  }
0x22e: {  	[sflag:s23] =	ssyncset.done $0x0  }
0x22f: {  	[sflag:s23] =	ssyncadd.s32 $0xFFFFE000  }
0x230: {  	v4 =	vld.idx.msk [tilespmem:v5+s15+$0x0], $0xffff  }
0x231: {  	v5 =	vor.u32 s22, v1;
	_ =	sdelay $0x3  }
0x232: {  	[tilespmem:$0x10F00] =	vst v4  }
0x233: {  	v4 =	vld.idx.msk [tilespmem:v5+s15+$0x0], $0xffff  }
0x234: {  	v5 =	vor.u32 s22, v2;
	_ =	sdelay $0x3  }
0x235: {  	[tilespmem:$0x10F10] =	vst v4  }
0x236: {  	v4 =	vld.idx.msk [tilespmem:v5+s15+$0x0], $0xffff  }
0x237: {  	v5 =	vor.u32 s22, v3;
	_ =	sdelay $0x3  }
0x238: {  	[tilespmem:$0x10F20] =	vst v4  }
0x239: {  	v4 =	vld.idx.msk [tilespmem:v5+s15+$0x0], $0xffff;
	_ =	sdelay $0x2  }
0x23a: {  	s24 =	sand.u32 $0x7F, s6  }
0x23b: {  	v5 =	vor.u32 s24, v0  }
0x23c: {  	[tilespmem:$0x10F30] =	vst v4  }
0x23d: {  	_ =	swait.ge [sflag:s18], $0x2000  }
0x23e: {  	[sflag:s18] =	ssyncset.done $0x0  }
0x23f: {  	[sflag:s18] =	ssyncadd.s32 $0xFFFFE000  }
0x240: {  	v4 =	vld.idx.msk [tilespmem:v5+s16+$0x0], $0xffff  }
0x241: {  	v5 =	vor.u32 s24, v1;
	_ =	sdelay $0x3  }
0x242: {  	[tilespmem:$0x10F80] =	vst v4  }
0x243: {  	v4 =	vld.idx.msk [tilespmem:v5+s16+$0x0], $0xffff  }
0x244: {  	v5 =	vor.u32 s24, v2;
	_ =	sdelay $0x3  }
0x245: {  	[tilespmem:$0x10F90] =	vst v4  }
0x246: {  	v4 =	vld.idx.msk [tilespmem:v5+s16+$0x0], $0xffff  }
0x247: {  	v5 =	vor.u32 s24, v3;
	_ =	sdelay $0x3  }
0x248: {  	[tilespmem:$0x10FA0] =	vst v4  }
0x249: {  	v4 =	vld.idx.msk [tilespmem:v5+s16+$0x0], $0xffff;
	_ =	sdelay $0x2  }
0x24a: {  	s25 =	sand.u32 $0x7F, s4  }
0x24b: {  	v5 =	vor.u32 s25, v0  }
0x24c: {  	[tilespmem:$0x10FB0] =	vst v4  }
0x24d: {  	_ =	swait.ge [sflag:s5], $0x2000  }
0x24e: {  	[sflag:s5] =	ssyncset.done $0x0  }
0x24f: {  	[sflag:s5] =	ssyncadd.s32 $0xFFFFE000  }
0x250: {  	v4 =	vld.idx.msk [tilespmem:v5+s3+$0x0], $0xffff  }
0x251: {  	v5 =	vor.u32 s25, v1;
	_ =	sdelay $0x3  }
0x252: {  	[tilespmem:$0x11000] =	vst v4  }
0x253: {  	v4 =	vld.idx.msk [tilespmem:v5+s3+$0x0], $0xffff  }
0x254: {  	v5 =	vor.u32 s25, v2;
	_ =	sdelay $0x3  }
0x255: {  	[tilespmem:$0x11010] =	vst v4  }
0x256: {  	v4 =	vld.idx.msk [tilespmem:v5+s3+$0x0], $0xffff  }
0x257: {  	v5 =	vor.u32 s25, v3;
	_ =	sdelay $0x3  }
0x258: {  	[tilespmem:$0x11020] =	vst v4  }
0x259: {  	v4 =	vld.idx.msk [tilespmem:v5+s3+$0x0], $0xffff;
	_ =	sdelay $0x2  }
0x25a: {  	s30 =	rddreg [dreg:$0xd]  }
0x25b: {  	s29 =	simm.s32 $0x0;
	s26 =	rddreg [dreg:$0x5];
	p0 =	sne.s32 s30, $0x1  }
.Ltmp0:
0x25c: {  	s31 =	simm.s32 $0xA;
	s28 =	rddreg [dreg:$0x6];
	[tilespmem:$0x11030] =	vst v4;
	(pc) =	sbr.rel @p0 .LBB2_1-.Ltmp0, $4  }
0x25d: {  	[hbm4b:s26+s29] =	stream.linear.scatter [tilespmem:s28], [sflag:$0xA], $0x1000, $0x38;
	[tilespmem:$0x11080] =	vst v63  }
0x25e: {  	_ =	swait.ge [sflag:s31], $0x1000  }
0x25f: {  	[sflag:s31] =	ssyncset.done $0x0  }
0x260: {  	s2 =	sadd.s32 $0xFFFFFFFF, s30;
	[sflag:s31] =	ssyncadd.s32 $0xFFFFF000  }
0x261: {  	_ =	sfence.sel $0x180000  }
0x262: {  	[bflag:$0x0] =	sbarrier.arrive $0xFFFF  }
0x263: {  	_ =	strace $0x90000047  }
0x264: {  	s0 =	stileid.u32;
	[bflag:$0x2] =	sbarrier.arrive $0xFFFF  }
0x265: {  	p0 =	sne.s32 s0, $0x0;
	s0 =	rddreg [dreg:$0x3]  }
0x266: {  	s0 =	sadd.s32 @!p0 $0x100000, s0  }
0x267: {  	[sflag:s0] =	ssyncadd.tile.s32 @!p0 $0x1;
	_ =	shalt  }
.Lfunc_end2:
_tile_overlayer_lowered:
.L_overlay_start_2:
0x268: {  	(tag) =	ssettag $0x2  }
0x269: {  	s0 =	rddreg [dreg:$0x0];
	s2 =	stileid.u32  }
0x26a: {  	s1 =	rddreg [dreg:$0x1];
	p0 =	sne.s32 s2, $0x0  }
0x26b: {  	s3 =	rddreg [dreg:$0x2];
	[bflag:$0x3] =	sbarrier.arrive $0xFFFF;
	s2 =	simm.s32 @!p0 $0x1C0B  }
0x26c: {  	[timem:s3], [sflag:s2] =	dma.local @!p0 [hbm:s0], s1  }
0x26d: {  	s0 =	simm.s32 @!p0 $0xB  }
0x26e: {  	_ =	swait.ge @!p0 [sflag:s0], s1  }
0x26f: {  	s1 =	ssub.s32 @!p0 $0x0, s1;
	[sflag:s0] =	ssyncset.done @!p0 $0x0  }
0x270: {  	[sflag:s0] =	ssyncadd.s32 @!p0 s1  }
0x271: {  	[bflag:$0x3] =	sbarrier.arrive $0xFFFF  }
0x272: {  	_ =	shalt  }

</sc_bundles>
